<compile_context>
chip_gen: v7x
topology: tpu7x:2x2x1
jax: 0.10.2.dev20260603
libtpu: 0.0.44.dev20260713+nightly
codegen_flags: <defaults>
</compile_context>

<pallas_src>
import functools

import jax
import jax.numpy as jnp
from jax import lax
from jax.experimental import pallas as pl
from jax.experimental.pallas import tpu as pltpu
from jax.experimental.pallas import tpu_sc as plsc

f32 = jnp.float32
i32 = jnp.int32

N_NODES = 10000
NP = 10240
E_TOT = 330000
CHUNK = 1024
EP = 344064
D = 128
BN = 512
NEG = -1e30


def _tc_project(xT, wT, sbd, dbd, bias_mat, transposed_in=True):
    nblk = NP // BN
    use_bias = bias_mat is not None

    def body(x_ref, w_ref, s_ref, d_ref, b_ref, h_ref, as_ref, ad_ref,
             ms_ref, md_ref):
        j = pl.program_id(0)
        if transposed_in:
            g = x_ref[...]
            if use_bias:
                g = jnp.maximum(g + b_ref[...][:, 0:1], 0.0)
            h = jnp.dot(w_ref[...], g, preferred_element_type=f32)
        else:
            h = lax.dot_general(w_ref[...], x_ref[...],
                                (((1,), (1,)), ((), ())),
                                preferred_element_type=f32)
        h_ref[...] = h
        asb = jnp.dot(s_ref[...], h, preferred_element_type=f32)
        adb = jnp.dot(d_ref[...], h, preferred_element_type=f32)
        as_ref[...] = asb
        ad_ref[...] = adb

        @pl.when(j == 0)
        def _():
            neg = jnp.full((8, D), NEG, f32)
            ms_ref[...] = neg
            md_ref[...] = neg

        ms_ref[...] = jnp.maximum(ms_ref[...],
                                  jnp.max(asb, axis=1, keepdims=True))
        md_ref[...] = jnp.maximum(md_ref[...],
                                  jnp.max(adb, axis=1, keepdims=True))

    if bias_mat is None:
        bias_mat = jnp.zeros((D, D), f32)
    return pl.pallas_call(
        body,
        grid=(nblk,),
        in_specs=[
            pl.BlockSpec((D, BN), lambda j: (0, j)) if transposed_in
            else pl.BlockSpec((BN, D), lambda j: (j, 0)),
            pl.BlockSpec((D, D), lambda j: (0, 0)),
            pl.BlockSpec((8, D), lambda j: (0, 0)),
            pl.BlockSpec((8, D), lambda j: (0, 0)),
            pl.BlockSpec((D, D), lambda j: (0, 0)),
        ],
        out_specs=[
            pl.BlockSpec((D, BN), lambda j: (0, j)),
            pl.BlockSpec((8, BN), lambda j: (0, j)),
            pl.BlockSpec((8, BN), lambda j: (0, j)),
            pl.BlockSpec((8, D), lambda j: (0, 0)),
            pl.BlockSpec((8, D), lambda j: (0, 0)),
        ],
        out_shape=[
            jax.ShapeDtypeStruct((D, NP), f32),
            jax.ShapeDtypeStruct((8, NP), f32),
            jax.ShapeDtypeStruct((8, NP), f32),
            jax.ShapeDtypeStruct((8, D), f32),
            jax.ShapeDtypeStruct((8, D), f32),
        ],
    )(xT, wT, sbd, dbd, bias_mat)


def _sc_gat_layer(groups, src, dst, asT, adT, hT, mb):
    qpg = 16 // groups
    ept_a = EP // qpg
    nck_a = ept_a // CHUNK
    nck_b = EP // CHUNK
    nv = CHUNK // 16
    nvz = NP // 16
    cpg = 64 // groups
    ST = NP // qpg
    U = 2

    @functools.partial(
        pl.kernel,
        out_type=jax.ShapeDtypeStruct((D * NP,), f32),
        mesh=plsc.VectorSubcoreMesh(core_axis_name="c", subcore_axis_name="s"),
        compiler_params=pltpu.CompilerParams(needs_layout_passes=False),
        scratch_types=[
            pltpu.VMEM((4 * NP,), f32),
            pltpu.VMEM((4 * NP,), f32),
            pltpu.VMEM((NP,), f32),
            pltpu.VMEM((NP,), f32),
            pltpu.VMEM((NP,), f32),
            pltpu.VMEM((ST,), f32),
            pltpu.VMEM((2 * CHUNK,), i32),
            pltpu.VMEM((2 * CHUNK,), i32),
            pltpu.VMEM((128,), f32),
            pltpu.VMEM_SHARED((16 * NP,), f32),
            pltpu.SemaphoreType.DMA((2,)),
            pltpu.SemaphoreType.DMA,
        ],
    )
    def sck(src_h, dst_h, as_h, ad_h, h_h, m_h, out_h,
            htab, otab, astab, adtab, denom, mrgb, srcb, dstb, mv,
            parts_sh, esem, hsem):
        cid = lax.axis_index("c")
        sid = lax.axis_index("s")
        hl = sid // qpg
        q = lax.rem(sid, qpg)
        trow = cid * groups + hl if groups > 1 else 0

        pltpu.sync_copy(as_h.at[pl.ds(pl.multiple_of(trow * NP, 128), NP)],
                        astab)
        pltpu.sync_copy(ad_h.at[pl.ds(pl.multiple_of(trow * NP, 128), NP)],
                        adtab)
        pltpu.sync_copy(m_h.at[pl.ds(pl.multiple_of(trow * 128, 128), 128)],
                        mv)
        astab[pl.ds(N_NODES, 16)] = jnp.full((16,), NEG, f32)
        adtab[pl.ds(N_NODES, 16)] = jnp.full((16,), NEG, f32)
        msub = mv[pl.ds(0, 16)]

        ch0 = cid * 64 + hl * cpg + q * 4
        hcp = pltpu.make_async_copy(
            h_h.at[pl.ds(pl.multiple_of(ch0 * NP, 128), 4 * NP)],
            htab, hsem)
        hcp.start()

        def zo(i, _):
            otab[pl.ds(i * 16, 16)] = jnp.zeros((16,), f32)
            return 0

        lax.fori_loop(0, 4 * nvz, zo, 0)

        def zv(i, _):
            denom[pl.ds(i * 16, 16)] = jnp.zeros((16,), f32)
            return 0

        lax.fori_loop(0, nvz, zv, 0)

        def edge_loop(base, nck, vec_body):
            def issue(k, b):
                off = pl.multiple_of(base + k * CHUNK, 128)
                bb = pl.multiple_of(b * CHUNK, 128)
                pltpu.async_copy(src_h.at[pl.ds(off, CHUNK)],
                                 srcb.at[pl.ds(bb, CHUNK)], esem.at[b])
                pltpu.async_copy(dst_h.at[pl.ds(off, CHUNK)],
                                 dstb.at[pl.ds(bb, CHUNK)], esem.at[b])

            issue(0, 0)
            issue(1, 1)

            def body(k, _):
                b = lax.rem(k, 2)
                bb = pl.multiple_of(b * CHUNK, 128)
                pltpu.make_async_copy(src_h.at[pl.ds(0, CHUNK)],
                                      srcb.at[pl.ds(bb, CHUNK)],
                                      esem.at[b]).wait()
                pltpu.make_async_copy(dst_h.at[pl.ds(0, CHUNK)],
                                      dstb.at[pl.ds(bb, CHUNK)],
                                      esem.at[b]).wait()

                @plsc.parallel_loop(0, nv, step=1, unroll=U)
                def _vloop(i):
                    vec_body(bb, i)

                @pl.when(k + 2 < nck)
                def _():
                    issue(k + 2, b)

                return 0

            lax.fori_loop(0, nck, body, 0)

        def vec_a(bb, iv):
            s16 = srcb[pl.ds(bb + iv * 16, 16)]
            d16 = dstb[pl.ds(bb + iv * 16, 16)]
            av = plsc.load_gather(astab, [s16])
            bv = plsc.load_gather(adtab, [d16])
            al = av + bv
            al = jnp.where(al >= 0.0, al, al * 0.2)
            ex = jnp.exp(al - msub)
            plsc.addupdate_scatter(denom, [d16], ex)

        with jax.named_scope("sc_passA"):
            edge_loop(q * ept_a, nck_a, vec_a)

        pltpu.sync_copy(denom,
                        parts_sh.at[pl.ds(pl.multiple_of(sid * NP, 128), NP)])
        plsc.subcore_barrier()

        so = pl.multiple_of(q * ST, 128)
        row0 = pl.multiple_of(hl * qpg * NP, 128)
        pltpu.sync_copy(parts_sh.at[pl.ds(row0 + so, ST)],
                        denom.at[pl.ds(so, ST)])

        def merge_j(j, _):
            pltpu.sync_copy(
                parts_sh.at[pl.ds(
                    pl.multiple_of((hl * qpg + j) * NP, 128) + so, ST)],
                mrgb)

            def addv(i, _):
                denom[pl.ds(so + i * 16, 16)] = (
                    denom[pl.ds(so + i * 16, 16)] + mrgb[pl.ds(i * 16, 16)])
                return 0

            lax.fori_loop(0, ST // 16, addv, 0)
            return 0

        lax.fori_loop(1, qpg, merge_j, 0)

        def rdv(i, _):
            dv = denom[pl.ds(so + i * 16, 16)]
            denom[pl.ds(so + i * 16, 16)] = 1.0 / (dv + 1e-16)
            return 0

        lax.fori_loop(0, ST // 16, rdv, 0)

        plsc.subcore_barrier()
        pltpu.sync_copy(denom.at[pl.ds(so, ST)],
                        parts_sh.at[pl.ds(row0 + so, ST)])
        plsc.subcore_barrier()
        pltpu.sync_copy(parts_sh.at[pl.ds(row0, NP)], denom)
        hcp.wait()

        def vec_b(bb, iv):
            s16 = srcb[pl.ds(bb + iv * 16, 16)]
            d16 = dstb[pl.ds(bb + iv * 16, 16)]
            av = plsc.load_gather(astab, [s16])
            bv = plsc.load_gather(adtab, [d16])
            al = av + bv
            al = jnp.where(al >= 0.0, al, al * 0.2)
            ex = jnp.exp(al - msub)
            rd = plsc.load_gather(denom, [d16])
            coef = ex * rd
            for r in range(4):
                hv = plsc.load_gather(htab, [s16 + r * NP])
                plsc.addupdate_scatter(otab, [d16 + r * NP], hv * coef)

        with jax.named_scope("sc_passB"):
            edge_loop(0, nck_b, vec_b)

        pltpu.sync_copy(otab,
                        out_h.at[pl.ds(pl.multiple_of(ch0 * NP, 128),
                                       4 * NP)])

    return sck(src, dst, asT, adT, hT, mb)


def _tc_epilogue(outT, b2):
    bn = 2048

    def body(o_ref, b_ref, y_ref):
        y_ref[...] = o_ref[...].T + b_ref[...][0:1, :]

    y = pl.pallas_call(
        body,
        grid=(NP // bn,),
        in_specs=[
            pl.BlockSpec((D, bn), lambda j: (0, j)),
            pl.BlockSpec((8, D), lambda j: (0, 0)),
        ],
        out_specs=pl.BlockSpec((bn, D), lambda j: (j, 0)),
        out_shape=jax.ShapeDtypeStruct((NP, D), f32),
    )(outT, b2)
    return y[:N_NODES]


def kernel(x, edge_index, W1, att_src1, att_dst1, b1,
           W2, att_src2, att_dst2, b2):
    ei = edge_index.astype(i32)
    loop = jnp.arange(N_NODES, dtype=i32)
    padv = jnp.full((EP - E_TOT,), N_NODES, i32)
    src = jnp.concatenate([ei[0], loop, padv])
    dst = jnp.concatenate([ei[1], loop, padv])

    xp = jnp.zeros((NP, D), f32).at[:N_NODES].set(x)

    heads, cph = 8, 16
    cols = (jnp.arange(heads) * cph)[:, None] + jnp.arange(cph)[None, :]
    rows = jnp.arange(heads)[:, None]
    sbd1 = jnp.zeros((heads, D), f32).at[rows, cols].set(
        att_src1.reshape(heads, cph))
    dbd1 = jnp.zeros((heads, D), f32).at[rows, cols].set(
        att_dst1.reshape(heads, cph))

    h1T, as1, ad1, ms1, md1 = _tc_project(xp, W1.T, sbd1, dbd1, None,
                                          transposed_in=False)
    m1 = (ms1 + md1).reshape(-1)
    out1T = _sc_gat_layer(4, src, dst, as1.reshape(-1), ad1.reshape(-1),
                          h1T.reshape(-1), m1).reshape(D, NP)

    sbd2 = jnp.zeros((8, D), f32).at[0].set(att_src2.reshape(D))
    dbd2 = jnp.zeros((8, D), f32).at[0].set(att_dst2.reshape(D))
    b1m = jnp.broadcast_to(b1[:, None], (D, D))
    h2T, as2, ad2, ms2, md2 = _tc_project(out1T, W2.T, sbd2, dbd2, b1m)
    m2 = (ms2 + md2).reshape(-1)
    out2T = _sc_gat_layer(1, src, dst, as2.reshape(-1), ad2.reshape(-1),
                          h2T.reshape(-1), m2).reshape(D, NP)

    b2m = jnp.broadcast_to(b2[None, :], (8, D))
    return _tc_epilogue(out2T, b2m)

# --- scband reference (transcript-rebuilt; emitter-appended) ---
"""Pipeline reference for scband-gat-53592601920047 (READ-ONLY COPY).

The authoritative reference and input builder live on the scoring server;
editing this copy changes nothing except your own understanding.
"""

import jax, jax.numpy as jnp
import numpy as np

N_NODES = 10000
N_EDGES = 320000
D_IN = 128
HID = 16
HEADS = 8
D_OUT = 128


def gat_conv(x, src, dst, W, att_src, att_dst, bias, heads, out_ch, n_nodes):
    # linear projection -> [N, H, C]
    h = (x @ W).reshape(n_nodes, heads, out_ch)
    a_src = (h * att_src).sum(-1)  # [N, H]
    a_dst = (h * att_dst).sum(-1)  # [N, H]
    alpha = a_src[src] + a_dst[dst]  # [E, H]
    alpha = jax.nn.leaky_relu(alpha, negative_slope=0.2)
    # softmax over edges grouped by destination node
    amax = jax.ops.segment_max(alpha, dst, num_segments=n_nodes)
    amax = jnp.where(jnp.isneginf(amax), 0.0, amax)
    ex = jnp.exp(alpha - amax[dst])
    denom = jax.ops.segment_sum(ex, dst, num_segments=n_nodes)
    coef = ex / (denom[dst] + 1e-16)  # [E, H]
    msg = h[src] * coef[:, :, None]  # [E, H, C]
    out = jax.ops.segment_sum(msg, dst, num_segments=n_nodes)  # [N, H, C]
    return out.reshape(n_nodes, heads * out_ch) + bias


def setup_inputs(seed: int = 0) -> dict:
    key = jax.random.key(seed)
    ks = jax.random.split(key, 10)
    x = jax.random.normal(ks[0], (N_NODES, D_IN), dtype=jnp.float32)
    edge_index = jax.random.randint(ks[1], (2, N_EDGES), 0, N_NODES, dtype=jnp.int64 if jax.config.jax_enable_x64 else jnp.int32)
    s = 0.05
    W1 = jax.random.normal(ks[2], (D_IN, HEADS * HID), dtype=jnp.float32) * s
    att_src1 = jax.random.normal(ks[3], (1, HEADS, HID), dtype=jnp.float32) * s
    att_dst1 = jax.random.normal(ks[4], (1, HEADS, HID), dtype=jnp.float32) * s
    b1 = jnp.zeros((HEADS * HID,), dtype=jnp.float32)
    W2 = jax.random.normal(ks[5], (HEADS * HID, 1 * D_OUT), dtype=jnp.float32) * s
    att_src2 = jax.random.normal(ks[6], (1, 1, D_OUT), dtype=jnp.float32) * s
    att_dst2 = jax.random.normal(ks[7], (1, 1, D_OUT), dtype=jnp.float32) * s
    b2 = jnp.zeros((D_OUT,), dtype=jnp.float32)
    return {"x": x, "edge_index": edge_index, "W1": W1, "att_src1": att_src1,
            "att_dst1": att_dst1, "b1": b1, "W2": W2, "att_src2": att_src2,
            "att_dst2": att_dst2, "b2": b2}


def reference(x, edge_index, W1, att_src1, att_dst1, b1, W2, att_src2, att_dst2, b2):
    n = x.shape[0]
    loop = jnp.arange(n, dtype=edge_index.dtype)
    src = jnp.concatenate([edge_index[0], loop])
    dst = jnp.concatenate([edge_index[1], loop])
    # layer 1: GATConv(128 -> 16, heads=8, concat) + ReLU (dropout p=0.0, eval)
    h1 = gat_conv(x, src, dst, W1, att_src1, att_dst1, b1, HEADS, HID, n)
    h1 = jax.nn.relu(h1)
    # layer 2: GATConv(128 -> 128, heads=1)
    out = gat_conv(h1, src, dst, W2, att_src2, att_dst2, b2, 1, D_OUT, n)
    return out

if __name__ == "__main__":
    import jax
    _d = setup_inputs()
    print(jax.jit(kernel)(*tuple(_d.values())))

</pallas_src>

<mosaic_0001>
#map = affine_map<(d0, d1) -> (0)>
module attributes {stable_mosaic.version = 14 : i64} {
  func.func @sck(%arg0: i32, %arg1: i32, %arg2: memref<344064xi32, #tpu.memory_space<hbm>>, %arg3: memref<344064xi32, #tpu.memory_space<hbm>>, %arg4: memref<81920xf32, #tpu.memory_space<hbm>>, %arg5: memref<81920xf32, #tpu.memory_space<hbm>>, %arg6: memref<1310720xf32, #tpu.memory_space<hbm>>, %arg7: memref<1024xf32, #tpu.memory_space<hbm>>, %arg8: memref<1310720xf32, #tpu.memory_space<hbm>>, %arg9: memref<40960xf32, #tpu.memory_space<vmem>>, %arg10: memref<40960xf32, #tpu.memory_space<vmem>>, %arg11: memref<10240xf32, #tpu.memory_space<vmem>>, %arg12: memref<10240xf32, #tpu.memory_space<vmem>>, %arg13: memref<10240xf32, #tpu.memory_space<vmem>>, %arg14: memref<2560xf32, #tpu.memory_space<vmem>>, %arg15: memref<2048xi32, #tpu.memory_space<vmem>>, %arg16: memref<2048xi32, #tpu.memory_space<vmem>>, %arg17: memref<128xf32, #tpu.memory_space<vmem>>, %arg18: memref<163840xf32, #tpu.memory_space<vmem_shared>>, %arg19: memref<2x!tpu.dma_semaphore, #tpu.memory_space<semaphore_mem>>, %arg20: memref<!tpu.dma_semaphore, #tpu.memory_space<semaphore_mem>>) attributes {dimension_semantics = [#tpu.dimension_semantics<core_parallel>, #tpu.dimension_semantics<subcore_parallel>], iteration_bounds = array<i64: 2, 16>, scalar_prefetch = 0 : i64, scratch_operands = 12 : i64, tpu.core_type = #tpu.core_type<sc_vector_subcore>, window_params = [{transform_indices = #map}, {transform_indices = #map}, {transform_indices = #map}, {transform_indices = #map}, {transform_indices = #map}, {transform_indices = #map}, {transform_indices = #map}]} {
    %jit3A = arith.constant 4 : i32
    %div3A = arith.divsi %arg1, %jit3A : i32
    %sign3A = arith.constant 0 : i32
    %sign3A_0 = arith.cmpi sgt, %arg1, %sign3A : i32
    %sign3A_1 = arith.extui %sign3A_0 : i1 to i32
    %sign3A_2 = arith.constant 0 : i32
    %sign3A_3 = arith.cmpi slt, %arg1, %sign3A_2 : i32
    %sign3A_4 = arith.extui %sign3A_3 : i1 to i32
    %sign3A_5 = arith.subi %sign3A_1, %sign3A_4 : i32
    %sign3A_6 = arith.constant 0 : i32
    %sign3A_7 = arith.cmpi sgt, %jit3A, %sign3A_6 : i32
    %sign3A_8 = arith.extui %sign3A_7 : i1 to i32
    %sign3A_9 = arith.constant 0 : i32
    %sign3A_10 = arith.cmpi slt, %jit3A, %sign3A_9 : i32
    %sign3A_11 = arith.extui %sign3A_10 : i1 to i32
    %sign3A_12 = arith.subi %sign3A_8, %sign3A_11 : i32
    %ne3A = arith.cmpi ne, %sign3A_5, %sign3A_12 : i32
    %rem3A = arith.remsi %arg1, %jit3A : i32
    %ne3A_13 = arith.constant 0 : i32
    %ne3A_14 = arith.cmpi ne, %rem3A, %ne3A_13 : i32
    %and3A = arith.andi %ne3A, %ne3A_14 : i1
    %sub3A = arith.constant 1 : i32
    %sub3A_15 = arith.subi %div3A, %sub3A : i32
    %select_n3A = arith.select %and3A, %sub3A_15, %div3A : i32
    %rem3A_16 = arith.constant 4 : i32
    %rem3A_17 = arith.remsi %arg1, %rem3A_16 : i32
    %mul3A = arith.constant 4 : i32
    %mul3A_18 = arith.muli %arg0, %mul3A : i32
    %add3A = arith.addi %mul3A_18, %select_n3A : i32
    %mul3A_19 = arith.constant 10240 : i32
    %mul3A_20 = arith.muli %add3A, %mul3A_19 : i32
    %multiple_of3A = tpu.assume_multiple %mul3A_20, 128 : i32
    "tpu.region"() ({
      %run_scoped3A = tpu.sem_alloc : memref<!tpu.dma_semaphore, #tpu.memory_space<semaphore_mem>>
      %dma_start3A_182 = tpu.memref_slice %arg4[%multiple_of3A] : memref<81920xf32, #tpu.memory_space<hbm>> -> memref<10240xf32, #tpu.memory_space<hbm>>
      %dma_start3A_183 = tpu.memref_slice %arg4[%multiple_of3A] : memref<81920xf32, #tpu.memory_space<hbm>> -> memref<10240xf32, #tpu.memory_space<hbm>>
      tpu.enqueue_dma source(%dma_start3A_183 : memref<10240xf32, #tpu.memory_space<hbm>>) target(%arg11 : memref<10240xf32, #tpu.memory_space<vmem>>) target_semaphore(%run_scoped3A : memref<!tpu.dma_semaphore, #tpu.memory_space<semaphore_mem>>)
      %dma_wait3A_184 = tpu.memref_slice %arg4[%multiple_of3A] : memref<81920xf32, #tpu.memory_space<hbm>> -> memref<10240xf32, #tpu.memory_space<hbm>>
      %dma_wait3A_185 = tpu.memref_slice %arg4[%multiple_of3A] : memref<81920xf32, #tpu.memory_space<hbm>> -> memref<10240xf32, #tpu.memory_space<hbm>>
      tpu.wait_dma2 semaphore(%run_scoped3A : memref<!tpu.dma_semaphore, #tpu.memory_space<semaphore_mem>>) src(%dma_wait3A_185 : memref<10240xf32, #tpu.memory_space<hbm>>) dst(%arg11 : memref<10240xf32, #tpu.memory_space<vmem>>)
      tpu.yield
    }) : () -> ()
    %mul3A_21 = arith.constant 10240 : i32
    %mul3A_22 = arith.muli %add3A, %mul3A_21 : i32
    %multiple_of3A_23 = tpu.assume_multiple %mul3A_22, 128 : i32
    "tpu.region"() ({
      %run_scoped3A = tpu.sem_alloc : memref<!tpu.dma_semaphore, #tpu.memory_space<semaphore_mem>>
      %dma_start3A_182 = tpu.memref_slice %arg5[%multiple_of3A_23] : memref<81920xf32, #tpu.memory_space<hbm>> -> memref<10240xf32, #tpu.memory_space<hbm>>
      %dma_start3A_183 = tpu.memref_slice %arg5[%multiple_of3A_23] : memref<81920xf32, #tpu.memory_space<hbm>> -> memref<10240xf32, #tpu.memory_space<hbm>>
      tpu.enqueue_dma source(%dma_start3A_183 : memref<10240xf32, #tpu.memory_space<hbm>>) target(%arg12 : memref<10240xf32, #tpu.memory_space<vmem>>) target_semaphore(%run_scoped3A : memref<!tpu.dma_semaphore, #tpu.memory_space<semaphore_mem>>)
      %dma_wait3A_184 = tpu.memref_slice %arg5[%multiple_of3A_23] : memref<81920xf32, #tpu.memory_space<hbm>> -> memref<10240xf32, #tpu.memory_space<hbm>>
      %dma_wait3A_185 = tpu.memref_slice %arg5[%multiple_of3A_23] : memref<81920xf32, #tpu.memory_space<hbm>> -> memref<10240xf32, #tpu.memory_space<hbm>>
      tpu.wait_dma2 semaphore(%run_scoped3A : memref<!tpu.dma_semaphore, #tpu.memory_space<semaphore_mem>>) src(%dma_wait3A_185 : memref<10240xf32, #tpu.memory_space<hbm>>) dst(%arg12 : memref<10240xf32, #tpu.memory_space<vmem>>)
      tpu.yield
    }) : () -> ()
    %mul3A_24 = arith.constant 128 : i32
    %mul3A_25 = arith.muli %add3A, %mul3A_24 : i32
    %multiple_of3A_26 = tpu.assume_multiple %mul3A_25, 128 : i32
    "tpu.region"() ({
      %run_scoped3A = tpu.sem_alloc : memref<!tpu.dma_semaphore, #tpu.memory_space<semaphore_mem>>
      %dma_start3A_182 = tpu.memref_slice %arg7[%multiple_of3A_26] : memref<1024xf32, #tpu.memory_space<hbm>> -> memref<128xf32, #tpu.memory_space<hbm>>
      %dma_start3A_183 = tpu.memref_slice %arg7[%multiple_of3A_26] : memref<1024xf32, #tpu.memory_space<hbm>> -> memref<128xf32, #tpu.memory_space<hbm>>
      tpu.enqueue_dma source(%dma_start3A_183 : memref<128xf32, #tpu.memory_space<hbm>>) target(%arg17 : memref<128xf32, #tpu.memory_space<vmem>>) target_semaphore(%run_scoped3A : memref<!tpu.dma_semaphore, #tpu.memory_space<semaphore_mem>>)
      %dma_wait3A_184 = tpu.memref_slice %arg7[%multiple_of3A_26] : memref<1024xf32, #tpu.memory_space<hbm>> -> memref<128xf32, #tpu.memory_space<hbm>>
      %dma_wait3A_185 = tpu.memref_slice %arg7[%multiple_of3A_26] : memref<1024xf32, #tpu.memory_space<hbm>> -> memref<128xf32, #tpu.memory_space<hbm>>
      tpu.wait_dma2 semaphore(%run_scoped3A : memref<!tpu.dma_semaphore, #tpu.memory_space<semaphore_mem>>) src(%dma_wait3A_185 : memref<128xf32, #tpu.memory_space<hbm>>) dst(%arg17 : memref<128xf32, #tpu.memory_space<vmem>>)
      tpu.yield
    }) : () -> ()
    %broadcast_in_dim3A = arith.constant -1.000000e+30 : f32
    %broadcast_in_dim3A_27 = vector.broadcast %broadcast_in_dim3A : f32 to vector<16xf32>
    %swap3A = arith.constant 10000 : index
    %swap3A_28 = tpu.vector_load %arg11[%swap3A] {strides = array<i32>} : memref<10240xf32, #tpu.memory_space<vmem>>, vector<16xf32>,
    tpu.vector_store %arg11[%swap3A], %broadcast_in_dim3A_27 {strides = array<i32>} : memref<10240xf32, #tpu.memory_space<vmem>>, vector<16xf32>,
    %broadcast_in_dim3A_29 = arith.constant -1.000000e+30 : f32
    %broadcast_in_dim3A_30 = vector.broadcast %broadcast_in_dim3A_29 : f32 to vector<16xf32>
    %swap3A_31 = arith.constant 10000 : index
    %swap3A_32 = tpu.vector_load %arg12[%swap3A_31] {strides = array<i32>} : memref<10240xf32, #tpu.memory_space<vmem>>, vector<16xf32>,
    tpu.vector_store %arg12[%swap3A_31], %broadcast_in_dim3A_30 {strides = array<i32>} : memref<10240xf32, #tpu.memory_space<vmem>>, vector<16xf32>,
    %get3A = arith.constant 0 : index
    %get3A_33 = tpu.vector_load %arg17[%get3A] {strides = array<i32>} : memref<128xf32, #tpu.memory_space<vmem>>, vector<16xf32>,
    %mul3A_34 = arith.constant 64 : i32
    %mul3A_35 = arith.muli %arg0, %mul3A_34 : i32
    %mul3A_36 = arith.constant 16 : i32
    %mul3A_37 = arith.muli %select_n3A, %mul3A_36 : i32
    %add3A_38 = arith.addi %mul3A_35, %mul3A_37 : i32
    %mul3A_39 = arith.constant 4 : i32
    %mul3A_40 = arith.muli %rem3A_17, %mul3A_39 : i32
    %add3A_41 = arith.addi %add3A_38, %mul3A_40 : i32
    %mul3A_42 = arith.constant 10240 : i32
    %mul3A_43 = arith.muli %add3A_41, %mul3A_42 : i32
    %multiple_of3A_44 = tpu.assume_multiple %mul3A_43, 128 : i32
    %dma_start3A = tpu.memref_slice %arg6[%multiple_of3A_44] : memref<1310720xf32, #tpu.memory_space<hbm>> -> memref<40960xf32, #tpu.memory_space<hbm>>
    %dma_start3A_45 = tpu.memref_slice %arg6[%multiple_of3A_44] : memref<1310720xf32, #tpu.memory_space<hbm>> -> memref<40960xf32, #tpu.memory_space<hbm>>
    tpu.enqueue_dma source(%dma_start3A_45 : memref<40960xf32, #tpu.memory_space<hbm>>) target(%arg9 : memref<40960xf32, #tpu.memory_space<vmem>>) target_semaphore(%arg20 : memref<!tpu.dma_semaphore, #tpu.memory_space<semaphore_mem>>)
    %scan3A = arith.constant 0 : i32
    %scan3A_46 = arith.constant 0 : i32
    %scan3A_47 = arith.constant 2560 : i32
    %scan3A_48 = arith.addi %scan3A_46, %scan3A_47 : i32
    %scan3A_49 = arith.constant 1 : i32
    %scan3A_50 = scf.for %scan3A_182 = %scan3A_46 to %scan3A_48 step %scan3A_49 iter_args(%scan3A_183 = %scan3A) -> (i32)  : i32 {
      %broadcast_in_dim3A_184 = arith.constant 0.000000e+00 : f32
      %broadcast_in_dim3A_185 = vector.broadcast %broadcast_in_dim3A_184 : f32 to vector<16xf32>
      %mul3A_186 = arith.constant 16 : i32
      %mul3A_187 = arith.muli %scan3A_182, %mul3A_186 : i32
      %swap3A_188 = arith.index_cast %mul3A_187 : i32 to index
      %swap3A_189 = tpu.vector_load %arg10[%swap3A_188] {strides = array<i32>} : memref<40960xf32, #tpu.memory_space<vmem>>, vector<16xf32>,
      tpu.vector_store %arg10[%swap3A_188], %broadcast_in_dim3A_185 {strides = array<i32>} : memref<40960xf32, #tpu.memory_space<vmem>>, vector<16xf32>,
      %scan3A_190 = arith.constant 0 : i32
      scf.yield %scan3A_190 : i32
    }
    %scan3A_51 = arith.constant 2560 : i32
    %scan3A_52 = arith.constant 0 : i32
    %scan3A_53 = arith.constant 0 : i32
    %scan3A_54 = arith.constant 640 : i32
    %scan3A_55 = arith.addi %scan3A_53, %scan3A_54 : i32
    %scan3A_56 = arith.constant 1 : i32
    %scan3A_57 = scf.for %scan3A_182 = %scan3A_53 to %scan3A_55 step %scan3A_56 iter_args(%scan3A_183 = %scan3A_52) -> (i32)  : i32 {
      %broadcast_in_dim3A_184 = arith.constant 0.000000e+00 : f32
      %broadcast_in_dim3A_185 = vector.broadcast %broadcast_in_dim3A_184 : f32 to vector<16xf32>
      %mul3A_186 = arith.constant 16 : i32
      %mul3A_187 = arith.muli %scan3A_182, %mul3A_186 : i32
      %swap3A_188 = arith.index_cast %mul3A_187 : i32 to index
      %swap3A_189 = tpu.vector_load %arg13[%swap3A_188] {strides = array<i32>} : memref<10240xf32, #tpu.memory_space<vmem>>, vector<16xf32>,
      tpu.vector_store %arg13[%swap3A_188], %broadcast_in_dim3A_185 {strides = array<i32>} : memref<10240xf32, #tpu.memory_space<vmem>>, vector<16xf32>,
      %scan3A_190 = arith.constant 0 : i32
      scf.yield %scan3A_190 : i32
    }
    %scan3A_58 = arith.constant 640 : i32
    "tpu.trace_start"() <{level = 10 : i32, message = "sc_passA"}> : () -> ()
    %mul3A_59 = arith.constant 86016 : i32
    %mul3A_60 = arith.muli %rem3A_17, %mul3A_59 : i32
    %add3A_61 = arith.constant 0 : i32
    %add3A_62 = arith.addi %mul3A_60, %add3A_61 : i32
    %multiple_of3A_63 = tpu.assume_multiple %add3A_62, 128 : i32
    %multiple_of3A_64 = arith.constant 0 : i32
    %multiple_of3A_65 = tpu.assume_multiple %multiple_of3A_64, 128 : i32
    %dma_start3A_66 = arith.constant 0 : i32
    %dma_start3A_67 = tpu.memref_slice %arg15[%multiple_of3A_65] : memref<2048xi32, #tpu.memory_space<vmem>> -> memref<1024xi32, #tpu.memory_space<vmem>>
    %dma_start3A_68 = tpu.memref_slice %arg2[%multiple_of3A_63] : memref<344064xi32, #tpu.memory_space<hbm>> -> memref<1024xi32, #tpu.memory_space<hbm>>
    %dma_start3A_69 = tpu.memref_slice %arg19[%dma_start3A_66] : memref<2x!tpu.dma_semaphore, #tpu.memory_space<semaphore_mem>> -> memref<1x!tpu.dma_semaphore, #tpu.memory_space<semaphore_mem>>
    %dma_start3A_70 = tpu.memref_squeeze %dma_start3A_69 : memref<1x!tpu.dma_semaphore, #tpu.memory_space<semaphore_mem>> -> memref<!tpu.dma_semaphore, #tpu.memory_space<semaphore_mem>>
    %dma_start3A_71 = tpu.memref_slice %arg15[%multiple_of3A_65] : memref<2048xi32, #tpu.memory_space<vmem>> -> memref<1024xi32, #tpu.memory_space<vmem>>
    %dma_start3A_72 = tpu.memref_slice %arg2[%multiple_of3A_63] : memref<344064xi32, #tpu.memory_space<hbm>> -> memref<1024xi32, #tpu.memory_space<hbm>>
    tpu.enqueue_dma source(%dma_start3A_72 : memref<1024xi32, #tpu.memory_space<hbm>>) target(%dma_start3A_71 : memref<1024xi32, #tpu.memory_space<vmem>>) target_semaphore(%dma_start3A_70 : memref<!tpu.dma_semaphore, #tpu.memory_space<semaphore_mem>>)
    %dma_start3A_73 = arith.constant 0 : i32
    %dma_start3A_74 = tpu.memref_slice %arg16[%multiple_of3A_65] : memref<2048xi32, #tpu.memory_space<vmem>> -> memref<1024xi32, #tpu.memory_space<vmem>>
    %dma_start3A_75 = tpu.memref_slice %arg3[%multiple_of3A_63] : memref<344064xi32, #tpu.memory_space<hbm>> -> memref<1024xi32, #tpu.memory_space<hbm>>
    %dma_start3A_76 = tpu.memref_slice %arg19[%dma_start3A_73] : memref<2x!tpu.dma_semaphore, #tpu.memory_space<semaphore_mem>> -> memref<1x!tpu.dma_semaphore, #tpu.memory_space<semaphore_mem>>
    %dma_start3A_77 = tpu.memref_squeeze %dma_start3A_76 : memref<1x!tpu.dma_semaphore, #tpu.memory_space<semaphore_mem>> -> memref<!tpu.dma_semaphore, #tpu.memory_space<semaphore_mem>>
    %dma_start3A_78 = tpu.memref_slice %arg16[%multiple_of3A_65] : memref<2048xi32, #tpu.memory_space<vmem>> -> memref<1024xi32, #tpu.memory_space<vmem>>
    %dma_start3A_79 = tpu.memref_slice %arg3[%multiple_of3A_63] : memref<344064xi32, #tpu.memory_space<hbm>> -> memref<1024xi32, #tpu.memory_space<hbm>>
    tpu.enqueue_dma source(%dma_start3A_79 : memref<1024xi32, #tpu.memory_space<hbm>>) target(%dma_start3A_78 : memref<1024xi32, #tpu.memory_space<vmem>>) target_semaphore(%dma_start3A_77 : memref<!tpu.dma_semaphore, #tpu.memory_space<semaphore_mem>>)
    %add3A_80 = arith.constant 1024 : i32
    %add3A_81 = arith.addi %mul3A_60, %add3A_80 : i32
    %multiple_of3A_82 = tpu.assume_multiple %add3A_81, 128 : i32
    %multiple_of3A_83 = arith.constant 1024 : i32
    %multiple_of3A_84 = tpu.assume_multiple %multiple_of3A_83, 128 : i32
    %dma_start3A_85 = arith.constant 1 : i32
    %dma_start3A_86 = tpu.memref_slice %arg15[%multiple_of3A_84] : memref<2048xi32, #tpu.memory_space<vmem>> -> memref<1024xi32, #tpu.memory_space<vmem>>
    %dma_start3A_87 = tpu.memref_slice %arg2[%multiple_of3A_82] : memref<344064xi32, #tpu.memory_space<hbm>> -> memref<1024xi32, #tpu.memory_space<hbm>>
    %dma_start3A_88 = tpu.memref_slice %arg19[%dma_start3A_85] : memref<2x!tpu.dma_semaphore, #tpu.memory_space<semaphore_mem>> -> memref<1x!tpu.dma_semaphore, #tpu.memory_space<semaphore_mem>>
    %dma_start3A_89 = tpu.memref_squeeze %dma_start3A_88 : memref<1x!tpu.dma_semaphore, #tpu.memory_space<semaphore_mem>> -> memref<!tpu.dma_semaphore, #tpu.memory_space<semaphore_mem>>
    %dma_start3A_90 = tpu.memref_slice %arg15[%multiple_of3A_84] : memref<2048xi32, #tpu.memory_space<vmem>> -> memref<1024xi32, #tpu.memory_space<vmem>>
    %dma_start3A_91 = tpu.memref_slice %arg2[%multiple_of3A_82] : memref<344064xi32, #tpu.memory_space<hbm>> -> memref<1024xi32, #tpu.memory_space<hbm>>
    tpu.enqueue_dma source(%dma_start3A_91 : memref<1024xi32, #tpu.memory_space<hbm>>) target(%dma_start3A_90 : memref<1024xi32, #tpu.memory_space<vmem>>) target_semaphore(%dma_start3A_89 : memref<!tpu.dma_semaphore, #tpu.memory_space<semaphore_mem>>)
    %dma_start3A_92 = arith.constant 1 : i32
    %dma_start3A_93 = tpu.memref_slice %arg16[%multiple_of3A_84] : memref<2048xi32, #tpu.memory_space<vmem>> -> memref<1024xi32, #tpu.memory_space<vmem>>
    %dma_start3A_94 = tpu.memref_slice %arg3[%multiple_of3A_82] : memref<344064xi32, #tpu.memory_space<hbm>> -> memref<1024xi32, #tpu.memory_space<hbm>>
    %dma_start3A_95 = tpu.memref_slice %arg19[%dma_start3A_92] : memref<2x!tpu.dma_semaphore, #tpu.memory_space<semaphore_mem>> -> memref<1x!tpu.dma_semaphore, #tpu.memory_space<semaphore_mem>>
    %dma_start3A_96 = tpu.memref_squeeze %dma_start3A_95 : memref<1x!tpu.dma_semaphore, #tpu.memory_space<semaphore_mem>> -> memref<!tpu.dma_semaphore, #tpu.memory_space<semaphore_mem>>
    %dma_start3A_97 = tpu.memref_slice %arg16[%multiple_of3A_84] : memref<2048xi32, #tpu.memory_space<vmem>> -> memref<1024xi32, #tpu.memory_space<vmem>>
    %dma_start3A_98 = tpu.memref_slice %arg3[%multiple_of3A_82] : memref<344064xi32, #tpu.memory_space<hbm>> -> memref<1024xi32, #tpu.memory_space<hbm>>
    tpu.enqueue_dma source(%dma_start3A_98 : memref<1024xi32, #tpu.memory_space<hbm>>) target(%dma_start3A_97 : memref<1024xi32, #tpu.memory_space<vmem>>) target_semaphore(%dma_start3A_96 : memref<!tpu.dma_semaphore, #tpu.memory_space<semaphore_mem>>)
    %scan3A_99 = arith.constant 0 : i32
    %scan3A_100 = arith.constant 0 : i32
    %scan3A_101 = arith.constant 84 : i32
    %scan3A_102 = arith.addi %scan3A_100, %scan3A_101 : i32
    %scan3A_103 = arith.constant 1 : i32
    %scan3A_104 = scf.for %scan3A_182 = %scan3A_100 to %scan3A_102 step %scan3A_103 iter_args(%scan3A_183 = %scan3A_99) -> (i32)  : i32 {
      %rem3A_184 = arith.constant 2 : i32
      %rem3A_185 = arith.remsi %scan3A_182, %rem3A_184 : i32
      %mul3A_186 = arith.constant 1024 : i32
      %mul3A_187 = arith.muli %rem3A_185, %mul3A_186 : i32
      %multiple_of3A_188 = tpu.assume_multiple %mul3A_187, 128 : i32
      %dma_wait3A_189 = tpu.memref_slice %arg15[%multiple_of3A_188] : memref<2048xi32, #tpu.memory_space<vmem>> -> memref<1024xi32, #tpu.memory_space<vmem>>
      %dma_wait3A_190 = arith.constant 0 : i32
      %dma_wait3A_191 = tpu.memref_slice %arg2[%dma_wait3A_190] : memref<344064xi32, #tpu.memory_space<hbm>> -> memref<1024xi32, #tpu.memory_space<hbm>>
      %dma_wait3A_192 = tpu.memref_slice %arg19[%rem3A_185] : memref<2x!tpu.dma_semaphore, #tpu.memory_space<semaphore_mem>> -> memref<1x!tpu.dma_semaphore, #tpu.memory_space<semaphore_mem>>
      %dma_wait3A_193 = tpu.memref_squeeze %dma_wait3A_192 : memref<1x!tpu.dma_semaphore, #tpu.memory_space<semaphore_mem>> -> memref<!tpu.dma_semaphore, #tpu.memory_space<semaphore_mem>>
      %dma_wait3A_194 = tpu.memref_slice %arg15[%multiple_of3A_188] : memref<2048xi32, #tpu.memory_space<vmem>> -> memref<1024xi32, #tpu.memory_space<vmem>>
      %dma_wait3A_195 = arith.constant 0 : i32
      %dma_wait3A_196 = tpu.memref_slice %arg2[%dma_wait3A_195] : memref<344064xi32, #tpu.memory_space<hbm>> -> memref<1024xi32, #tpu.memory_space<hbm>>
      tpu.wait_dma2 semaphore(%dma_wait3A_193 : memref<!tpu.dma_semaphore, #tpu.memory_space<semaphore_mem>>) src(%dma_wait3A_196 : memref<1024xi32, #tpu.memory_space<hbm>>) dst(%dma_wait3A_194 : memref<1024xi32, #tpu.memory_space<vmem>>)
      %dma_wait3A_197 = tpu.memref_slice %arg16[%multiple_of3A_188] : memref<2048xi32, #tpu.memory_space<vmem>> -> memref<1024xi32, #tpu.memory_space<vmem>>
      %dma_wait3A_198 = arith.constant 0 : i32
      %dma_wait3A_199 = tpu.memref_slice %arg3[%dma_wait3A_198] : memref<344064xi32, #tpu.memory_space<hbm>> -> memref<1024xi32, #tpu.memory_space<hbm>>
      %dma_wait3A_200 = tpu.memref_slice %arg19[%rem3A_185] : memref<2x!tpu.dma_semaphore, #tpu.memory_space<semaphore_mem>> -> memref<1x!tpu.dma_semaphore, #tpu.memory_space<semaphore_mem>>
      %dma_wait3A_201 = tpu.memref_squeeze %dma_wait3A_200 : memref<1x!tpu.dma_semaphore, #tpu.memory_space<semaphore_mem>> -> memref<!tpu.dma_semaphore, #tpu.memory_space<semaphore_mem>>
      %dma_wait3A_202 = tpu.memref_slice %arg16[%multiple_of3A_188] : memref<2048xi32, #tpu.memory_space<vmem>> -> memref<1024xi32, #tpu.memory_space<vmem>>
      %dma_wait3A_203 = arith.constant 0 : i32
      %dma_wait3A_204 = tpu.memref_slice %arg3[%dma_wait3A_203] : memref<344064xi32, #tpu.memory_space<hbm>> -> memref<1024xi32, #tpu.memory_space<hbm>>
      tpu.wait_dma2 semaphore(%dma_wait3A_201 : memref<!tpu.dma_semaphore, #tpu.memory_space<semaphore_mem>>) src(%dma_wait3A_204 : memref<1024xi32, #tpu.memory_space<hbm>>) dst(%dma_wait3A_202 : memref<1024xi32, #tpu.memory_space<vmem>>)
      %parallel_loop3A = arith.constant 0 : i32
      %parallel_loop3A_205 = arith.constant 64 : i32
      %parallel_loop3A_206 = arith.constant 1 : i32
      scf.for %parallel_loop3A_212 = %parallel_loop3A to %parallel_loop3A_205 step %parallel_loop3A_206  : i32 {
        %parallel_loop3A_213 = arith.constant 16 : i32
        %parallel_loop3A_214 = arith.muli %parallel_loop3A_212, %parallel_loop3A_213 : i32
        %parallel_loop3A_215 = arith.addi %multiple_of3A_188, %parallel_loop3A_214 : i32
        %parallel_loop3A_216 = arith.index_cast %parallel_loop3A_215 : i32 to index
        %parallel_loop3A_217 = tpu.vector_load %arg15[%parallel_loop3A_216] {strides = array<i32>} : memref<2048xi32, #tpu.memory_space<vmem>>, vector<16xi32>,
        %parallel_loop3A_218 = arith.constant 16 : i32
        %parallel_loop3A_219 = arith.muli %parallel_loop3A_212, %parallel_loop3A_218 : i32
        %parallel_loop3A_220 = arith.addi %multiple_of3A_188, %parallel_loop3A_219 : i32
        %parallel_loop3A_221 = arith.index_cast %parallel_loop3A_220 : i32 to index
        %parallel_loop3A_222 = tpu.vector_load %arg16[%parallel_loop3A_221] {strides = array<i32>} : memref<2048xi32, #tpu.memory_space<vmem>>, vector<16xi32>,
        %parallel_loop3A_223 = tpu.vector_load_idx %arg11[%parallel_loop3A_217] : memref<10240xf32, #tpu.memory_space<vmem>>[vector<16xi32>], vector<16xf32>,
        %parallel_loop3A_224 = tpu.vector_load_idx %arg12[%parallel_loop3A_222] : memref<10240xf32, #tpu.memory_space<vmem>>[vector<16xi32>], vector<16xf32>,
        %parallel_loop3A_225 = arith.addf %parallel_loop3A_223, %parallel_loop3A_224 : vector<16xf32>
        %parallel_loop3A_226 = arith.constant 0.000000e+00 : f32
        %parallel_loop3A_227 = vector.broadcast %parallel_loop3A_226 : f32 to vector<16xf32>
        %parallel_loop3A_228 = arith.cmpf oge, %parallel_loop3A_225, %parallel_loop3A_227 : vector<16xf32>
        %parallel_loop3A_229 = arith.constant 2.000000e-01 : f32
        %parallel_loop3A_230 = vector.broadcast %parallel_loop3A_229 : f32 to vector<16xf32>
        %parallel_loop3A_231 = arith.mulf %parallel_loop3A_225, %parallel_loop3A_230 : vector<16xf32>
        %parallel_loop3A_232 = arith.select %parallel_loop3A_228, %parallel_loop3A_225, %parallel_loop3A_231 : vector<16xi1>, vector<16xf32>
        %parallel_loop3A_233 = arith.subf %parallel_loop3A_232, %get3A_33 : vector<16xf32>
        %parallel_loop3A_234 = math.exp %parallel_loop3A_233 : vector<16xf32>
        tpu.vector_store_idx %arg13[%parallel_loop3A_222], %parallel_loop3A_234 {add = true} : memref<10240xf32, #tpu.memory_space<vmem>>[vector<16xi32>], vector<16xf32>,
      } {sc.loop_unroll_factor = 2 : i64, sc.parallel_access}
      %add3A_207 = arith.constant 2 : i32
      %add3A_208 = arith.addi %scan3A_182, %add3A_207 : i32
      %lt3A = arith.constant 84 : i32
      %lt3A_209 = arith.cmpi slt, %add3A_208, %lt3A : i32
      %convert_element_type3A = arith.extui %lt3A_209 : i1 to i32
      %cond3A = arith.constant 0 : i32
      %cond3A_210 = arith.cmpi ne, %convert_element_type3A, %cond3A : i32
      scf.if %cond3A_210 {
        %add3A_212 = arith.constant 2 : i32
        %add3A_213 = arith.addi %scan3A_182, %add3A_212 : i32
        %mul3A_214 = arith.constant 1024 : i32
        %mul3A_215 = arith.muli %add3A_213, %mul3A_214 : i32
        %add3A_216 = arith.addi %mul3A_60, %mul3A_215 : i32
        %multiple_of3A_217 = tpu.assume_multiple %add3A_216, 128 : i32
        %mul3A_218 = arith.constant 1024 : i32
        %mul3A_219 = arith.muli %rem3A_185, %mul3A_218 : i32
        %multiple_of3A_220 = tpu.assume_multiple %mul3A_219, 128 : i32
        %dma_start3A_221 = tpu.memref_slice %arg15[%multiple_of3A_220] : memref<2048xi32, #tpu.memory_space<vmem>> -> memref<1024xi32, #tpu.memory_space<vmem>>
        %dma_start3A_222 = tpu.memref_slice %arg2[%multiple_of3A_217] : memref<344064xi32, #tpu.memory_space<hbm>> -> memref<1024xi32, #tpu.memory_space<hbm>>
        %dma_start3A_223 = tpu.memref_slice %arg19[%rem3A_185] : memref<2x!tpu.dma_semaphore, #tpu.memory_space<semaphore_mem>> -> memref<1x!tpu.dma_semaphore, #tpu.memory_space<semaphore_mem>>
        %dma_start3A_224 = tpu.memref_squeeze %dma_start3A_223 : memref<1x!tpu.dma_semaphore, #tpu.memory_space<semaphore_mem>> -> memref<!tpu.dma_semaphore, #tpu.memory_space<semaphore_mem>>
        %dma_start3A_225 = tpu.memref_slice %arg15[%multiple_of3A_220] : memref<2048xi32, #tpu.memory_space<vmem>> -> memref<1024xi32, #tpu.memory_space<vmem>>
        %dma_start3A_226 = tpu.memref_slice %arg2[%multiple_of3A_217] : memref<344064xi32, #tpu.memory_space<hbm>> -> memref<1024xi32, #tpu.memory_space<hbm>>
        tpu.enqueue_dma source(%dma_start3A_226 : memref<1024xi32, #tpu.memory_space<hbm>>) target(%dma_start3A_225 : memref<1024xi32, #tpu.memory_space<vmem>>) target_semaphore(%dma_start3A_224 : memref<!tpu.dma_semaphore, #tpu.memory_space<semaphore_mem>>)
        %dma_start3A_227 = tpu.memref_slice %arg16[%multiple_of3A_220] : memref<2048xi32, #tpu.memory_space<vmem>> -> memref<1024xi32, #tpu.memory_space<vmem>>
        %dma_start3A_228 = tpu.memref_slice %arg3[%multiple_of3A_217] : memref<344064xi32, #tpu.memory_space<hbm>> -> memref<1024xi32, #tpu.memory_space<hbm>>
        %dma_start3A_229 = tpu.memref_slice %arg19[%rem3A_185] : memref<2x!tpu.dma_semaphore, #tpu.memory_space<semaphore_mem>> -> memref<1x!tpu.dma_semaphore, #tpu.memory_space<semaphore_mem>>
        %dma_start3A_230 = tpu.memref_squeeze %dma_start3A_229 : memref<1x!tpu.dma_semaphore, #tpu.memory_space<semaphore_mem>> -> memref<!tpu.dma_semaphore, #tpu.memory_space<semaphore_mem>>
        %dma_start3A_231 = tpu.memref_slice %arg16[%multiple_of3A_220] : memref<2048xi32, #tpu.memory_space<vmem>> -> memref<1024xi32, #tpu.memory_space<vmem>>
        %dma_start3A_232 = tpu.memref_slice %arg3[%multiple_of3A_217] : memref<344064xi32, #tpu.memory_space<hbm>> -> memref<1024xi32, #tpu.memory_space<hbm>>
        tpu.enqueue_dma source(%dma_start3A_232 : memref<1024xi32, #tpu.memory_space<hbm>>) target(%dma_start3A_231 : memref<1024xi32, #tpu.memory_space<vmem>>) target_semaphore(%dma_start3A_230 : memref<!tpu.dma_semaphore, #tpu.memory_space<semaphore_mem>>)
      } else {
      }
      %scan3A_211 = arith.constant 0 : i32
      scf.yield %scan3A_211 : i32
    }
    %scan3A_105 = arith.constant 84 : i32
    "tpu.trace_stop"() : () -> ()
    %mul3A_106 = arith.constant 10240 : i32
    %mul3A_107 = arith.muli %arg1, %mul3A_106 : i32
    %multiple_of3A_108 = tpu.assume_multiple %mul3A_107, 128 : i32
    "tpu.region"() ({
      %run_scoped3A = tpu.sem_alloc : memref<!tpu.dma_semaphore, #tpu.memory_space<semaphore_mem>>
      %dma_start3A_182 = tpu.memref_slice %arg18[%multiple_of3A_108] : memref<163840xf32, #tpu.memory_space<vmem_shared>> -> memref<10240xf32, #tpu.memory_space<vmem_shared>>
      %dma_start3A_183 = tpu.memref_slice %arg18[%multiple_of3A_108] : memref<163840xf32, #tpu.memory_space<vmem_shared>> -> memref<10240xf32, #tpu.memory_space<vmem_shared>>
      tpu.enqueue_dma source(%arg13 : memref<10240xf32, #tpu.memory_space<vmem>>) target(%dma_start3A_183 : memref<10240xf32, #tpu.memory_space<vmem_shared>>) target_semaphore(%run_scoped3A : memref<!tpu.dma_semaphore, #tpu.memory_space<semaphore_mem>>)
      %dma_wait3A_184 = tpu.memref_slice %arg18[%multiple_of3A_108] : memref<163840xf32, #tpu.memory_space<vmem_shared>> -> memref<10240xf32, #tpu.memory_space<vmem_shared>>
      %dma_wait3A_185 = tpu.memref_slice %arg18[%multiple_of3A_108] : memref<163840xf32, #tpu.memory_space<vmem_shared>> -> memref<10240xf32, #tpu.memory_space<vmem_shared>>
      tpu.wait_dma2 semaphore(%run_scoped3A : memref<!tpu.dma_semaphore, #tpu.memory_space<semaphore_mem>>) src(%arg13 : memref<10240xf32, #tpu.memory_space<vmem>>) dst(%dma_wait3A_185 : memref<10240xf32, #tpu.memory_space<vmem_shared>>)
      tpu.yield
    }) : () -> ()
    %barrier3A = arith.constant 0 : index
    tpu.barrier barrier_id(%barrier3A)
    %mul3A_109 = arith.constant 2560 : i32
    %mul3A_110 = arith.muli %rem3A_17, %mul3A_109 : i32
    %multiple_of3A_111 = tpu.assume_multiple %mul3A_110, 128 : i32
    %mul3A_112 = arith.constant 4 : i32
    %mul3A_113 = arith.muli %select_n3A, %mul3A_112 : i32
    %mul3A_114 = arith.constant 10240 : i32
    %mul3A_115 = arith.muli %mul3A_113, %mul3A_114 : i32
    %multiple_of3A_116 = tpu.assume_multiple %mul3A_115, 128 : i32
    %add3A_117 = arith.addi %multiple_of3A_116, %multiple_of3A_111 : i32
    "tpu.region"() ({
      %run_scoped3A = tpu.sem_alloc : memref<!tpu.dma_semaphore, #tpu.memory_space<semaphore_mem>>
      %dma_start3A_182 = tpu.memref_slice %arg13[%multiple_of3A_111] : memref<10240xf32, #tpu.memory_space<vmem>> -> memref<2560xf32, #tpu.memory_space<vmem>>
      %dma_start3A_183 = tpu.memref_slice %arg18[%add3A_117] : memref<163840xf32, #tpu.memory_space<vmem_shared>> -> memref<2560xf32, #tpu.memory_space<vmem_shared>>
      %dma_start3A_184 = tpu.memref_slice %arg13[%multiple_of3A_111] : memref<10240xf32, #tpu.memory_space<vmem>> -> memref<2560xf32, #tpu.memory_space<vmem>>
      %dma_start3A_185 = tpu.memref_slice %arg18[%add3A_117] : memref<163840xf32, #tpu.memory_space<vmem_shared>> -> memref<2560xf32, #tpu.memory_space<vmem_shared>>
      tpu.enqueue_dma source(%dma_start3A_185 : memref<2560xf32, #tpu.memory_space<vmem_shared>>) target(%dma_start3A_184 : memref<2560xf32, #tpu.memory_space<vmem>>) target_semaphore(%run_scoped3A : memref<!tpu.dma_semaphore, #tpu.memory_space<semaphore_mem>>)
      %dma_wait3A_186 = tpu.memref_slice %arg13[%multiple_of3A_111] : memref<10240xf32, #tpu.memory_space<vmem>> -> memref<2560xf32, #tpu.memory_space<vmem>>
      %dma_wait3A_187 = tpu.memref_slice %arg18[%add3A_117] : memref<163840xf32, #tpu.memory_space<vmem_shared>> -> memref<2560xf32, #tpu.memory_space<vmem_shared>>
      %dma_wait3A_188 = tpu.memref_slice %arg13[%multiple_of3A_111] : memref<10240xf32, #tpu.memory_space<vmem>> -> memref<2560xf32, #tpu.memory_space<vmem>>
      %dma_wait3A_189 = tpu.memref_slice %arg18[%add3A_117] : memref<163840xf32, #tpu.memory_space<vmem_shared>> -> memref<2560xf32, #tpu.memory_space<vmem_shared>>
      tpu.wait_dma2 semaphore(%run_scoped3A : memref<!tpu.dma_semaphore, #tpu.memory_space<semaphore_mem>>) src(%dma_wait3A_189 : memref<2560xf32, #tpu.memory_space<vmem_shared>>) dst(%dma_wait3A_188 : memref<2560xf32, #tpu.memory_space<vmem>>)
      tpu.yield
    }) : () -> ()
    %scan3A_118 = arith.constant 0 : i32
    %scan3A_119 = arith.constant 1 : i32
    %scan3A_120 = arith.constant 3 : i32
    %scan3A_121 = arith.addi %scan3A_119, %scan3A_120 : i32
    %scan3A_122 = arith.constant 1 : i32
    %scan3A_123 = scf.for %scan3A_182 = %scan3A_119 to %scan3A_121 step %scan3A_122 iter_args(%scan3A_183 = %scan3A_118) -> (i32)  : i32 {
      %mul3A_184 = arith.constant 4 : i32
      %mul3A_185 = arith.muli %select_n3A, %mul3A_184 : i32
      %add3A_186 = arith.addi %mul3A_185, %scan3A_182 : i32
      %mul3A_187 = arith.constant 10240 : i32
      %mul3A_188 = arith.muli %add3A_186, %mul3A_187 : i32
      %multiple_of3A_189 = tpu.assume_multiple %mul3A_188, 128 : i32
      %add3A_190 = arith.addi %multiple_of3A_189, %multiple_of3A_111 : i32
      "tpu.region"() ({
        %run_scoped3A = tpu.sem_alloc : memref<!tpu.dma_semaphore, #tpu.memory_space<semaphore_mem>>
        %dma_start3A_199 = tpu.memref_slice %arg18[%add3A_190] : memref<163840xf32, #tpu.memory_space<vmem_shared>> -> memref<2560xf32, #tpu.memory_space<vmem_shared>>
        %dma_start3A_200 = tpu.memref_slice %arg18[%add3A_190] : memref<163840xf32, #tpu.memory_space<vmem_shared>> -> memref<2560xf32, #tpu.memory_space<vmem_shared>>
        tpu.enqueue_dma source(%dma_start3A_200 : memref<2560xf32, #tpu.memory_space<vmem_shared>>) target(%arg14 : memref<2560xf32, #tpu.memory_space<vmem>>) target_semaphore(%run_scoped3A : memref<!tpu.dma_semaphore, #tpu.memory_space<semaphore_mem>>)
        %dma_wait3A_201 = tpu.memref_slice %arg18[%add3A_190] : memref<163840xf32, #tpu.memory_space<vmem_shared>> -> memref<2560xf32, #tpu.memory_space<vmem_shared>>
        %dma_wait3A_202 = tpu.memref_slice %arg18[%add3A_190] : memref<163840xf32, #tpu.memory_space<vmem_shared>> -> memref<2560xf32, #tpu.memory_space<vmem_shared>>
        tpu.wait_dma2 semaphore(%run_scoped3A : memref<!tpu.dma_semaphore, #tpu.memory_space<semaphore_mem>>) src(%dma_wait3A_202 : memref<2560xf32, #tpu.memory_space<vmem_shared>>) dst(%arg14 : memref<2560xf32, #tpu.memory_space<vmem>>)
        tpu.yield
      }) : () -> ()
      %scan3A_191 = arith.constant 0 : i32
      %scan3A_192 = arith.constant 0 : i32
      %scan3A_193 = arith.constant 160 : i32
      %scan3A_194 = arith.addi %scan3A_192, %scan3A_193 : i32
      %scan3A_195 = arith.constant 1 : i32
      %scan3A_196 = scf.for %scan3A_199 = %scan3A_192 to %scan3A_194 step %scan3A_195 iter_args(%scan3A_200 = %scan3A_191) -> (i32)  : i32 {
        %mul3A_201 = arith.constant 16 : i32
        %mul3A_202 = arith.muli %scan3A_199, %mul3A_201 : i32
        %add3A_203 = arith.addi %multiple_of3A_111, %mul3A_202 : i32
        %get3A_204 = arith.index_cast %add3A_203 : i32 to index
        %get3A_205 = tpu.vector_load %arg13[%get3A_204] {strides = array<i32>} : memref<10240xf32, #tpu.memory_space<vmem>>, vector<16xf32>,
        %mul3A_206 = arith.constant 16 : i32
        %mul3A_207 = arith.muli %scan3A_199, %mul3A_206 : i32
        %get3A_208 = arith.index_cast %mul3A_207 : i32 to index
        %get3A_209 = tpu.vector_load %arg14[%get3A_208] {strides = array<i32>} : memref<2560xf32, #tpu.memory_space<vmem>>, vector<16xf32>,
        %add3A_210 = arith.addf %get3A_205, %get3A_209 : vector<16xf32>
        %mul3A_211 = arith.constant 16 : i32
        %mul3A_212 = arith.muli %scan3A_199, %mul3A_211 : i32
        %add3A_213 = arith.addi %multiple_of3A_111, %mul3A_212 : i32
        %swap3A_214 = arith.index_cast %add3A_213 : i32 to index
        %swap3A_215 = tpu.vector_load %arg13[%swap3A_214] {strides = array<i32>} : memref<10240xf32, #tpu.memory_space<vmem>>, vector<16xf32>,
        tpu.vector_store %arg13[%swap3A_214], %add3A_210 {strides = array<i32>} : memref<10240xf32, #tpu.memory_space<vmem>>, vector<16xf32>,
        %scan3A_216 = arith.constant 0 : i32
        scf.yield %scan3A_216 : i32
      }
      %scan3A_197 = arith.constant 160 : i32
      %scan3A_198 = arith.constant 0 : i32
      scf.yield %scan3A_198 : i32
    }
    %scan3A_124 = arith.constant 3 : i32
    %scan3A_125 = arith.constant 0 : i32
    %scan3A_126 = arith.constant 0 : i32
    %scan3A_127 = arith.constant 160 : i32
    %scan3A_128 = arith.addi %scan3A_126, %scan3A_127 : i32
    %scan3A_129 = arith.constant 1 : i32
    %scan3A_130 = scf.for %scan3A_182 = %scan3A_126 to %scan3A_128 step %scan3A_129 iter_args(%scan3A_183 = %scan3A_125) -> (i32)  : i32 {
      %mul3A_184 = arith.constant 16 : i32
      %mul3A_185 = arith.muli %scan3A_182, %mul3A_184 : i32
      %add3A_186 = arith.addi %multiple_of3A_111, %mul3A_185 : i32
      %get3A_187 = arith.index_cast %add3A_186 : i32 to index
      %get3A_188 = tpu.vector_load %arg13[%get3A_187] {strides = array<i32>} : memref<10240xf32, #tpu.memory_space<vmem>>, vector<16xf32>,
      %add3A_189 = arith.constant 1.000000e-16 : f32
      %add3A_190 = vector.broadcast %add3A_189 : f32 to vector<16xf32>
      %add3A_191 = arith.addf %get3A_188, %add3A_190 : vector<16xf32>
      %div3A_192 = arith.constant 1.000000e+00 : f32
      %div3A_193 = vector.broadcast %div3A_192 : f32 to vector<16xf32>
      %div3A_194 = arith.divf %div3A_193, %add3A_191 : vector<16xf32>
      %mul3A_195 = arith.constant 16 : i32
      %mul3A_196 = arith.muli %scan3A_182, %mul3A_195 : i32
      %add3A_197 = arith.addi %multiple_of3A_111, %mul3A_196 : i32
      %swap3A_198 = arith.index_cast %add3A_197 : i32 to index
      %swap3A_199 = tpu.vector_load %arg13[%swap3A_198] {strides = array<i32>} : memref<10240xf32, #tpu.memory_space<vmem>>, vector<16xf32>,
      tpu.vector_store %arg13[%swap3A_198], %div3A_194 {strides = array<i32>} : memref<10240xf32, #tpu.memory_space<vmem>>, vector<16xf32>,
      %scan3A_200 = arith.constant 0 : i32
      scf.yield %scan3A_200 : i32
    }
    %scan3A_131 = arith.constant 160 : i32
    %barrier3A_132 = arith.constant 0 : index
    tpu.barrier barrier_id(%barrier3A_132)
    %add3A_133 = arith.addi %multiple_of3A_116, %multiple_of3A_111 : i32
    "tpu.region"() ({
      %run_scoped3A = tpu.sem_alloc : memref<!tpu.dma_semaphore, #tpu.memory_space<semaphore_mem>>
      %dma_start3A_182 = tpu.memref_slice %arg13[%multiple_of3A_111] : memref<10240xf32, #tpu.memory_space<vmem>> -> memref<2560xf32, #tpu.memory_space<vmem>>
      %dma_start3A_183 = tpu.memref_slice %arg18[%add3A_133] : memref<163840xf32, #tpu.memory_space<vmem_shared>> -> memref<2560xf32, #tpu.memory_space<vmem_shared>>
      %dma_start3A_184 = tpu.memref_slice %arg18[%add3A_133] : memref<163840xf32, #tpu.memory_space<vmem_shared>> -> memref<2560xf32, #tpu.memory_space<vmem_shared>>
      %dma_start3A_185 = tpu.memref_slice %arg13[%multiple_of3A_111] : memref<10240xf32, #tpu.memory_space<vmem>> -> memref<2560xf32, #tpu.memory_space<vmem>>
      tpu.enqueue_dma source(%dma_start3A_185 : memref<2560xf32, #tpu.memory_space<vmem>>) target(%dma_start3A_184 : memref<2560xf32, #tpu.memory_space<vmem_shared>>) target_semaphore(%run_scoped3A : memref<!tpu.dma_semaphore, #tpu.memory_space<semaphore_mem>>)
      %dma_wait3A_186 = tpu.memref_slice %arg13[%multiple_of3A_111] : memref<10240xf32, #tpu.memory_space<vmem>> -> memref<2560xf32, #tpu.memory_space<vmem>>
      %dma_wait3A_187 = tpu.memref_slice %arg18[%add3A_133] : memref<163840xf32, #tpu.memory_space<vmem_shared>> -> memref<2560xf32, #tpu.memory_space<vmem_shared>>
      %dma_wait3A_188 = tpu.memref_slice %arg18[%add3A_133] : memref<163840xf32, #tpu.memory_space<vmem_shared>> -> memref<2560xf32, #tpu.memory_space<vmem_shared>>
      %dma_wait3A_189 = tpu.memref_slice %arg13[%multiple_of3A_111] : memref<10240xf32, #tpu.memory_space<vmem>> -> memref<2560xf32, #tpu.memory_space<vmem>>
      tpu.wait_dma2 semaphore(%run_scoped3A : memref<!tpu.dma_semaphore, #tpu.memory_space<semaphore_mem>>) src(%dma_wait3A_189 : memref<2560xf32, #tpu.memory_space<vmem>>) dst(%dma_wait3A_188 : memref<2560xf32, #tpu.memory_space<vmem_shared>>)
      tpu.yield
    }) : () -> ()
    %barrier3A_134 = arith.constant 0 : index
    tpu.barrier barrier_id(%barrier3A_134)
    "tpu.region"() ({
      %run_scoped3A = tpu.sem_alloc : memref<!tpu.dma_semaphore, #tpu.memory_space<semaphore_mem>>
      %dma_start3A_182 = tpu.memref_slice %arg18[%multiple_of3A_116] : memref<163840xf32, #tpu.memory_space<vmem_shared>> -> memref<10240xf32, #tpu.memory_space<vmem_shared>>
      %dma_start3A_183 = tpu.memref_slice %arg18[%multiple_of3A_116] : memref<163840xf32, #tpu.memory_space<vmem_shared>> -> memref<10240xf32, #tpu.memory_space<vmem_shared>>
      tpu.enqueue_dma source(%dma_start3A_183 : memref<10240xf32, #tpu.memory_space<vmem_shared>>) target(%arg13 : memref<10240xf32, #tpu.memory_space<vmem>>) target_semaphore(%run_scoped3A : memref<!tpu.dma_semaphore, #tpu.memory_space<semaphore_mem>>)
      %dma_wait3A_184 = tpu.memref_slice %arg18[%multiple_of3A_116] : memref<163840xf32, #tpu.memory_space<vmem_shared>> -> memref<10240xf32, #tpu.memory_space<vmem_shared>>
      %dma_wait3A_185 = tpu.memref_slice %arg18[%multiple_of3A_116] : memref<163840xf32, #tpu.memory_space<vmem_shared>> -> memref<10240xf32, #tpu.memory_space<vmem_shared>>
      tpu.wait_dma2 semaphore(%run_scoped3A : memref<!tpu.dma_semaphore, #tpu.memory_space<semaphore_mem>>) src(%dma_wait3A_185 : memref<10240xf32, #tpu.memory_space<vmem_shared>>) dst(%arg13 : memref<10240xf32, #tpu.memory_space<vmem>>)
      tpu.yield
    }) : () -> ()
    %dma_wait3A = tpu.memref_slice %arg6[%multiple_of3A_44] : memref<1310720xf32, #tpu.memory_space<hbm>> -> memref<40960xf32, #tpu.memory_space<hbm>>
    %dma_wait3A_135 = tpu.memref_slice %arg6[%multiple_of3A_44] : memref<1310720xf32, #tpu.memory_space<hbm>> -> memref<40960xf32, #tpu.memory_space<hbm>>
    tpu.wait_dma2 semaphore(%arg20 : memref<!tpu.dma_semaphore, #tpu.memory_space<semaphore_mem>>) src(%dma_wait3A_135 : memref<40960xf32, #tpu.memory_space<hbm>>) dst(%arg9 : memref<40960xf32, #tpu.memory_space<vmem>>)
    %multiple_of3A_136 = arith.constant 0 : i32
    "tpu.trace_start"() <{level = 10 : i32, message = "sc_passB"}> : () -> ()
    %multiple_of3A_137 = tpu.assume_multiple %multiple_of3A_136, 128 : i32
    %multiple_of3A_138 = arith.constant 0 : i32
    %multiple_of3A_139 = tpu.assume_multiple %multiple_of3A_138, 128 : i32
    %dma_start3A_140 = arith.constant 0 : i32
    %dma_start3A_141 = tpu.memref_slice %arg15[%multiple_of3A_139] : memref<2048xi32, #tpu.memory_space<vmem>> -> memref<1024xi32, #tpu.memory_space<vmem>>
    %dma_start3A_142 = tpu.memref_slice %arg2[%multiple_of3A_137] : memref<344064xi32, #tpu.memory_space<hbm>> -> memref<1024xi32, #tpu.memory_space<hbm>>
    %dma_start3A_143 = tpu.memref_slice %arg19[%dma_start3A_140] : memref<2x!tpu.dma_semaphore, #tpu.memory_space<semaphore_mem>> -> memref<1x!tpu.dma_semaphore, #tpu.memory_space<semaphore_mem>>
    %dma_start3A_144 = tpu.memref_squeeze %dma_start3A_143 : memref<1x!tpu.dma_semaphore, #tpu.memory_space<semaphore_mem>> -> memref<!tpu.dma_semaphore, #tpu.memory_space<semaphore_mem>>
    %dma_start3A_145 = tpu.memref_slice %arg15[%multiple_of3A_139] : memref<2048xi32, #tpu.memory_space<vmem>> -> memref<1024xi32, #tpu.memory_space<vmem>>
    %dma_start3A_146 = tpu.memref_slice %arg2[%multiple_of3A_137] : memref<344064xi32, #tpu.memory_space<hbm>> -> memref<1024xi32, #tpu.memory_space<hbm>>
    tpu.enqueue_dma source(%dma_start3A_146 : memref<1024xi32, #tpu.memory_space<hbm>>) target(%dma_start3A_145 : memref<1024xi32, #tpu.memory_space<vmem>>) target_semaphore(%dma_start3A_144 : memref<!tpu.dma_semaphore, #tpu.memory_space<semaphore_mem>>)
    %dma_start3A_147 = arith.constant 0 : i32
    %dma_start3A_148 = tpu.memref_slice %arg16[%multiple_of3A_139] : memref<2048xi32, #tpu.memory_space<vmem>> -> memref<1024xi32, #tpu.memory_space<vmem>>
    %dma_start3A_149 = tpu.memref_slice %arg3[%multiple_of3A_137] : memref<344064xi32, #tpu.memory_space<hbm>> -> memref<1024xi32, #tpu.memory_space<hbm>>
    %dma_start3A_150 = tpu.memref_slice %arg19[%dma_start3A_147] : memref<2x!tpu.dma_semaphore, #tpu.memory_space<semaphore_mem>> -> memref<1x!tpu.dma_semaphore, #tpu.memory_space<semaphore_mem>>
    %dma_start3A_151 = tpu.memref_squeeze %dma_start3A_150 : memref<1x!tpu.dma_semaphore, #tpu.memory_space<semaphore_mem>> -> memref<!tpu.dma_semaphore, #tpu.memory_space<semaphore_mem>>
    %dma_start3A_152 = tpu.memref_slice %arg16[%multiple_of3A_139] : memref<2048xi32, #tpu.memory_space<vmem>> -> memref<1024xi32, #tpu.memory_space<vmem>>
    %dma_start3A_153 = tpu.memref_slice %arg3[%multiple_of3A_137] : memref<344064xi32, #tpu.memory_space<hbm>> -> memref<1024xi32, #tpu.memory_space<hbm>>
    tpu.enqueue_dma source(%dma_start3A_153 : memref<1024xi32, #tpu.memory_space<hbm>>) target(%dma_start3A_152 : memref<1024xi32, #tpu.memory_space<vmem>>) target_semaphore(%dma_start3A_151 : memref<!tpu.dma_semaphore, #tpu.memory_space<semaphore_mem>>)
    %multiple_of3A_154 = arith.constant 1024 : i32
    %multiple_of3A_155 = tpu.assume_multiple %multiple_of3A_154, 128 : i32
    %multiple_of3A_156 = arith.constant 1024 : i32
    %multiple_of3A_157 = tpu.assume_multiple %multiple_of3A_156, 128 : i32
    %dma_start3A_158 = arith.constant 1 : i32
    %dma_start3A_159 = tpu.memref_slice %arg15[%multiple_of3A_157] : memref<2048xi32, #tpu.memory_space<vmem>> -> memref<1024xi32, #tpu.memory_space<vmem>>
    %dma_start3A_160 = tpu.memref_slice %arg2[%multiple_of3A_155] : memref<344064xi32, #tpu.memory_space<hbm>> -> memref<1024xi32, #tpu.memory_space<hbm>>
    %dma_start3A_161 = tpu.memref_slice %arg19[%dma_start3A_158] : memref<2x!tpu.dma_semaphore, #tpu.memory_space<semaphore_mem>> -> memref<1x!tpu.dma_semaphore, #tpu.memory_space<semaphore_mem>>
    %dma_start3A_162 = tpu.memref_squeeze %dma_start3A_161 : memref<1x!tpu.dma_semaphore, #tpu.memory_space<semaphore_mem>> -> memref<!tpu.dma_semaphore, #tpu.memory_space<semaphore_mem>>
    %dma_start3A_163 = tpu.memref_slice %arg15[%multiple_of3A_157] : memref<2048xi32, #tpu.memory_space<vmem>> -> memref<1024xi32, #tpu.memory_space<vmem>>
    %dma_start3A_164 = tpu.memref_slice %arg2[%multiple_of3A_155] : memref<344064xi32, #tpu.memory_space<hbm>> -> memref<1024xi32, #tpu.memory_space<hbm>>
    tpu.enqueue_dma source(%dma_start3A_164 : memref<1024xi32, #tpu.memory_space<hbm>>) target(%dma_start3A_163 : memref<1024xi32, #tpu.memory_space<vmem>>) target_semaphore(%dma_start3A_162 : memref<!tpu.dma_semaphore, #tpu.memory_space<semaphore_mem>>)
    %dma_start3A_165 = arith.constant 1 : i32
    %dma_start3A_166 = tpu.memref_slice %arg16[%multiple_of3A_157] : memref<2048xi32, #tpu.memory_space<vmem>> -> memref<1024xi32, #tpu.memory_space<vmem>>
    %dma_start3A_167 = tpu.memref_slice %arg3[%multiple_of3A_155] : memref<344064xi32, #tpu.memory_space<hbm>> -> memref<1024xi32, #tpu.memory_space<hbm>>
    %dma_start3A_168 = tpu.memref_slice %arg19[%dma_start3A_165] : memref<2x!tpu.dma_semaphore, #tpu.memory_space<semaphore_mem>> -> memref<1x!tpu.dma_semaphore, #tpu.memory_space<semaphore_mem>>
    %dma_start3A_169 = tpu.memref_squeeze %dma_start3A_168 : memref<1x!tpu.dma_semaphore, #tpu.memory_space<semaphore_mem>> -> memref<!tpu.dma_semaphore, #tpu.memory_space<semaphore_mem>>
    %dma_start3A_170 = tpu.memref_slice %arg16[%multiple_of3A_157] : memref<2048xi32, #tpu.memory_space<vmem>> -> memref<1024xi32, #tpu.memory_space<vmem>>
    %dma_start3A_171 = tpu.memref_slice %arg3[%multiple_of3A_155] : memref<344064xi32, #tpu.memory_space<hbm>> -> memref<1024xi32, #tpu.memory_space<hbm>>
    tpu.enqueue_dma source(%dma_start3A_171 : memref<1024xi32, #tpu.memory_space<hbm>>) target(%dma_start3A_170 : memref<1024xi32, #tpu.memory_space<vmem>>) target_semaphore(%dma_start3A_169 : memref<!tpu.dma_semaphore, #tpu.memory_space<semaphore_mem>>)
    %scan3A_172 = arith.constant 0 : i32
    %scan3A_173 = arith.constant 0 : i32
    %scan3A_174 = arith.constant 336 : i32
    %scan3A_175 = arith.addi %scan3A_173, %scan3A_174 : i32
    %scan3A_176 = arith.constant 1 : i32
    %scan3A_177 = scf.for %scan3A_182 = %scan3A_173 to %scan3A_175 step %scan3A_176 iter_args(%scan3A_183 = %scan3A_172) -> (i32)  : i32 {
      %rem3A_184 = arith.constant 2 : i32
      %rem3A_185 = arith.remsi %scan3A_182, %rem3A_184 : i32
      %mul3A_186 = arith.constant 1024 : i32
      %mul3A_187 = arith.muli %rem3A_185, %mul3A_186 : i32
      %multiple_of3A_188 = tpu.assume_multiple %mul3A_187, 128 : i32
      %dma_wait3A_189 = tpu.memref_slice %arg15[%multiple_of3A_188] : memref<2048xi32, #tpu.memory_space<vmem>> -> memref<1024xi32, #tpu.memory_space<vmem>>
      %dma_wait3A_190 = arith.constant 0 : i32
      %dma_wait3A_191 = tpu.memref_slice %arg2[%dma_wait3A_190] : memref<344064xi32, #tpu.memory_space<hbm>> -> memref<1024xi32, #tpu.memory_space<hbm>>
      %dma_wait3A_192 = tpu.memref_slice %arg19[%rem3A_185] : memref<2x!tpu.dma_semaphore, #tpu.memory_space<semaphore_mem>> -> memref<1x!tpu.dma_semaphore, #tpu.memory_space<semaphore_mem>>
      %dma_wait3A_193 = tpu.memref_squeeze %dma_wait3A_192 : memref<1x!tpu.dma_semaphore, #tpu.memory_space<semaphore_mem>> -> memref<!tpu.dma_semaphore, #tpu.memory_space<semaphore_mem>>
      %dma_wait3A_194 = tpu.memref_slice %arg15[%multiple_of3A_188] : memref<2048xi32, #tpu.memory_space<vmem>> -> memref<1024xi32, #tpu.memory_space<vmem>>
      %dma_wait3A_195 = arith.constant 0 : i32
      %dma_wait3A_196 = tpu.memref_slice %arg2[%dma_wait3A_195] : memref<344064xi32, #tpu.memory_space<hbm>> -> memref<1024xi32, #tpu.memory_space<hbm>>
      tpu.wait_dma2 semaphore(%dma_wait3A_193 : memref<!tpu.dma_semaphore, #tpu.memory_space<semaphore_mem>>) src(%dma_wait3A_196 : memref<1024xi32, #tpu.memory_space<hbm>>) dst(%dma_wait3A_194 : memref<1024xi32, #tpu.memory_space<vmem>>)
      %dma_wait3A_197 = tpu.memref_slice %arg16[%multiple_of3A_188] : memref<2048xi32, #tpu.memory_space<vmem>> -> memref<1024xi32, #tpu.memory_space<vmem>>
      %dma_wait3A_198 = arith.constant 0 : i32
      %dma_wait3A_199 = tpu.memref_slice %arg3[%dma_wait3A_198] : memref<344064xi32, #tpu.memory_space<hbm>> -> memref<1024xi32, #tpu.memory_space<hbm>>
      %dma_wait3A_200 = tpu.memref_slice %arg19[%rem3A_185] : memref<2x!tpu.dma_semaphore, #tpu.memory_space<semaphore_mem>> -> memref<1x!tpu.dma_semaphore, #tpu.memory_space<semaphore_mem>>
      %dma_wait3A_201 = tpu.memref_squeeze %dma_wait3A_200 : memref<1x!tpu.dma_semaphore, #tpu.memory_space<semaphore_mem>> -> memref<!tpu.dma_semaphore, #tpu.memory_space<semaphore_mem>>
      %dma_wait3A_202 = tpu.memref_slice %arg16[%multiple_of3A_188] : memref<2048xi32, #tpu.memory_space<vmem>> -> memref<1024xi32, #tpu.memory_space<vmem>>
      %dma_wait3A_203 = arith.constant 0 : i32
      %dma_wait3A_204 = tpu.memref_slice %arg3[%dma_wait3A_203] : memref<344064xi32, #tpu.memory_space<hbm>> -> memref<1024xi32, #tpu.memory_space<hbm>>
      tpu.wait_dma2 semaphore(%dma_wait3A_201 : memref<!tpu.dma_semaphore, #tpu.memory_space<semaphore_mem>>) src(%dma_wait3A_204 : memref<1024xi32, #tpu.memory_space<hbm>>) dst(%dma_wait3A_202 : memref<1024xi32, #tpu.memory_space<vmem>>)
      %parallel_loop3A = arith.constant 0 : i32
      %parallel_loop3A_205 = arith.constant 64 : i32
      %parallel_loop3A_206 = arith.constant 1 : i32
      scf.for %parallel_loop3A_212 = %parallel_loop3A to %parallel_loop3A_205 step %parallel_loop3A_206  : i32 {
        %parallel_loop3A_213 = arith.constant 16 : i32
        %parallel_loop3A_214 = arith.muli %parallel_loop3A_212, %parallel_loop3A_213 : i32
        %parallel_loop3A_215 = arith.addi %multiple_of3A_188, %parallel_loop3A_214 : i32
        %parallel_loop3A_216 = arith.index_cast %parallel_loop3A_215 : i32 to index
        %parallel_loop3A_217 = tpu.vector_load %arg15[%parallel_loop3A_216] {strides = array<i32>} : memref<2048xi32, #tpu.memory_space<vmem>>, vector<16xi32>,
        %parallel_loop3A_218 = arith.constant 16 : i32
        %parallel_loop3A_219 = arith.muli %parallel_loop3A_212, %parallel_loop3A_218 : i32
        %parallel_loop3A_220 = arith.addi %multiple_of3A_188, %parallel_loop3A_219 : i32
        %parallel_loop3A_221 = arith.index_cast %parallel_loop3A_220 : i32 to index
        %parallel_loop3A_222 = tpu.vector_load %arg16[%parallel_loop3A_221] {strides = array<i32>} : memref<2048xi32, #tpu.memory_space<vmem>>, vector<16xi32>,
        %parallel_loop3A_223 = tpu.vector_load_idx %arg11[%parallel_loop3A_217] : memref<10240xf32, #tpu.memory_space<vmem>>[vector<16xi32>], vector<16xf32>,
        %parallel_loop3A_224 = tpu.vector_load_idx %arg12[%parallel_loop3A_222] : memref<10240xf32, #tpu.memory_space<vmem>>[vector<16xi32>], vector<16xf32>,
        %parallel_loop3A_225 = arith.addf %parallel_loop3A_223, %parallel_loop3A_224 : vector<16xf32>
        %parallel_loop3A_226 = arith.constant 0.000000e+00 : f32
        %parallel_loop3A_227 = vector.broadcast %parallel_loop3A_226 : f32 to vector<16xf32>
        %parallel_loop3A_228 = arith.cmpf oge, %parallel_loop3A_225, %parallel_loop3A_227 : vector<16xf32>
        %parallel_loop3A_229 = arith.constant 2.000000e-01 : f32
        %parallel_loop3A_230 = vector.broadcast %parallel_loop3A_229 : f32 to vector<16xf32>
        %parallel_loop3A_231 = arith.mulf %parallel_loop3A_225, %parallel_loop3A_230 : vector<16xf32>
        %parallel_loop3A_232 = arith.select %parallel_loop3A_228, %parallel_loop3A_225, %parallel_loop3A_231 : vector<16xi1>, vector<16xf32>
        %parallel_loop3A_233 = arith.subf %parallel_loop3A_232, %get3A_33 : vector<16xf32>
        %parallel_loop3A_234 = math.exp %parallel_loop3A_233 : vector<16xf32>
        %parallel_loop3A_235 = tpu.vector_load_idx %arg13[%parallel_loop3A_222] : memref<10240xf32, #tpu.memory_space<vmem>>[vector<16xi32>], vector<16xf32>,
        %parallel_loop3A_236 = arith.mulf %parallel_loop3A_234, %parallel_loop3A_235 : vector<16xf32>
        %parallel_loop3A_237 = arith.constant 0 : i32
        %parallel_loop3A_238 = vector.broadcast %parallel_loop3A_237 : i32 to vector<16xi32>
        %parallel_loop3A_239 = arith.addi %parallel_loop3A_217, %parallel_loop3A_238 : vector<16xi32>
        %parallel_loop3A_240 = tpu.vector_load_idx %arg9[%parallel_loop3A_239] : memref<40960xf32, #tpu.memory_space<vmem>>[vector<16xi32>], vector<16xf32>,
        %parallel_loop3A_241 = arith.constant 0 : i32
        %parallel_loop3A_242 = vector.broadcast %parallel_loop3A_241 : i32 to vector<16xi32>
        %parallel_loop3A_243 = arith.addi %parallel_loop3A_222, %parallel_loop3A_242 : vector<16xi32>
        %parallel_loop3A_244 = arith.mulf %parallel_loop3A_240, %parallel_loop3A_236 : vector<16xf32>
        tpu.vector_store_idx %arg10[%parallel_loop3A_243], %parallel_loop3A_244 {add = true} : memref<40960xf32, #tpu.memory_space<vmem>>[vector<16xi32>], vector<16xf32>,
        %parallel_loop3A_245 = arith.constant 10240 : i32
        %parallel_loop3A_246 = vector.broadcast %parallel_loop3A_245 : i32 to vector<16xi32>
        %parallel_loop3A_247 = arith.addi %parallel_loop3A_217, %parallel_loop3A_246 : vector<16xi32>
        %parallel_loop3A_248 = tpu.vector_load_idx %arg9[%parallel_loop3A_247] : memref<40960xf32, #tpu.memory_space<vmem>>[vector<16xi32>], vector<16xf32>,
        %parallel_loop3A_249 = arith.constant 10240 : i32
        %parallel_loop3A_250 = vector.broadcast %parallel_loop3A_249 : i32 to vector<16xi32>
        %parallel_loop3A_251 = arith.addi %parallel_loop3A_222, %parallel_loop3A_250 : vector<16xi32>
        %parallel_loop3A_252 = arith.mulf %parallel_loop3A_248, %parallel_loop3A_236 : vector<16xf32>
        tpu.vector_store_idx %arg10[%parallel_loop3A_251], %parallel_loop3A_252 {add = true} : memref<40960xf32, #tpu.memory_space<vmem>>[vector<16xi32>], vector<16xf32>,
        %parallel_loop3A_253 = arith.constant 20480 : i32
        %parallel_loop3A_254 = vector.broadcast %parallel_loop3A_253 : i32 to vector<16xi32>
        %parallel_loop3A_255 = arith.addi %parallel_loop3A_217, %parallel_loop3A_254 : vector<16xi32>
        %parallel_loop3A_256 = tpu.vector_load_idx %arg9[%parallel_loop3A_255] : memref<40960xf32, #tpu.memory_space<vmem>>[vector<16xi32>], vector<16xf32>,
        %parallel_loop3A_257 = arith.constant 20480 : i32
        %parallel_loop3A_258 = vector.broadcast %parallel_loop3A_257 : i32 to vector<16xi32>
        %parallel_loop3A_259 = arith.addi %parallel_loop3A_222, %parallel_loop3A_258 : vector<16xi32>
        %parallel_loop3A_260 = arith.mulf %parallel_loop3A_256, %parallel_loop3A_236 : vector<16xf32>
        tpu.vector_store_idx %arg10[%parallel_loop3A_259], %parallel_loop3A_260 {add = true} : memref<40960xf32, #tpu.memory_space<vmem>>[vector<16xi32>], vector<16xf32>,
        %parallel_loop3A_261 = arith.constant 30720 : i32
        %parallel_loop3A_262 = vector.broadcast %parallel_loop3A_261 : i32 to vector<16xi32>
        %parallel_loop3A_263 = arith.addi %parallel_loop3A_217, %parallel_loop3A_262 : vector<16xi32>
        %parallel_loop3A_264 = tpu.vector_load_idx %arg9[%parallel_loop3A_263] : memref<40960xf32, #tpu.memory_space<vmem>>[vector<16xi32>], vector<16xf32>,
        %parallel_loop3A_265 = arith.constant 30720 : i32
        %parallel_loop3A_266 = vector.broadcast %parallel_loop3A_265 : i32 to vector<16xi32>
        %parallel_loop3A_267 = arith.addi %parallel_loop3A_222, %parallel_loop3A_266 : vector<16xi32>
        %parallel_loop3A_268 = arith.mulf %parallel_loop3A_264, %parallel_loop3A_236 : vector<16xf32>
        tpu.vector_store_idx %arg10[%parallel_loop3A_267], %parallel_loop3A_268 {add = true} : memref<40960xf32, #tpu.memory_space<vmem>>[vector<16xi32>], vector<16xf32>,
      } {sc.loop_unroll_factor = 2 : i64, sc.parallel_access}
      %add3A_207 = arith.constant 2 : i32
      %add3A_208 = arith.addi %scan3A_182, %add3A_207 : i32
      %lt3A = arith.constant 336 : i32
      %lt3A_209 = arith.cmpi slt, %add3A_208, %lt3A : i32
      %convert_element_type3A = arith.extui %lt3A_209 : i1 to i32
      %cond3A = arith.constant 0 : i32
      %cond3A_210 = arith.cmpi ne, %convert_element_type3A, %cond3A : i32
      scf.if %cond3A_210 {
        %add3A_212 = arith.constant 2 : i32
        %add3A_213 = arith.addi %scan3A_182, %add3A_212 : i32
        %mul3A_214 = arith.constant 1024 : i32
        %mul3A_215 = arith.muli %add3A_213, %mul3A_214 : i32
        %add3A_216 = arith.constant 0 : i32
        %add3A_217 = arith.addi %add3A_216, %mul3A_215 : i32
        %multiple_of3A_218 = tpu.assume_multiple %add3A_217, 128 : i32
        %mul3A_219 = arith.constant 1024 : i32
        %mul3A_220 = arith.muli %rem3A_185, %mul3A_219 : i32
        %multiple_of3A_221 = tpu.assume_multiple %mul3A_220, 128 : i32
        %dma_start3A_222 = tpu.memref_slice %arg15[%multiple_of3A_221] : memref<2048xi32, #tpu.memory_space<vmem>> -> memref<1024xi32, #tpu.memory_space<vmem>>
        %dma_start3A_223 = tpu.memref_slice %arg2[%multiple_of3A_218] : memref<344064xi32, #tpu.memory_space<hbm>> -> memref<1024xi32, #tpu.memory_space<hbm>>
        %dma_start3A_224 = tpu.memref_slice %arg19[%rem3A_185] : memref<2x!tpu.dma_semaphore, #tpu.memory_space<semaphore_mem>> -> memref<1x!tpu.dma_semaphore, #tpu.memory_space<semaphore_mem>>
        %dma_start3A_225 = tpu.memref_squeeze %dma_start3A_224 : memref<1x!tpu.dma_semaphore, #tpu.memory_space<semaphore_mem>> -> memref<!tpu.dma_semaphore, #tpu.memory_space<semaphore_mem>>
        %dma_start3A_226 = tpu.memref_slice %arg15[%multiple_of3A_221] : memref<2048xi32, #tpu.memory_space<vmem>> -> memref<1024xi32, #tpu.memory_space<vmem>>
        %dma_start3A_227 = tpu.memref_slice %arg2[%multiple_of3A_218] : memref<344064xi32, #tpu.memory_space<hbm>> -> memref<1024xi32, #tpu.memory_space<hbm>>
        tpu.enqueue_dma source(%dma_start3A_227 : memref<1024xi32, #tpu.memory_space<hbm>>) target(%dma_start3A_226 : memref<1024xi32, #tpu.memory_space<vmem>>) target_semaphore(%dma_start3A_225 : memref<!tpu.dma_semaphore, #tpu.memory_space<semaphore_mem>>)
        %dma_start3A_228 = tpu.memref_slice %arg16[%multiple_of3A_221] : memref<2048xi32, #tpu.memory_space<vmem>> -> memref<1024xi32, #tpu.memory_space<vmem>>
        %dma_start3A_229 = tpu.memref_slice %arg3[%multiple_of3A_218] : memref<344064xi32, #tpu.memory_space<hbm>> -> memref<1024xi32, #tpu.memory_space<hbm>>
        %dma_start3A_230 = tpu.memref_slice %arg19[%rem3A_185] : memref<2x!tpu.dma_semaphore, #tpu.memory_space<semaphore_mem>> -> memref<1x!tpu.dma_semaphore, #tpu.memory_space<semaphore_mem>>
        %dma_start3A_231 = tpu.memref_squeeze %dma_start3A_230 : memref<1x!tpu.dma_semaphore, #tpu.memory_space<semaphore_mem>> -> memref<!tpu.dma_semaphore, #tpu.memory_space<semaphore_mem>>
        %dma_start3A_232 = tpu.memref_slice %arg16[%multiple_of3A_221] : memref<2048xi32, #tpu.memory_space<vmem>> -> memref<1024xi32, #tpu.memory_space<vmem>>
        %dma_start3A_233 = tpu.memref_slice %arg3[%multiple_of3A_218] : memref<344064xi32, #tpu.memory_space<hbm>> -> memref<1024xi32, #tpu.memory_space<hbm>>
        tpu.enqueue_dma source(%dma_start3A_233 : memref<1024xi32, #tpu.memory_space<hbm>>) target(%dma_start3A_232 : memref<1024xi32, #tpu.memory_space<vmem>>) target_semaphore(%dma_start3A_231 : memref<!tpu.dma_semaphore, #tpu.memory_space<semaphore_mem>>)
      } else {
      }
      %scan3A_211 = arith.constant 0 : i32
      scf.yield %scan3A_211 : i32
    }
    %scan3A_178 = arith.constant 336 : i32
    "tpu.trace_stop"() : () -> ()
    %mul3A_179 = arith.constant 10240 : i32
    %mul3A_180 = arith.muli %add3A_41, %mul3A_179 : i32
    %multiple_of3A_181 = tpu.assume_multiple %mul3A_180, 128 : i32
    "tpu.region"() ({
      %run_scoped3A = tpu.sem_alloc : memref<!tpu.dma_semaphore, #tpu.memory_space<semaphore_mem>>
      %dma_start3A_182 = tpu.memref_slice %arg8[%multiple_of3A_181] : memref<1310720xf32, #tpu.memory_space<hbm>> -> memref<40960xf32, #tpu.memory_space<hbm>>
      %dma_start3A_183 = tpu.memref_slice %arg8[%multiple_of3A_181] : memref<1310720xf32, #tpu.memory_space<hbm>> -> memref<40960xf32, #tpu.memory_space<hbm>>
      tpu.enqueue_dma source(%arg10 : memref<40960xf32, #tpu.memory_space<vmem>>) target(%dma_start3A_183 : memref<40960xf32, #tpu.memory_space<hbm>>) target_semaphore(%run_scoped3A : memref<!tpu.dma_semaphore, #tpu.memory_space<semaphore_mem>>)
      %dma_wait3A_184 = tpu.memref_slice %arg8[%multiple_of3A_181] : memref<1310720xf32, #tpu.memory_space<hbm>> -> memref<40960xf32, #tpu.memory_space<hbm>>
      %dma_wait3A_185 = tpu.memref_slice %arg8[%multiple_of3A_181] : memref<1310720xf32, #tpu.memory_space<hbm>> -> memref<40960xf32, #tpu.memory_space<hbm>>
      tpu.wait_dma2 semaphore(%run_scoped3A : memref<!tpu.dma_semaphore, #tpu.memory_space<semaphore_mem>>) src(%arg10 : memref<40960xf32, #tpu.memory_space<vmem>>) dst(%dma_wait3A_185 : memref<40960xf32, #tpu.memory_space<hbm>>)
      tpu.yield
    }) : () -> ()
    return
  }
}

#map = affine_map<(d0, d1) -> (0)>
module attributes {stable_mosaic.version = 14 : i64} {
  func.func @sck(%arg0: i32, %arg1: i32, %arg2: memref<344064xi32, #tpu.memory_space<hbm>>, %arg3: memref<344064xi32, #tpu.memory_space<hbm>>, %arg4: memref<81920xf32, #tpu.memory_space<hbm>>, %arg5: memref<81920xf32, #tpu.memory_space<hbm>>, %arg6: memref<1310720xf32, #tpu.memory_space<hbm>>, %arg7: memref<1024xf32, #tpu.memory_space<hbm>>, %arg8: memref<1310720xf32, #tpu.memory_space<hbm>>, %arg9: memref<40960xf32, #tpu.memory_space<vmem>>, %arg10: memref<40960xf32, #tpu.memory_space<vmem>>, %arg11: memref<10240xf32, #tpu.memory_space<vmem>>, %arg12: memref<10240xf32, #tpu.memory_space<vmem>>, %arg13: memref<10240xf32, #tpu.memory_space<vmem>>, %arg14: memref<640xf32, #tpu.memory_space<vmem>>, %arg15: memref<2048xi32, #tpu.memory_space<vmem>>, %arg16: memref<2048xi32, #tpu.memory_space<vmem>>, %arg17: memref<128xf32, #tpu.memory_space<vmem>>, %arg18: memref<163840xf32, #tpu.memory_space<vmem_shared>>, %arg19: memref<2x!tpu.dma_semaphore, #tpu.memory_space<semaphore_mem>>, %arg20: memref<!tpu.dma_semaphore, #tpu.memory_space<semaphore_mem>>) attributes {dimension_semantics = [#tpu.dimension_semantics<core_parallel>, #tpu.dimension_semantics<subcore_parallel>], iteration_bounds = array<i64: 2, 16>, scalar_prefetch = 0 : i64, scratch_operands = 12 : i64, tpu.core_type = #tpu.core_type<sc_vector_subcore>, window_params = [{transform_indices = #map}, {transform_indices = #map}, {transform_indices = #map}, {transform_indices = #map}, {transform_indices = #map}, {transform_indices = #map}, {transform_indices = #map}]} {
    %jit3A = arith.constant 16 : i32
    %div3A = arith.divsi %arg1, %jit3A : i32
    %sign3A = arith.constant 0 : i32
    %sign3A_0 = arith.cmpi sgt, %arg1, %sign3A : i32
    %sign3A_1 = arith.extui %sign3A_0 : i1 to i32
    %sign3A_2 = arith.constant 0 : i32
    %sign3A_3 = arith.cmpi slt, %arg1, %sign3A_2 : i32
    %sign3A_4 = arith.extui %sign3A_3 : i1 to i32
    %sign3A_5 = arith.subi %sign3A_1, %sign3A_4 : i32
    %sign3A_6 = arith.constant 0 : i32
    %sign3A_7 = arith.cmpi sgt, %jit3A, %sign3A_6 : i32
    %sign3A_8 = arith.extui %sign3A_7 : i1 to i32
    %sign3A_9 = arith.constant 0 : i32
    %sign3A_10 = arith.cmpi slt, %jit3A, %sign3A_9 : i32
    %sign3A_11 = arith.extui %sign3A_10 : i1 to i32
    %sign3A_12 = arith.subi %sign3A_8, %sign3A_11 : i32
    %ne3A = arith.cmpi ne, %sign3A_5, %sign3A_12 : i32
    %rem3A = arith.remsi %arg1, %jit3A : i32
    %ne3A_13 = arith.constant 0 : i32
    %ne3A_14 = arith.cmpi ne, %rem3A, %ne3A_13 : i32
    %and3A = arith.andi %ne3A, %ne3A_14 : i1
    %sub3A = arith.constant 1 : i32
    %sub3A_15 = arith.subi %div3A, %sub3A : i32
    %select_n3A = arith.select %and3A, %sub3A_15, %div3A : i32
    %rem3A_16 = arith.constant 16 : i32
    %rem3A_17 = arith.remsi %arg1, %rem3A_16 : i32
    %multiple_of3A = arith.constant 0 : i32
    %multiple_of3A_18 = tpu.assume_multiple %multiple_of3A, 128 : i32
    "tpu.region"() ({
      %run_scoped3A = tpu.sem_alloc : memref<!tpu.dma_semaphore, #tpu.memory_space<semaphore_mem>>
      %dma_start3A_176 = tpu.memref_slice %arg4[%multiple_of3A_18] : memref<81920xf32, #tpu.memory_space<hbm>> -> memref<10240xf32, #tpu.memory_space<hbm>>
      %dma_start3A_177 = tpu.memref_slice %arg4[%multiple_of3A_18] : memref<81920xf32, #tpu.memory_space<hbm>> -> memref<10240xf32, #tpu.memory_space<hbm>>
      tpu.enqueue_dma source(%dma_start3A_177 : memref<10240xf32, #tpu.memory_space<hbm>>) target(%arg11 : memref<10240xf32, #tpu.memory_space<vmem>>) target_semaphore(%run_scoped3A : memref<!tpu.dma_semaphore, #tpu.memory_space<semaphore_mem>>)
      %dma_wait3A_178 = tpu.memref_slice %arg4[%multiple_of3A_18] : memref<81920xf32, #tpu.memory_space<hbm>> -> memref<10240xf32, #tpu.memory_space<hbm>>
      %dma_wait3A_179 = tpu.memref_slice %arg4[%multiple_of3A_18] : memref<81920xf32, #tpu.memory_space<hbm>> -> memref<10240xf32, #tpu.memory_space<hbm>>
      tpu.wait_dma2 semaphore(%run_scoped3A : memref<!tpu.dma_semaphore, #tpu.memory_space<semaphore_mem>>) src(%dma_wait3A_179 : memref<10240xf32, #tpu.memory_space<hbm>>) dst(%arg11 : memref<10240xf32, #tpu.memory_space<vmem>>)
      tpu.yield
    }) : () -> ()
    %multiple_of3A_19 = arith.constant 0 : i32
    %multiple_of3A_20 = tpu.assume_multiple %multiple_of3A_19, 128 : i32
    "tpu.region"() ({
      %run_scoped3A = tpu.sem_alloc : memref<!tpu.dma_semaphore, #tpu.memory_space<semaphore_mem>>
      %dma_start3A_176 = tpu.memref_slice %arg5[%multiple_of3A_20] : memref<81920xf32, #tpu.memory_space<hbm>> -> memref<10240xf32, #tpu.memory_space<hbm>>
      %dma_start3A_177 = tpu.memref_slice %arg5[%multiple_of3A_20] : memref<81920xf32, #tpu.memory_space<hbm>> -> memref<10240xf32, #tpu.memory_space<hbm>>
      tpu.enqueue_dma source(%dma_start3A_177 : memref<10240xf32, #tpu.memory_space<hbm>>) target(%arg12 : memref<10240xf32, #tpu.memory_space<vmem>>) target_semaphore(%run_scoped3A : memref<!tpu.dma_semaphore, #tpu.memory_space<semaphore_mem>>)
      %dma_wait3A_178 = tpu.memref_slice %arg5[%multiple_of3A_20] : memref<81920xf32, #tpu.memory_space<hbm>> -> memref<10240xf32, #tpu.memory_space<hbm>>
      %dma_wait3A_179 = tpu.memref_slice %arg5[%multiple_of3A_20] : memref<81920xf32, #tpu.memory_space<hbm>> -> memref<10240xf32, #tpu.memory_space<hbm>>
      tpu.wait_dma2 semaphore(%run_scoped3A : memref<!tpu.dma_semaphore, #tpu.memory_space<semaphore_mem>>) src(%dma_wait3A_179 : memref<10240xf32, #tpu.memory_space<hbm>>) dst(%arg12 : memref<10240xf32, #tpu.memory_space<vmem>>)
      tpu.yield
    }) : () -> ()
    %multiple_of3A_21 = arith.constant 0 : i32
    %multiple_of3A_22 = tpu.assume_multiple %multiple_of3A_21, 128 : i32
    "tpu.region"() ({
      %run_scoped3A = tpu.sem_alloc : memref<!tpu.dma_semaphore, #tpu.memory_space<semaphore_mem>>
      %dma_start3A_176 = tpu.memref_slice %arg7[%multiple_of3A_22] : memref<1024xf32, #tpu.memory_space<hbm>> -> memref<128xf32, #tpu.memory_space<hbm>>
      %dma_start3A_177 = tpu.memref_slice %arg7[%multiple_of3A_22] : memref<1024xf32, #tpu.memory_space<hbm>> -> memref<128xf32, #tpu.memory_space<hbm>>
      tpu.enqueue_dma source(%dma_start3A_177 : memref<128xf32, #tpu.memory_space<hbm>>) target(%arg17 : memref<128xf32, #tpu.memory_space<vmem>>) target_semaphore(%run_scoped3A : memref<!tpu.dma_semaphore, #tpu.memory_space<semaphore_mem>>)
      %dma_wait3A_178 = tpu.memref_slice %arg7[%multiple_of3A_22] : memref<1024xf32, #tpu.memory_space<hbm>> -> memref<128xf32, #tpu.memory_space<hbm>>
      %dma_wait3A_179 = tpu.memref_slice %arg7[%multiple_of3A_22] : memref<1024xf32, #tpu.memory_space<hbm>> -> memref<128xf32, #tpu.memory_space<hbm>>
      tpu.wait_dma2 semaphore(%run_scoped3A : memref<!tpu.dma_semaphore, #tpu.memory_space<semaphore_mem>>) src(%dma_wait3A_179 : memref<128xf32, #tpu.memory_space<hbm>>) dst(%arg17 : memref<128xf32, #tpu.memory_space<vmem>>)
      tpu.yield
    }) : () -> ()
    %broadcast_in_dim3A = arith.constant -1.000000e+30 : f32
    %broadcast_in_dim3A_23 = vector.broadcast %broadcast_in_dim3A : f32 to vector<16xf32>
    %swap3A = arith.constant 10000 : index
    %swap3A_24 = tpu.vector_load %arg11[%swap3A] {strides = array<i32>} : memref<10240xf32, #tpu.memory_space<vmem>>, vector<16xf32>,
    tpu.vector_store %arg11[%swap3A], %broadcast_in_dim3A_23 {strides = array<i32>} : memref<10240xf32, #tpu.memory_space<vmem>>, vector<16xf32>,
    %broadcast_in_dim3A_25 = arith.constant -1.000000e+30 : f32
    %broadcast_in_dim3A_26 = vector.broadcast %broadcast_in_dim3A_25 : f32 to vector<16xf32>
    %swap3A_27 = arith.constant 10000 : index
    %swap3A_28 = tpu.vector_load %arg12[%swap3A_27] {strides = array<i32>} : memref<10240xf32, #tpu.memory_space<vmem>>, vector<16xf32>,
    tpu.vector_store %arg12[%swap3A_27], %broadcast_in_dim3A_26 {strides = array<i32>} : memref<10240xf32, #tpu.memory_space<vmem>>, vector<16xf32>,
    %get3A = arith.constant 0 : index
    %get3A_29 = tpu.vector_load %arg17[%get3A] {strides = array<i32>} : memref<128xf32, #tpu.memory_space<vmem>>, vector<16xf32>,
    %mul3A = arith.constant 64 : i32
    %mul3A_30 = arith.muli %arg0, %mul3A : i32
    %mul3A_31 = arith.constant 64 : i32
    %mul3A_32 = arith.muli %select_n3A, %mul3A_31 : i32
    %add3A = arith.addi %mul3A_30, %mul3A_32 : i32
    %mul3A_33 = arith.constant 4 : i32
    %mul3A_34 = arith.muli %rem3A_17, %mul3A_33 : i32
    %add3A_35 = arith.addi %add3A, %mul3A_34 : i32
    %mul3A_36 = arith.constant 10240 : i32
    %mul3A_37 = arith.muli %add3A_35, %mul3A_36 : i32
    %multiple_of3A_38 = tpu.assume_multiple %mul3A_37, 128 : i32
    %dma_start3A = tpu.memref_slice %arg6[%multiple_of3A_38] : memref<1310720xf32, #tpu.memory_space<hbm>> -> memref<40960xf32, #tpu.memory_space<hbm>>
    %dma_start3A_39 = tpu.memref_slice %arg6[%multiple_of3A_38] : memref<1310720xf32, #tpu.memory_space<hbm>> -> memref<40960xf32, #tpu.memory_space<hbm>>
    tpu.enqueue_dma source(%dma_start3A_39 : memref<40960xf32, #tpu.memory_space<hbm>>) target(%arg9 : memref<40960xf32, #tpu.memory_space<vmem>>) target_semaphore(%arg20 : memref<!tpu.dma_semaphore, #tpu.memory_space<semaphore_mem>>)
    %scan3A = arith.constant 0 : i32
    %scan3A_40 = arith.constant 0 : i32
    %scan3A_41 = arith.constant 2560 : i32
    %scan3A_42 = arith.addi %scan3A_40, %scan3A_41 : i32
    %scan3A_43 = arith.constant 1 : i32
    %scan3A_44 = scf.for %scan3A_176 = %scan3A_40 to %scan3A_42 step %scan3A_43 iter_args(%scan3A_177 = %scan3A) -> (i32)  : i32 {
      %broadcast_in_dim3A_178 = arith.constant 0.000000e+00 : f32
      %broadcast_in_dim3A_179 = vector.broadcast %broadcast_in_dim3A_178 : f32 to vector<16xf32>
      %mul3A_180 = arith.constant 16 : i32
      %mul3A_181 = arith.muli %scan3A_176, %mul3A_180 : i32
      %swap3A_182 = arith.index_cast %mul3A_181 : i32 to index
      %swap3A_183 = tpu.vector_load %arg10[%swap3A_182] {strides = array<i32>} : memref<40960xf32, #tpu.memory_space<vmem>>, vector<16xf32>,
      tpu.vector_store %arg10[%swap3A_182], %broadcast_in_dim3A_179 {strides = array<i32>} : memref<40960xf32, #tpu.memory_space<vmem>>, vector<16xf32>,
      %scan3A_184 = arith.constant 0 : i32
      scf.yield %scan3A_184 : i32
    }
    %scan3A_45 = arith.constant 2560 : i32
    %scan3A_46 = arith.constant 0 : i32
    %scan3A_47 = arith.constant 0 : i32
    %scan3A_48 = arith.constant 640 : i32
    %scan3A_49 = arith.addi %scan3A_47, %scan3A_48 : i32
    %scan3A_50 = arith.constant 1 : i32
    %scan3A_51 = scf.for %scan3A_176 = %scan3A_47 to %scan3A_49 step %scan3A_50 iter_args(%scan3A_177 = %scan3A_46) -> (i32)  : i32 {
      %broadcast_in_dim3A_178 = arith.constant 0.000000e+00 : f32
      %broadcast_in_dim3A_179 = vector.broadcast %broadcast_in_dim3A_178 : f32 to vector<16xf32>
      %mul3A_180 = arith.constant 16 : i32
      %mul3A_181 = arith.muli %scan3A_176, %mul3A_180 : i32
      %swap3A_182 = arith.index_cast %mul3A_181 : i32 to index
      %swap3A_183 = tpu.vector_load %arg13[%swap3A_182] {strides = array<i32>} : memref<10240xf32, #tpu.memory_space<vmem>>, vector<16xf32>,
      tpu.vector_store %arg13[%swap3A_182], %broadcast_in_dim3A_179 {strides = array<i32>} : memref<10240xf32, #tpu.memory_space<vmem>>, vector<16xf32>,
      %scan3A_184 = arith.constant 0 : i32
      scf.yield %scan3A_184 : i32
    }
    %scan3A_52 = arith.constant 640 : i32
    "tpu.trace_start"() <{level = 10 : i32, message = "sc_passA"}> : () -> ()
    %mul3A_53 = arith.constant 21504 : i32
    %mul3A_54 = arith.muli %rem3A_17, %mul3A_53 : i32
    %add3A_55 = arith.constant 0 : i32
    %add3A_56 = arith.addi %mul3A_54, %add3A_55 : i32
    %multiple_of3A_57 = tpu.assume_multiple %add3A_56, 128 : i32
    %multiple_of3A_58 = arith.constant 0 : i32
    %multiple_of3A_59 = tpu.assume_multiple %multiple_of3A_58, 128 : i32
    %dma_start3A_60 = arith.constant 0 : i32
    %dma_start3A_61 = tpu.memref_slice %arg15[%multiple_of3A_59] : memref<2048xi32, #tpu.memory_space<vmem>> -> memref<1024xi32, #tpu.memory_space<vmem>>
    %dma_start3A_62 = tpu.memref_slice %arg2[%multiple_of3A_57] : memref<344064xi32, #tpu.memory_space<hbm>> -> memref<1024xi32, #tpu.memory_space<hbm>>
    %dma_start3A_63 = tpu.memref_slice %arg19[%dma_start3A_60] : memref<2x!tpu.dma_semaphore, #tpu.memory_space<semaphore_mem>> -> memref<1x!tpu.dma_semaphore, #tpu.memory_space<semaphore_mem>>
    %dma_start3A_64 = tpu.memref_squeeze %dma_start3A_63 : memref<1x!tpu.dma_semaphore, #tpu.memory_space<semaphore_mem>> -> memref<!tpu.dma_semaphore, #tpu.memory_space<semaphore_mem>>
    %dma_start3A_65 = tpu.memref_slice %arg15[%multiple_of3A_59] : memref<2048xi32, #tpu.memory_space<vmem>> -> memref<1024xi32, #tpu.memory_space<vmem>>
    %dma_start3A_66 = tpu.memref_slice %arg2[%multiple_of3A_57] : memref<344064xi32, #tpu.memory_space<hbm>> -> memref<1024xi32, #tpu.memory_space<hbm>>
    tpu.enqueue_dma source(%dma_start3A_66 : memref<1024xi32, #tpu.memory_space<hbm>>) target(%dma_start3A_65 : memref<1024xi32, #tpu.memory_space<vmem>>) target_semaphore(%dma_start3A_64 : memref<!tpu.dma_semaphore, #tpu.memory_space<semaphore_mem>>)
    %dma_start3A_67 = arith.constant 0 : i32
    %dma_start3A_68 = tpu.memref_slice %arg16[%multiple_of3A_59] : memref<2048xi32, #tpu.memory_space<vmem>> -> memref<1024xi32, #tpu.memory_space<vmem>>
    %dma_start3A_69 = tpu.memref_slice %arg3[%multiple_of3A_57] : memref<344064xi32, #tpu.memory_space<hbm>> -> memref<1024xi32, #tpu.memory_space<hbm>>
    %dma_start3A_70 = tpu.memref_slice %arg19[%dma_start3A_67] : memref<2x!tpu.dma_semaphore, #tpu.memory_space<semaphore_mem>> -> memref<1x!tpu.dma_semaphore, #tpu.memory_space<semaphore_mem>>
    %dma_start3A_71 = tpu.memref_squeeze %dma_start3A_70 : memref<1x!tpu.dma_semaphore, #tpu.memory_space<semaphore_mem>> -> memref<!tpu.dma_semaphore, #tpu.memory_space<semaphore_mem>>
    %dma_start3A_72 = tpu.memref_slice %arg16[%multiple_of3A_59] : memref<2048xi32, #tpu.memory_space<vmem>> -> memref<1024xi32, #tpu.memory_space<vmem>>
    %dma_start3A_73 = tpu.memref_slice %arg3[%multiple_of3A_57] : memref<344064xi32, #tpu.memory_space<hbm>> -> memref<1024xi32, #tpu.memory_space<hbm>>
    tpu.enqueue_dma source(%dma_start3A_73 : memref<1024xi32, #tpu.memory_space<hbm>>) target(%dma_start3A_72 : memref<1024xi32, #tpu.memory_space<vmem>>) target_semaphore(%dma_start3A_71 : memref<!tpu.dma_semaphore, #tpu.memory_space<semaphore_mem>>)
    %add3A_74 = arith.constant 1024 : i32
    %add3A_75 = arith.addi %mul3A_54, %add3A_74 : i32
    %multiple_of3A_76 = tpu.assume_multiple %add3A_75, 128 : i32
    %multiple_of3A_77 = arith.constant 1024 : i32
    %multiple_of3A_78 = tpu.assume_multiple %multiple_of3A_77, 128 : i32
    %dma_start3A_79 = arith.constant 1 : i32
    %dma_start3A_80 = tpu.memref_slice %arg15[%multiple_of3A_78] : memref<2048xi32, #tpu.memory_space<vmem>> -> memref<1024xi32, #tpu.memory_space<vmem>>
    %dma_start3A_81 = tpu.memref_slice %arg2[%multiple_of3A_76] : memref<344064xi32, #tpu.memory_space<hbm>> -> memref<1024xi32, #tpu.memory_space<hbm>>
    %dma_start3A_82 = tpu.memref_slice %arg19[%dma_start3A_79] : memref<2x!tpu.dma_semaphore, #tpu.memory_space<semaphore_mem>> -> memref<1x!tpu.dma_semaphore, #tpu.memory_space<semaphore_mem>>
    %dma_start3A_83 = tpu.memref_squeeze %dma_start3A_82 : memref<1x!tpu.dma_semaphore, #tpu.memory_space<semaphore_mem>> -> memref<!tpu.dma_semaphore, #tpu.memory_space<semaphore_mem>>
    %dma_start3A_84 = tpu.memref_slice %arg15[%multiple_of3A_78] : memref<2048xi32, #tpu.memory_space<vmem>> -> memref<1024xi32, #tpu.memory_space<vmem>>
    %dma_start3A_85 = tpu.memref_slice %arg2[%multiple_of3A_76] : memref<344064xi32, #tpu.memory_space<hbm>> -> memref<1024xi32, #tpu.memory_space<hbm>>
    tpu.enqueue_dma source(%dma_start3A_85 : memref<1024xi32, #tpu.memory_space<hbm>>) target(%dma_start3A_84 : memref<1024xi32, #tpu.memory_space<vmem>>) target_semaphore(%dma_start3A_83 : memref<!tpu.dma_semaphore, #tpu.memory_space<semaphore_mem>>)
    %dma_start3A_86 = arith.constant 1 : i32
    %dma_start3A_87 = tpu.memref_slice %arg16[%multiple_of3A_78] : memref<2048xi32, #tpu.memory_space<vmem>> -> memref<1024xi32, #tpu.memory_space<vmem>>
    %dma_start3A_88 = tpu.memref_slice %arg3[%multiple_of3A_76] : memref<344064xi32, #tpu.memory_space<hbm>> -> memref<1024xi32, #tpu.memory_space<hbm>>
    %dma_start3A_89 = tpu.memref_slice %arg19[%dma_start3A_86] : memref<2x!tpu.dma_semaphore, #tpu.memory_space<semaphore_mem>> -> memref<1x!tpu.dma_semaphore, #tpu.memory_space<semaphore_mem>>
    %dma_start3A_90 = tpu.memref_squeeze %dma_start3A_89 : memref<1x!tpu.dma_semaphore, #tpu.memory_space<semaphore_mem>> -> memref<!tpu.dma_semaphore, #tpu.memory_space<semaphore_mem>>
    %dma_start3A_91 = tpu.memref_slice %arg16[%multiple_of3A_78] : memref<2048xi32, #tpu.memory_space<vmem>> -> memref<1024xi32, #tpu.memory_space<vmem>>
    %dma_start3A_92 = tpu.memref_slice %arg3[%multiple_of3A_76] : memref<344064xi32, #tpu.memory_space<hbm>> -> memref<1024xi32, #tpu.memory_space<hbm>>
    tpu.enqueue_dma source(%dma_start3A_92 : memref<1024xi32, #tpu.memory_space<hbm>>) target(%dma_start3A_91 : memref<1024xi32, #tpu.memory_space<vmem>>) target_semaphore(%dma_start3A_90 : memref<!tpu.dma_semaphore, #tpu.memory_space<semaphore_mem>>)
    %scan3A_93 = arith.constant 0 : i32
    %scan3A_94 = arith.constant 0 : i32
    %scan3A_95 = arith.constant 21 : i32
    %scan3A_96 = arith.addi %scan3A_94, %scan3A_95 : i32
    %scan3A_97 = arith.constant 1 : i32
    %scan3A_98 = scf.for %scan3A_176 = %scan3A_94 to %scan3A_96 step %scan3A_97 iter_args(%scan3A_177 = %scan3A_93) -> (i32)  : i32 {
      %rem3A_178 = arith.constant 2 : i32
      %rem3A_179 = arith.remsi %scan3A_176, %rem3A_178 : i32
      %mul3A_180 = arith.constant 1024 : i32
      %mul3A_181 = arith.muli %rem3A_179, %mul3A_180 : i32
      %multiple_of3A_182 = tpu.assume_multiple %mul3A_181, 128 : i32
      %dma_wait3A_183 = tpu.memref_slice %arg15[%multiple_of3A_182] : memref<2048xi32, #tpu.memory_space<vmem>> -> memref<1024xi32, #tpu.memory_space<vmem>>
      %dma_wait3A_184 = arith.constant 0 : i32
      %dma_wait3A_185 = tpu.memref_slice %arg2[%dma_wait3A_184] : memref<344064xi32, #tpu.memory_space<hbm>> -> memref<1024xi32, #tpu.memory_space<hbm>>
      %dma_wait3A_186 = tpu.memref_slice %arg19[%rem3A_179] : memref<2x!tpu.dma_semaphore, #tpu.memory_space<semaphore_mem>> -> memref<1x!tpu.dma_semaphore, #tpu.memory_space<semaphore_mem>>
      %dma_wait3A_187 = tpu.memref_squeeze %dma_wait3A_186 : memref<1x!tpu.dma_semaphore, #tpu.memory_space<semaphore_mem>> -> memref<!tpu.dma_semaphore, #tpu.memory_space<semaphore_mem>>
      %dma_wait3A_188 = tpu.memref_slice %arg15[%multiple_of3A_182] : memref<2048xi32, #tpu.memory_space<vmem>> -> memref<1024xi32, #tpu.memory_space<vmem>>
      %dma_wait3A_189 = arith.constant 0 : i32
      %dma_wait3A_190 = tpu.memref_slice %arg2[%dma_wait3A_189] : memref<344064xi32, #tpu.memory_space<hbm>> -> memref<1024xi32, #tpu.memory_space<hbm>>
      tpu.wait_dma2 semaphore(%dma_wait3A_187 : memref<!tpu.dma_semaphore, #tpu.memory_space<semaphore_mem>>) src(%dma_wait3A_190 : memref<1024xi32, #tpu.memory_space<hbm>>) dst(%dma_wait3A_188 : memref<1024xi32, #tpu.memory_space<vmem>>)
      %dma_wait3A_191 = tpu.memref_slice %arg16[%multiple_of3A_182] : memref<2048xi32, #tpu.memory_space<vmem>> -> memref<1024xi32, #tpu.memory_space<vmem>>
      %dma_wait3A_192 = arith.constant 0 : i32
      %dma_wait3A_193 = tpu.memref_slice %arg3[%dma_wait3A_192] : memref<344064xi32, #tpu.memory_space<hbm>> -> memref<1024xi32, #tpu.memory_space<hbm>>
      %dma_wait3A_194 = tpu.memref_slice %arg19[%rem3A_179] : memref<2x!tpu.dma_semaphore, #tpu.memory_space<semaphore_mem>> -> memref<1x!tpu.dma_semaphore, #tpu.memory_space<semaphore_mem>>
      %dma_wait3A_195 = tpu.memref_squeeze %dma_wait3A_194 : memref<1x!tpu.dma_semaphore, #tpu.memory_space<semaphore_mem>> -> memref<!tpu.dma_semaphore, #tpu.memory_space<semaphore_mem>>
      %dma_wait3A_196 = tpu.memref_slice %arg16[%multiple_of3A_182] : memref<2048xi32, #tpu.memory_space<vmem>> -> memref<1024xi32, #tpu.memory_space<vmem>>
      %dma_wait3A_197 = arith.constant 0 : i32
      %dma_wait3A_198 = tpu.memref_slice %arg3[%dma_wait3A_197] : memref<344064xi32, #tpu.memory_space<hbm>> -> memref<1024xi32, #tpu.memory_space<hbm>>
      tpu.wait_dma2 semaphore(%dma_wait3A_195 : memref<!tpu.dma_semaphore, #tpu.memory_space<semaphore_mem>>) src(%dma_wait3A_198 : memref<1024xi32, #tpu.memory_space<hbm>>) dst(%dma_wait3A_196 : memref<1024xi32, #tpu.memory_space<vmem>>)
      %parallel_loop3A = arith.constant 0 : i32
      %parallel_loop3A_199 = arith.constant 64 : i32
      %parallel_loop3A_200 = arith.constant 1 : i32
      scf.for %parallel_loop3A_206 = %parallel_loop3A to %parallel_loop3A_199 step %parallel_loop3A_200  : i32 {
        %parallel_loop3A_207 = arith.constant 16 : i32
        %parallel_loop3A_208 = arith.muli %parallel_loop3A_206, %parallel_loop3A_207 : i32
        %parallel_loop3A_209 = arith.addi %multiple_of3A_182, %parallel_loop3A_208 : i32
        %parallel_loop3A_210 = arith.index_cast %parallel_loop3A_209 : i32 to index
        %parallel_loop3A_211 = tpu.vector_load %arg15[%parallel_loop3A_210] {strides = array<i32>} : memref<2048xi32, #tpu.memory_space<vmem>>, vector<16xi32>,
        %parallel_loop3A_212 = arith.constant 16 : i32
        %parallel_loop3A_213 = arith.muli %parallel_loop3A_206, %parallel_loop3A_212 : i32
        %parallel_loop3A_214 = arith.addi %multiple_of3A_182, %parallel_loop3A_213 : i32
        %parallel_loop3A_215 = arith.index_cast %parallel_loop3A_214 : i32 to index
        %parallel_loop3A_216 = tpu.vector_load %arg16[%parallel_loop3A_215] {strides = array<i32>} : memref<2048xi32, #tpu.memory_space<vmem>>, vector<16xi32>,
        %parallel_loop3A_217 = tpu.vector_load_idx %arg11[%parallel_loop3A_211] : memref<10240xf32, #tpu.memory_space<vmem>>[vector<16xi32>], vector<16xf32>,
        %parallel_loop3A_218 = tpu.vector_load_idx %arg12[%parallel_loop3A_216] : memref<10240xf32, #tpu.memory_space<vmem>>[vector<16xi32>], vector<16xf32>,
        %parallel_loop3A_219 = arith.addf %parallel_loop3A_217, %parallel_loop3A_218 : vector<16xf32>
        %parallel_loop3A_220 = arith.constant 0.000000e+00 : f32
        %parallel_loop3A_221 = vector.broadcast %parallel_loop3A_220 : f32 to vector<16xf32>
        %parallel_loop3A_222 = arith.cmpf oge, %parallel_loop3A_219, %parallel_loop3A_221 : vector<16xf32>
        %parallel_loop3A_223 = arith.constant 2.000000e-01 : f32
        %parallel_loop3A_224 = vector.broadcast %parallel_loop3A_223 : f32 to vector<16xf32>
        %parallel_loop3A_225 = arith.mulf %parallel_loop3A_219, %parallel_loop3A_224 : vector<16xf32>
        %parallel_loop3A_226 = arith.select %parallel_loop3A_222, %parallel_loop3A_219, %parallel_loop3A_225 : vector<16xi1>, vector<16xf32>
        %parallel_loop3A_227 = arith.subf %parallel_loop3A_226, %get3A_29 : vector<16xf32>
        %parallel_loop3A_228 = math.exp %parallel_loop3A_227 : vector<16xf32>
        tpu.vector_store_idx %arg13[%parallel_loop3A_216], %parallel_loop3A_228 {add = true} : memref<10240xf32, #tpu.memory_space<vmem>>[vector<16xi32>], vector<16xf32>,
      } {sc.loop_unroll_factor = 2 : i64, sc.parallel_access}
      %add3A_201 = arith.constant 2 : i32
      %add3A_202 = arith.addi %scan3A_176, %add3A_201 : i32
      %lt3A = arith.constant 21 : i32
      %lt3A_203 = arith.cmpi slt, %add3A_202, %lt3A : i32
      %convert_element_type3A = arith.extui %lt3A_203 : i1 to i32
      %cond3A = arith.constant 0 : i32
      %cond3A_204 = arith.cmpi ne, %convert_element_type3A, %cond3A : i32
      scf.if %cond3A_204 {
        %add3A_206 = arith.constant 2 : i32
        %add3A_207 = arith.addi %scan3A_176, %add3A_206 : i32
        %mul3A_208 = arith.constant 1024 : i32
        %mul3A_209 = arith.muli %add3A_207, %mul3A_208 : i32
        %add3A_210 = arith.addi %mul3A_54, %mul3A_209 : i32
        %multiple_of3A_211 = tpu.assume_multiple %add3A_210, 128 : i32
        %mul3A_212 = arith.constant 1024 : i32
        %mul3A_213 = arith.muli %rem3A_179, %mul3A_212 : i32
        %multiple_of3A_214 = tpu.assume_multiple %mul3A_213, 128 : i32
        %dma_start3A_215 = tpu.memref_slice %arg15[%multiple_of3A_214] : memref<2048xi32, #tpu.memory_space<vmem>> -> memref<1024xi32, #tpu.memory_space<vmem>>
        %dma_start3A_216 = tpu.memref_slice %arg2[%multiple_of3A_211] : memref<344064xi32, #tpu.memory_space<hbm>> -> memref<1024xi32, #tpu.memory_space<hbm>>
        %dma_start3A_217 = tpu.memref_slice %arg19[%rem3A_179] : memref<2x!tpu.dma_semaphore, #tpu.memory_space<semaphore_mem>> -> memref<1x!tpu.dma_semaphore, #tpu.memory_space<semaphore_mem>>
        %dma_start3A_218 = tpu.memref_squeeze %dma_start3A_217 : memref<1x!tpu.dma_semaphore, #tpu.memory_space<semaphore_mem>> -> memref<!tpu.dma_semaphore, #tpu.memory_space<semaphore_mem>>
        %dma_start3A_219 = tpu.memref_slice %arg15[%multiple_of3A_214] : memref<2048xi32, #tpu.memory_space<vmem>> -> memref<1024xi32, #tpu.memory_space<vmem>>
        %dma_start3A_220 = tpu.memref_slice %arg2[%multiple_of3A_211] : memref<344064xi32, #tpu.memory_space<hbm>> -> memref<1024xi32, #tpu.memory_space<hbm>>
        tpu.enqueue_dma source(%dma_start3A_220 : memref<1024xi32, #tpu.memory_space<hbm>>) target(%dma_start3A_219 : memref<1024xi32, #tpu.memory_space<vmem>>) target_semaphore(%dma_start3A_218 : memref<!tpu.dma_semaphore, #tpu.memory_space<semaphore_mem>>)
        %dma_start3A_221 = tpu.memref_slice %arg16[%multiple_of3A_214] : memref<2048xi32, #tpu.memory_space<vmem>> -> memref<1024xi32, #tpu.memory_space<vmem>>
        %dma_start3A_222 = tpu.memref_slice %arg3[%multiple_of3A_211] : memref<344064xi32, #tpu.memory_space<hbm>> -> memref<1024xi32, #tpu.memory_space<hbm>>
        %dma_start3A_223 = tpu.memref_slice %arg19[%rem3A_179] : memref<2x!tpu.dma_semaphore, #tpu.memory_space<semaphore_mem>> -> memref<1x!tpu.dma_semaphore, #tpu.memory_space<semaphore_mem>>
        %dma_start3A_224 = tpu.memref_squeeze %dma_start3A_223 : memref<1x!tpu.dma_semaphore, #tpu.memory_space<semaphore_mem>> -> memref<!tpu.dma_semaphore, #tpu.memory_space<semaphore_mem>>
        %dma_start3A_225 = tpu.memref_slice %arg16[%multiple_of3A_214] : memref<2048xi32, #tpu.memory_space<vmem>> -> memref<1024xi32, #tpu.memory_space<vmem>>
        %dma_start3A_226 = tpu.memref_slice %arg3[%multiple_of3A_211] : memref<344064xi32, #tpu.memory_space<hbm>> -> memref<1024xi32, #tpu.memory_space<hbm>>
        tpu.enqueue_dma source(%dma_start3A_226 : memref<1024xi32, #tpu.memory_space<hbm>>) target(%dma_start3A_225 : memref<1024xi32, #tpu.memory_space<vmem>>) target_semaphore(%dma_start3A_224 : memref<!tpu.dma_semaphore, #tpu.memory_space<semaphore_mem>>)
      } else {
      }
      %scan3A_205 = arith.constant 0 : i32
      scf.yield %scan3A_205 : i32
    }
    %scan3A_99 = arith.constant 21 : i32
    "tpu.trace_stop"() : () -> ()
    %mul3A_100 = arith.constant 10240 : i32
    %mul3A_101 = arith.muli %arg1, %mul3A_100 : i32
    %multiple_of3A_102 = tpu.assume_multiple %mul3A_101, 128 : i32
    "tpu.region"() ({
      %run_scoped3A = tpu.sem_alloc : memref<!tpu.dma_semaphore, #tpu.memory_space<semaphore_mem>>
      %dma_start3A_176 = tpu.memref_slice %arg18[%multiple_of3A_102] : memref<163840xf32, #tpu.memory_space<vmem_shared>> -> memref<10240xf32, #tpu.memory_space<vmem_shared>>
      %dma_start3A_177 = tpu.memref_slice %arg18[%multiple_of3A_102] : memref<163840xf32, #tpu.memory_space<vmem_shared>> -> memref<10240xf32, #tpu.memory_space<vmem_shared>>
      tpu.enqueue_dma source(%arg13 : memref<10240xf32, #tpu.memory_space<vmem>>) target(%dma_start3A_177 : memref<10240xf32, #tpu.memory_space<vmem_shared>>) target_semaphore(%run_scoped3A : memref<!tpu.dma_semaphore, #tpu.memory_space<semaphore_mem>>)
      %dma_wait3A_178 = tpu.memref_slice %arg18[%multiple_of3A_102] : memref<163840xf32, #tpu.memory_space<vmem_shared>> -> memref<10240xf32, #tpu.memory_space<vmem_shared>>
      %dma_wait3A_179 = tpu.memref_slice %arg18[%multiple_of3A_102] : memref<163840xf32, #tpu.memory_space<vmem_shared>> -> memref<10240xf32, #tpu.memory_space<vmem_shared>>
      tpu.wait_dma2 semaphore(%run_scoped3A : memref<!tpu.dma_semaphore, #tpu.memory_space<semaphore_mem>>) src(%arg13 : memref<10240xf32, #tpu.memory_space<vmem>>) dst(%dma_wait3A_179 : memref<10240xf32, #tpu.memory_space<vmem_shared>>)
      tpu.yield
    }) : () -> ()
    %barrier3A = arith.constant 0 : index
    tpu.barrier barrier_id(%barrier3A)
    %mul3A_103 = arith.constant 640 : i32
    %mul3A_104 = arith.muli %rem3A_17, %mul3A_103 : i32
    %multiple_of3A_105 = tpu.assume_multiple %mul3A_104, 128 : i32
    %mul3A_106 = arith.constant 16 : i32
    %mul3A_107 = arith.muli %select_n3A, %mul3A_106 : i32
    %mul3A_108 = arith.constant 10240 : i32
    %mul3A_109 = arith.muli %mul3A_107, %mul3A_108 : i32
    %multiple_of3A_110 = tpu.assume_multiple %mul3A_109, 128 : i32
    %add3A_111 = arith.addi %multiple_of3A_110, %multiple_of3A_105 : i32
    "tpu.region"() ({
      %run_scoped3A = tpu.sem_alloc : memref<!tpu.dma_semaphore, #tpu.memory_space<semaphore_mem>>
      %dma_start3A_176 = tpu.memref_slice %arg13[%multiple_of3A_105] : memref<10240xf32, #tpu.memory_space<vmem>> -> memref<640xf32, #tpu.memory_space<vmem>>
      %dma_start3A_177 = tpu.memref_slice %arg18[%add3A_111] : memref<163840xf32, #tpu.memory_space<vmem_shared>> -> memref<640xf32, #tpu.memory_space<vmem_shared>>
      %dma_start3A_178 = tpu.memref_slice %arg13[%multiple_of3A_105] : memref<10240xf32, #tpu.memory_space<vmem>> -> memref<640xf32, #tpu.memory_space<vmem>>
      %dma_start3A_179 = tpu.memref_slice %arg18[%add3A_111] : memref<163840xf32, #tpu.memory_space<vmem_shared>> -> memref<640xf32, #tpu.memory_space<vmem_shared>>
      tpu.enqueue_dma source(%dma_start3A_179 : memref<640xf32, #tpu.memory_space<vmem_shared>>) target(%dma_start3A_178 : memref<640xf32, #tpu.memory_space<vmem>>) target_semaphore(%run_scoped3A : memref<!tpu.dma_semaphore, #tpu.memory_space<semaphore_mem>>)
      %dma_wait3A_180 = tpu.memref_slice %arg13[%multiple_of3A_105] : memref<10240xf32, #tpu.memory_space<vmem>> -> memref<640xf32, #tpu.memory_space<vmem>>
      %dma_wait3A_181 = tpu.memref_slice %arg18[%add3A_111] : memref<163840xf32, #tpu.memory_space<vmem_shared>> -> memref<640xf32, #tpu.memory_space<vmem_shared>>
      %dma_wait3A_182 = tpu.memref_slice %arg13[%multiple_of3A_105] : memref<10240xf32, #tpu.memory_space<vmem>> -> memref<640xf32, #tpu.memory_space<vmem>>
      %dma_wait3A_183 = tpu.memref_slice %arg18[%add3A_111] : memref<163840xf32, #tpu.memory_space<vmem_shared>> -> memref<640xf32, #tpu.memory_space<vmem_shared>>
      tpu.wait_dma2 semaphore(%run_scoped3A : memref<!tpu.dma_semaphore, #tpu.memory_space<semaphore_mem>>) src(%dma_wait3A_183 : memref<640xf32, #tpu.memory_space<vmem_shared>>) dst(%dma_wait3A_182 : memref<640xf32, #tpu.memory_space<vmem>>)
      tpu.yield
    }) : () -> ()
    %scan3A_112 = arith.constant 0 : i32
    %scan3A_113 = arith.constant 1 : i32
    %scan3A_114 = arith.constant 15 : i32
    %scan3A_115 = arith.addi %scan3A_113, %scan3A_114 : i32
    %scan3A_116 = arith.constant 1 : i32
    %scan3A_117 = scf.for %scan3A_176 = %scan3A_113 to %scan3A_115 step %scan3A_116 iter_args(%scan3A_177 = %scan3A_112) -> (i32)  : i32 {
      %mul3A_178 = arith.constant 16 : i32
      %mul3A_179 = arith.muli %select_n3A, %mul3A_178 : i32
      %add3A_180 = arith.addi %mul3A_179, %scan3A_176 : i32
      %mul3A_181 = arith.constant 10240 : i32
      %mul3A_182 = arith.muli %add3A_180, %mul3A_181 : i32
      %multiple_of3A_183 = tpu.assume_multiple %mul3A_182, 128 : i32
      %add3A_184 = arith.addi %multiple_of3A_183, %multiple_of3A_105 : i32
      "tpu.region"() ({
        %run_scoped3A = tpu.sem_alloc : memref<!tpu.dma_semaphore, #tpu.memory_space<semaphore_mem>>
        %dma_start3A_193 = tpu.memref_slice %arg18[%add3A_184] : memref<163840xf32, #tpu.memory_space<vmem_shared>> -> memref<640xf32, #tpu.memory_space<vmem_shared>>
        %dma_start3A_194 = tpu.memref_slice %arg18[%add3A_184] : memref<163840xf32, #tpu.memory_space<vmem_shared>> -> memref<640xf32, #tpu.memory_space<vmem_shared>>
        tpu.enqueue_dma source(%dma_start3A_194 : memref<640xf32, #tpu.memory_space<vmem_shared>>) target(%arg14 : memref<640xf32, #tpu.memory_space<vmem>>) target_semaphore(%run_scoped3A : memref<!tpu.dma_semaphore, #tpu.memory_space<semaphore_mem>>)
        %dma_wait3A_195 = tpu.memref_slice %arg18[%add3A_184] : memref<163840xf32, #tpu.memory_space<vmem_shared>> -> memref<640xf32, #tpu.memory_space<vmem_shared>>
        %dma_wait3A_196 = tpu.memref_slice %arg18[%add3A_184] : memref<163840xf32, #tpu.memory_space<vmem_shared>> -> memref<640xf32, #tpu.memory_space<vmem_shared>>
        tpu.wait_dma2 semaphore(%run_scoped3A : memref<!tpu.dma_semaphore, #tpu.memory_space<semaphore_mem>>) src(%dma_wait3A_196 : memref<640xf32, #tpu.memory_space<vmem_shared>>) dst(%arg14 : memref<640xf32, #tpu.memory_space<vmem>>)
        tpu.yield
      }) : () -> ()
      %scan3A_185 = arith.constant 0 : i32
      %scan3A_186 = arith.constant 0 : i32
      %scan3A_187 = arith.constant 40 : i32
      %scan3A_188 = arith.addi %scan3A_186, %scan3A_187 : i32
      %scan3A_189 = arith.constant 1 : i32
      %scan3A_190 = scf.for %scan3A_193 = %scan3A_186 to %scan3A_188 step %scan3A_189 iter_args(%scan3A_194 = %scan3A_185) -> (i32)  : i32 {
        %mul3A_195 = arith.constant 16 : i32
        %mul3A_196 = arith.muli %scan3A_193, %mul3A_195 : i32
        %add3A_197 = arith.addi %multiple_of3A_105, %mul3A_196 : i32
        %get3A_198 = arith.index_cast %add3A_197 : i32 to index
        %get3A_199 = tpu.vector_load %arg13[%get3A_198] {strides = array<i32>} : memref<10240xf32, #tpu.memory_space<vmem>>, vector<16xf32>,
        %mul3A_200 = arith.constant 16 : i32
        %mul3A_201 = arith.muli %scan3A_193, %mul3A_200 : i32
        %get3A_202 = arith.index_cast %mul3A_201 : i32 to index
        %get3A_203 = tpu.vector_load %arg14[%get3A_202] {strides = array<i32>} : memref<640xf32, #tpu.memory_space<vmem>>, vector<16xf32>,
        %add3A_204 = arith.addf %get3A_199, %get3A_203 : vector<16xf32>
        %mul3A_205 = arith.constant 16 : i32
        %mul3A_206 = arith.muli %scan3A_193, %mul3A_205 : i32
        %add3A_207 = arith.addi %multiple_of3A_105, %mul3A_206 : i32
        %swap3A_208 = arith.index_cast %add3A_207 : i32 to index
        %swap3A_209 = tpu.vector_load %arg13[%swap3A_208] {strides = array<i32>} : memref<10240xf32, #tpu.memory_space<vmem>>, vector<16xf32>,
        tpu.vector_store %arg13[%swap3A_208], %add3A_204 {strides = array<i32>} : memref<10240xf32, #tpu.memory_space<vmem>>, vector<16xf32>,
        %scan3A_210 = arith.constant 0 : i32
        scf.yield %scan3A_210 : i32
      }
      %scan3A_191 = arith.constant 40 : i32
      %scan3A_192 = arith.constant 0 : i32
      scf.yield %scan3A_192 : i32
    }
    %scan3A_118 = arith.constant 15 : i32
    %scan3A_119 = arith.constant 0 : i32
    %scan3A_120 = arith.constant 0 : i32
    %scan3A_121 = arith.constant 40 : i32
    %scan3A_122 = arith.addi %scan3A_120, %scan3A_121 : i32
    %scan3A_123 = arith.constant 1 : i32
    %scan3A_124 = scf.for %scan3A_176 = %scan3A_120 to %scan3A_122 step %scan3A_123 iter_args(%scan3A_177 = %scan3A_119) -> (i32)  : i32 {
      %mul3A_178 = arith.constant 16 : i32
      %mul3A_179 = arith.muli %scan3A_176, %mul3A_178 : i32
      %add3A_180 = arith.addi %multiple_of3A_105, %mul3A_179 : i32
      %get3A_181 = arith.index_cast %add3A_180 : i32 to index
      %get3A_182 = tpu.vector_load %arg13[%get3A_181] {strides = array<i32>} : memref<10240xf32, #tpu.memory_space<vmem>>, vector<16xf32>,
      %add3A_183 = arith.constant 1.000000e-16 : f32
      %add3A_184 = vector.broadcast %add3A_183 : f32 to vector<16xf32>
      %add3A_185 = arith.addf %get3A_182, %add3A_184 : vector<16xf32>
      %div3A_186 = arith.constant 1.000000e+00 : f32
      %div3A_187 = vector.broadcast %div3A_186 : f32 to vector<16xf32>
      %div3A_188 = arith.divf %div3A_187, %add3A_185 : vector<16xf32>
      %mul3A_189 = arith.constant 16 : i32
      %mul3A_190 = arith.muli %scan3A_176, %mul3A_189 : i32
      %add3A_191 = arith.addi %multiple_of3A_105, %mul3A_190 : i32
      %swap3A_192 = arith.index_cast %add3A_191 : i32 to index
      %swap3A_193 = tpu.vector_load %arg13[%swap3A_192] {strides = array<i32>} : memref<10240xf32, #tpu.memory_space<vmem>>, vector<16xf32>,
      tpu.vector_store %arg13[%swap3A_192], %div3A_188 {strides = array<i32>} : memref<10240xf32, #tpu.memory_space<vmem>>, vector<16xf32>,
      %scan3A_194 = arith.constant 0 : i32
      scf.yield %scan3A_194 : i32
    }
    %scan3A_125 = arith.constant 40 : i32
    %barrier3A_126 = arith.constant 0 : index
    tpu.barrier barrier_id(%barrier3A_126)
    %add3A_127 = arith.addi %multiple_of3A_110, %multiple_of3A_105 : i32
    "tpu.region"() ({
      %run_scoped3A = tpu.sem_alloc : memref<!tpu.dma_semaphore, #tpu.memory_space<semaphore_mem>>
      %dma_start3A_176 = tpu.memref_slice %arg13[%multiple_of3A_105] : memref<10240xf32, #tpu.memory_space<vmem>> -> memref<640xf32, #tpu.memory_space<vmem>>
      %dma_start3A_177 = tpu.memref_slice %arg18[%add3A_127] : memref<163840xf32, #tpu.memory_space<vmem_shared>> -> memref<640xf32, #tpu.memory_space<vmem_shared>>
      %dma_start3A_178 = tpu.memref_slice %arg18[%add3A_127] : memref<163840xf32, #tpu.memory_space<vmem_shared>> -> memref<640xf32, #tpu.memory_space<vmem_shared>>
      %dma_start3A_179 = tpu.memref_slice %arg13[%multiple_of3A_105] : memref<10240xf32, #tpu.memory_space<vmem>> -> memref<640xf32, #tpu.memory_space<vmem>>
      tpu.enqueue_dma source(%dma_start3A_179 : memref<640xf32, #tpu.memory_space<vmem>>) target(%dma_start3A_178 : memref<640xf32, #tpu.memory_space<vmem_shared>>) target_semaphore(%run_scoped3A : memref<!tpu.dma_semaphore, #tpu.memory_space<semaphore_mem>>)
      %dma_wait3A_180 = tpu.memref_slice %arg13[%multiple_of3A_105] : memref<10240xf32, #tpu.memory_space<vmem>> -> memref<640xf32, #tpu.memory_space<vmem>>
      %dma_wait3A_181 = tpu.memref_slice %arg18[%add3A_127] : memref<163840xf32, #tpu.memory_space<vmem_shared>> -> memref<640xf32, #tpu.memory_space<vmem_shared>>
      %dma_wait3A_182 = tpu.memref_slice %arg18[%add3A_127] : memref<163840xf32, #tpu.memory_space<vmem_shared>> -> memref<640xf32, #tpu.memory_space<vmem_shared>>
      %dma_wait3A_183 = tpu.memref_slice %arg13[%multiple_of3A_105] : memref<10240xf32, #tpu.memory_space<vmem>> -> memref<640xf32, #tpu.memory_space<vmem>>
      tpu.wait_dma2 semaphore(%run_scoped3A : memref<!tpu.dma_semaphore, #tpu.memory_space<semaphore_mem>>) src(%dma_wait3A_183 : memref<640xf32, #tpu.memory_space<vmem>>) dst(%dma_wait3A_182 : memref<640xf32, #tpu.memory_space<vmem_shared>>)
      tpu.yield
    }) : () -> ()
    %barrier3A_128 = arith.constant 0 : index
    tpu.barrier barrier_id(%barrier3A_128)
    "tpu.region"() ({
      %run_scoped3A = tpu.sem_alloc : memref<!tpu.dma_semaphore, #tpu.memory_space<semaphore_mem>>
      %dma_start3A_176 = tpu.memref_slice %arg18[%multiple_of3A_110] : memref<163840xf32, #tpu.memory_space<vmem_shared>> -> memref<10240xf32, #tpu.memory_space<vmem_shared>>
      %dma_start3A_177 = tpu.memref_slice %arg18[%multiple_of3A_110] : memref<163840xf32, #tpu.memory_space<vmem_shared>> -> memref<10240xf32, #tpu.memory_space<vmem_shared>>
      tpu.enqueue_dma source(%dma_start3A_177 : memref<10240xf32, #tpu.memory_space<vmem_shared>>) target(%arg13 : memref<10240xf32, #tpu.memory_space<vmem>>) target_semaphore(%run_scoped3A : memref<!tpu.dma_semaphore, #tpu.memory_space<semaphore_mem>>)
      %dma_wait3A_178 = tpu.memref_slice %arg18[%multiple_of3A_110] : memref<163840xf32, #tpu.memory_space<vmem_shared>> -> memref<10240xf32, #tpu.memory_space<vmem_shared>>
      %dma_wait3A_179 = tpu.memref_slice %arg18[%multiple_of3A_110] : memref<163840xf32, #tpu.memory_space<vmem_shared>> -> memref<10240xf32, #tpu.memory_space<vmem_shared>>
      tpu.wait_dma2 semaphore(%run_scoped3A : memref<!tpu.dma_semaphore, #tpu.memory_space<semaphore_mem>>) src(%dma_wait3A_179 : memref<10240xf32, #tpu.memory_space<vmem_shared>>) dst(%arg13 : memref<10240xf32, #tpu.memory_space<vmem>>)
      tpu.yield
    }) : () -> ()
    %dma_wait3A = tpu.memref_slice %arg6[%multiple_of3A_38] : memref<1310720xf32, #tpu.memory_space<hbm>> -> memref<40960xf32, #tpu.memory_space<hbm>>
    %dma_wait3A_129 = tpu.memref_slice %arg6[%multiple_of3A_38] : memref<1310720xf32, #tpu.memory_space<hbm>> -> memref<40960xf32, #tpu.memory_space<hbm>>
    tpu.wait_dma2 semaphore(%arg20 : memref<!tpu.dma_semaphore, #tpu.memory_space<semaphore_mem>>) src(%dma_wait3A_129 : memref<40960xf32, #tpu.memory_space<hbm>>) dst(%arg9 : memref<40960xf32, #tpu.memory_space<vmem>>)
    %multiple_of3A_130 = arith.constant 0 : i32
    "tpu.trace_start"() <{level = 10 : i32, message = "sc_passB"}> : () -> ()
    %multiple_of3A_131 = tpu.assume_multiple %multiple_of3A_130, 128 : i32
    %multiple_of3A_132 = arith.constant 0 : i32
    %multiple_of3A_133 = tpu.assume_multiple %multiple_of3A_132, 128 : i32
    %dma_start3A_134 = arith.constant 0 : i32
    %dma_start3A_135 = tpu.memref_slice %arg15[%multiple_of3A_133] : memref<2048xi32, #tpu.memory_space<vmem>> -> memref<1024xi32, #tpu.memory_space<vmem>>
    %dma_start3A_136 = tpu.memref_slice %arg2[%multiple_of3A_131] : memref<344064xi32, #tpu.memory_space<hbm>> -> memref<1024xi32, #tpu.memory_space<hbm>>
    %dma_start3A_137 = tpu.memref_slice %arg19[%dma_start3A_134] : memref<2x!tpu.dma_semaphore, #tpu.memory_space<semaphore_mem>> -> memref<1x!tpu.dma_semaphore, #tpu.memory_space<semaphore_mem>>
    %dma_start3A_138 = tpu.memref_squeeze %dma_start3A_137 : memref<1x!tpu.dma_semaphore, #tpu.memory_space<semaphore_mem>> -> memref<!tpu.dma_semaphore, #tpu.memory_space<semaphore_mem>>
    %dma_start3A_139 = tpu.memref_slice %arg15[%multiple_of3A_133] : memref<2048xi32, #tpu.memory_space<vmem>> -> memref<1024xi32, #tpu.memory_space<vmem>>
    %dma_start3A_140 = tpu.memref_slice %arg2[%multiple_of3A_131] : memref<344064xi32, #tpu.memory_space<hbm>> -> memref<1024xi32, #tpu.memory_space<hbm>>
    tpu.enqueue_dma source(%dma_start3A_140 : memref<1024xi32, #tpu.memory_space<hbm>>) target(%dma_start3A_139 : memref<1024xi32, #tpu.memory_space<vmem>>) target_semaphore(%dma_start3A_138 : memref<!tpu.dma_semaphore, #tpu.memory_space<semaphore_mem>>)
    %dma_start3A_141 = arith.constant 0 : i32
    %dma_start3A_142 = tpu.memref_slice %arg16[%multiple_of3A_133] : memref<2048xi32, #tpu.memory_space<vmem>> -> memref<1024xi32, #tpu.memory_space<vmem>>
    %dma_start3A_143 = tpu.memref_slice %arg3[%multiple_of3A_131] : memref<344064xi32, #tpu.memory_space<hbm>> -> memref<1024xi32, #tpu.memory_space<hbm>>
    %dma_start3A_144 = tpu.memref_slice %arg19[%dma_start3A_141] : memref<2x!tpu.dma_semaphore, #tpu.memory_space<semaphore_mem>> -> memref<1x!tpu.dma_semaphore, #tpu.memory_space<semaphore_mem>>
    %dma_start3A_145 = tpu.memref_squeeze %dma_start3A_144 : memref<1x!tpu.dma_semaphore, #tpu.memory_space<semaphore_mem>> -> memref<!tpu.dma_semaphore, #tpu.memory_space<semaphore_mem>>
    %dma_start3A_146 = tpu.memref_slice %arg16[%multiple_of3A_133] : memref<2048xi32, #tpu.memory_space<vmem>> -> memref<1024xi32, #tpu.memory_space<vmem>>
    %dma_start3A_147 = tpu.memref_slice %arg3[%multiple_of3A_131] : memref<344064xi32, #tpu.memory_space<hbm>> -> memref<1024xi32, #tpu.memory_space<hbm>>
    tpu.enqueue_dma source(%dma_start3A_147 : memref<1024xi32, #tpu.memory_space<hbm>>) target(%dma_start3A_146 : memref<1024xi32, #tpu.memory_space<vmem>>) target_semaphore(%dma_start3A_145 : memref<!tpu.dma_semaphore, #tpu.memory_space<semaphore_mem>>)
    %multiple_of3A_148 = arith.constant 1024 : i32
    %multiple_of3A_149 = tpu.assume_multiple %multiple_of3A_148, 128 : i32
    %multiple_of3A_150 = arith.constant 1024 : i32
    %multiple_of3A_151 = tpu.assume_multiple %multiple_of3A_150, 128 : i32
    %dma_start3A_152 = arith.constant 1 : i32
    %dma_start3A_153 = tpu.memref_slice %arg15[%multiple_of3A_151] : memref<2048xi32, #tpu.memory_space<vmem>> -> memref<1024xi32, #tpu.memory_space<vmem>>
    %dma_start3A_154 = tpu.memref_slice %arg2[%multiple_of3A_149] : memref<344064xi32, #tpu.memory_space<hbm>> -> memref<1024xi32, #tpu.memory_space<hbm>>
    %dma_start3A_155 = tpu.memref_slice %arg19[%dma_start3A_152] : memref<2x!tpu.dma_semaphore, #tpu.memory_space<semaphore_mem>> -> memref<1x!tpu.dma_semaphore, #tpu.memory_space<semaphore_mem>>
    %dma_start3A_156 = tpu.memref_squeeze %dma_start3A_155 : memref<1x!tpu.dma_semaphore, #tpu.memory_space<semaphore_mem>> -> memref<!tpu.dma_semaphore, #tpu.memory_space<semaphore_mem>>
    %dma_start3A_157 = tpu.memref_slice %arg15[%multiple_of3A_151] : memref<2048xi32, #tpu.memory_space<vmem>> -> memref<1024xi32, #tpu.memory_space<vmem>>
    %dma_start3A_158 = tpu.memref_slice %arg2[%multiple_of3A_149] : memref<344064xi32, #tpu.memory_space<hbm>> -> memref<1024xi32, #tpu.memory_space<hbm>>
    tpu.enqueue_dma source(%dma_start3A_158 : memref<1024xi32, #tpu.memory_space<hbm>>) target(%dma_start3A_157 : memref<1024xi32, #tpu.memory_space<vmem>>) target_semaphore(%dma_start3A_156 : memref<!tpu.dma_semaphore, #tpu.memory_space<semaphore_mem>>)
    %dma_start3A_159 = arith.constant 1 : i32
    %dma_start3A_160 = tpu.memref_slice %arg16[%multiple_of3A_151] : memref<2048xi32, #tpu.memory_space<vmem>> -> memref<1024xi32, #tpu.memory_space<vmem>>
    %dma_start3A_161 = tpu.memref_slice %arg3[%multiple_of3A_149] : memref<344064xi32, #tpu.memory_space<hbm>> -> memref<1024xi32, #tpu.memory_space<hbm>>
    %dma_start3A_162 = tpu.memref_slice %arg19[%dma_start3A_159] : memref<2x!tpu.dma_semaphore, #tpu.memory_space<semaphore_mem>> -> memref<1x!tpu.dma_semaphore, #tpu.memory_space<semaphore_mem>>
    %dma_start3A_163 = tpu.memref_squeeze %dma_start3A_162 : memref<1x!tpu.dma_semaphore, #tpu.memory_space<semaphore_mem>> -> memref<!tpu.dma_semaphore, #tpu.memory_space<semaphore_mem>>
    %dma_start3A_164 = tpu.memref_slice %arg16[%multiple_of3A_151] : memref<2048xi32, #tpu.memory_space<vmem>> -> memref<1024xi32, #tpu.memory_space<vmem>>
    %dma_start3A_165 = tpu.memref_slice %arg3[%multiple_of3A_149] : memref<344064xi32, #tpu.memory_space<hbm>> -> memref<1024xi32, #tpu.memory_space<hbm>>
    tpu.enqueue_dma source(%dma_start3A_165 : memref<1024xi32, #tpu.memory_space<hbm>>) target(%dma_start3A_164 : memref<1024xi32, #tpu.memory_space<vmem>>) target_semaphore(%dma_start3A_163 : memref<!tpu.dma_semaphore, #tpu.memory_space<semaphore_mem>>)
    %scan3A_166 = arith.constant 0 : i32
    %scan3A_167 = arith.constant 0 : i32
    %scan3A_168 = arith.constant 336 : i32
    %scan3A_169 = arith.addi %scan3A_167, %scan3A_168 : i32
    %scan3A_170 = arith.constant 1 : i32
    %scan3A_171 = scf.for %scan3A_176 = %scan3A_167 to %scan3A_169 step %scan3A_170 iter_args(%scan3A_177 = %scan3A_166) -> (i32)  : i32 {
      %rem3A_178 = arith.constant 2 : i32
      %rem3A_179 = arith.remsi %scan3A_176, %rem3A_178 : i32
      %mul3A_180 = arith.constant 1024 : i32
      %mul3A_181 = arith.muli %rem3A_179, %mul3A_180 : i32
      %multiple_of3A_182 = tpu.assume_multiple %mul3A_181, 128 : i32
      %dma_wait3A_183 = tpu.memref_slice %arg15[%multiple_of3A_182] : memref<2048xi32, #tpu.memory_space<vmem>> -> memref<1024xi32, #tpu.memory_space<vmem>>
      %dma_wait3A_184 = arith.constant 0 : i32
      %dma_wait3A_185 = tpu.memref_slice %arg2[%dma_wait3A_184] : memref<344064xi32, #tpu.memory_space<hbm>> -> memref<1024xi32, #tpu.memory_space<hbm>>
      %dma_wait3A_186 = tpu.memref_slice %arg19[%rem3A_179] : memref<2x!tpu.dma_semaphore, #tpu.memory_space<semaphore_mem>> -> memref<1x!tpu.dma_semaphore, #tpu.memory_space<semaphore_mem>>
      %dma_wait3A_187 = tpu.memref_squeeze %dma_wait3A_186 : memref<1x!tpu.dma_semaphore, #tpu.memory_space<semaphore_mem>> -> memref<!tpu.dma_semaphore, #tpu.memory_space<semaphore_mem>>
      %dma_wait3A_188 = tpu.memref_slice %arg15[%multiple_of3A_182] : memref<2048xi32, #tpu.memory_space<vmem>> -> memref<1024xi32, #tpu.memory_space<vmem>>
      %dma_wait3A_189 = arith.constant 0 : i32
      %dma_wait3A_190 = tpu.memref_slice %arg2[%dma_wait3A_189] : memref<344064xi32, #tpu.memory_space<hbm>> -> memref<1024xi32, #tpu.memory_space<hbm>>
      tpu.wait_dma2 semaphore(%dma_wait3A_187 : memref<!tpu.dma_semaphore, #tpu.memory_space<semaphore_mem>>) src(%dma_wait3A_190 : memref<1024xi32, #tpu.memory_space<hbm>>) dst(%dma_wait3A_188 : memref<1024xi32, #tpu.memory_space<vmem>>)
      %dma_wait3A_191 = tpu.memref_slice %arg16[%multiple_of3A_182] : memref<2048xi32, #tpu.memory_space<vmem>> -> memref<1024xi32, #tpu.memory_space<vmem>>
      %dma_wait3A_192 = arith.constant 0 : i32
      %dma_wait3A_193 = tpu.memref_slice %arg3[%dma_wait3A_192] : memref<344064xi32, #tpu.memory_space<hbm>> -> memref<1024xi32, #tpu.memory_space<hbm>>
      %dma_wait3A_194 = tpu.memref_slice %arg19[%rem3A_179] : memref<2x!tpu.dma_semaphore, #tpu.memory_space<semaphore_mem>> -> memref<1x!tpu.dma_semaphore, #tpu.memory_space<semaphore_mem>>
      %dma_wait3A_195 = tpu.memref_squeeze %dma_wait3A_194 : memref<1x!tpu.dma_semaphore, #tpu.memory_space<semaphore_mem>> -> memref<!tpu.dma_semaphore, #tpu.memory_space<semaphore_mem>>
      %dma_wait3A_196 = tpu.memref_slice %arg16[%multiple_of3A_182] : memref<2048xi32, #tpu.memory_space<vmem>> -> memref<1024xi32, #tpu.memory_space<vmem>>
      %dma_wait3A_197 = arith.constant 0 : i32
      %dma_wait3A_198 = tpu.memref_slice %arg3[%dma_wait3A_197] : memref<344064xi32, #tpu.memory_space<hbm>> -> memref<1024xi32, #tpu.memory_space<hbm>>
      tpu.wait_dma2 semaphore(%dma_wait3A_195 : memref<!tpu.dma_semaphore, #tpu.memory_space<semaphore_mem>>) src(%dma_wait3A_198 : memref<1024xi32, #tpu.memory_space<hbm>>) dst(%dma_wait3A_196 : memref<1024xi32, #tpu.memory_space<vmem>>)
      %parallel_loop3A = arith.constant 0 : i32
      %parallel_loop3A_199 = arith.constant 64 : i32
      %parallel_loop3A_200 = arith.constant 1 : i32
      scf.for %parallel_loop3A_206 = %parallel_loop3A to %parallel_loop3A_199 step %parallel_loop3A_200  : i32 {
        %parallel_loop3A_207 = arith.constant 16 : i32
        %parallel_loop3A_208 = arith.muli %parallel_loop3A_206, %parallel_loop3A_207 : i32
        %parallel_loop3A_209 = arith.addi %multiple_of3A_182, %parallel_loop3A_208 : i32
        %parallel_loop3A_210 = arith.index_cast %parallel_loop3A_209 : i32 to index
        %parallel_loop3A_211 = tpu.vector_load %arg15[%parallel_loop3A_210] {strides = array<i32>} : memref<2048xi32, #tpu.memory_space<vmem>>, vector<16xi32>,
        %parallel_loop3A_212 = arith.constant 16 : i32
        %parallel_loop3A_213 = arith.muli %parallel_loop3A_206, %parallel_loop3A_212 : i32
        %parallel_loop3A_214 = arith.addi %multiple_of3A_182, %parallel_loop3A_213 : i32
        %parallel_loop3A_215 = arith.index_cast %parallel_loop3A_214 : i32 to index
        %parallel_loop3A_216 = tpu.vector_load %arg16[%parallel_loop3A_215] {strides = array<i32>} : memref<2048xi32, #tpu.memory_space<vmem>>, vector<16xi32>,
        %parallel_loop3A_217 = tpu.vector_load_idx %arg11[%parallel_loop3A_211] : memref<10240xf32, #tpu.memory_space<vmem>>[vector<16xi32>], vector<16xf32>,
        %parallel_loop3A_218 = tpu.vector_load_idx %arg12[%parallel_loop3A_216] : memref<10240xf32, #tpu.memory_space<vmem>>[vector<16xi32>], vector<16xf32>,
        %parallel_loop3A_219 = arith.addf %parallel_loop3A_217, %parallel_loop3A_218 : vector<16xf32>
        %parallel_loop3A_220 = arith.constant 0.000000e+00 : f32
        %parallel_loop3A_221 = vector.broadcast %parallel_loop3A_220 : f32 to vector<16xf32>
        %parallel_loop3A_222 = arith.cmpf oge, %parallel_loop3A_219, %parallel_loop3A_221 : vector<16xf32>
        %parallel_loop3A_223 = arith.constant 2.000000e-01 : f32
        %parallel_loop3A_224 = vector.broadcast %parallel_loop3A_223 : f32 to vector<16xf32>
        %parallel_loop3A_225 = arith.mulf %parallel_loop3A_219, %parallel_loop3A_224 : vector<16xf32>
        %parallel_loop3A_226 = arith.select %parallel_loop3A_222, %parallel_loop3A_219, %parallel_loop3A_225 : vector<16xi1>, vector<16xf32>
        %parallel_loop3A_227 = arith.subf %parallel_loop3A_226, %get3A_29 : vector<16xf32>
        %parallel_loop3A_228 = math.exp %parallel_loop3A_227 : vector<16xf32>
        %parallel_loop3A_229 = tpu.vector_load_idx %arg13[%parallel_loop3A_216] : memref<10240xf32, #tpu.memory_space<vmem>>[vector<16xi32>], vector<16xf32>,
        %parallel_loop3A_230 = arith.mulf %parallel_loop3A_228, %parallel_loop3A_229 : vector<16xf32>
        %parallel_loop3A_231 = arith.constant 0 : i32
        %parallel_loop3A_232 = vector.broadcast %parallel_loop3A_231 : i32 to vector<16xi32>
        %parallel_loop3A_233 = arith.addi %parallel_loop3A_211, %parallel_loop3A_232 : vector<16xi32>
        %parallel_loop3A_234 = tpu.vector_load_idx %arg9[%parallel_loop3A_233] : memref<40960xf32, #tpu.memory_space<vmem>>[vector<16xi32>], vector<16xf32>,
        %parallel_loop3A_235 = arith.constant 0 : i32
        %parallel_loop3A_236 = vector.broadcast %parallel_loop3A_235 : i32 to vector<16xi32>
        %parallel_loop3A_237 = arith.addi %parallel_loop3A_216, %parallel_loop3A_236 : vector<16xi32>
        %parallel_loop3A_238 = arith.mulf %parallel_loop3A_234, %parallel_loop3A_230 : vector<16xf32>
        tpu.vector_store_idx %arg10[%parallel_loop3A_237], %parallel_loop3A_238 {add = true} : memref<40960xf32, #tpu.memory_space<vmem>>[vector<16xi32>], vector<16xf32>,
        %parallel_loop3A_239 = arith.constant 10240 : i32
        %parallel_loop3A_240 = vector.broadcast %parallel_loop3A_239 : i32 to vector<16xi32>
        %parallel_loop3A_241 = arith.addi %parallel_loop3A_211, %parallel_loop3A_240 : vector<16xi32>
        %parallel_loop3A_242 = tpu.vector_load_idx %arg9[%parallel_loop3A_241] : memref<40960xf32, #tpu.memory_space<vmem>>[vector<16xi32>], vector<16xf32>,
        %parallel_loop3A_243 = arith.constant 10240 : i32
        %parallel_loop3A_244 = vector.broadcast %parallel_loop3A_243 : i32 to vector<16xi32>
        %parallel_loop3A_245 = arith.addi %parallel_loop3A_216, %parallel_loop3A_244 : vector<16xi32>
        %parallel_loop3A_246 = arith.mulf %parallel_loop3A_242, %parallel_loop3A_230 : vector<16xf32>
        tpu.vector_store_idx %arg10[%parallel_loop3A_245], %parallel_loop3A_246 {add = true} : memref<40960xf32, #tpu.memory_space<vmem>>[vector<16xi32>], vector<16xf32>,
        %parallel_loop3A_247 = arith.constant 20480 : i32
        %parallel_loop3A_248 = vector.broadcast %parallel_loop3A_247 : i32 to vector<16xi32>
        %parallel_loop3A_249 = arith.addi %parallel_loop3A_211, %parallel_loop3A_248 : vector<16xi32>
        %parallel_loop3A_250 = tpu.vector_load_idx %arg9[%parallel_loop3A_249] : memref<40960xf32, #tpu.memory_space<vmem>>[vector<16xi32>], vector<16xf32>,
        %parallel_loop3A_251 = arith.constant 20480 : i32
        %parallel_loop3A_252 = vector.broadcast %parallel_loop3A_251 : i32 to vector<16xi32>
        %parallel_loop3A_253 = arith.addi %parallel_loop3A_216, %parallel_loop3A_252 : vector<16xi32>
        %parallel_loop3A_254 = arith.mulf %parallel_loop3A_250, %parallel_loop3A_230 : vector<16xf32>
        tpu.vector_store_idx %arg10[%parallel_loop3A_253], %parallel_loop3A_254 {add = true} : memref<40960xf32, #tpu.memory_space<vmem>>[vector<16xi32>], vector<16xf32>,
        %parallel_loop3A_255 = arith.constant 30720 : i32
        %parallel_loop3A_256 = vector.broadcast %parallel_loop3A_255 : i32 to vector<16xi32>
        %parallel_loop3A_257 = arith.addi %parallel_loop3A_211, %parallel_loop3A_256 : vector<16xi32>
        %parallel_loop3A_258 = tpu.vector_load_idx %arg9[%parallel_loop3A_257] : memref<40960xf32, #tpu.memory_space<vmem>>[vector<16xi32>], vector<16xf32>,
        %parallel_loop3A_259 = arith.constant 30720 : i32
        %parallel_loop3A_260 = vector.broadcast %parallel_loop3A_259 : i32 to vector<16xi32>
        %parallel_loop3A_261 = arith.addi %parallel_loop3A_216, %parallel_loop3A_260 : vector<16xi32>
        %parallel_loop3A_262 = arith.mulf %parallel_loop3A_258, %parallel_loop3A_230 : vector<16xf32>
        tpu.vector_store_idx %arg10[%parallel_loop3A_261], %parallel_loop3A_262 {add = true} : memref<40960xf32, #tpu.memory_space<vmem>>[vector<16xi32>], vector<16xf32>,
      } {sc.loop_unroll_factor = 2 : i64, sc.parallel_access}
      %add3A_201 = arith.constant 2 : i32
      %add3A_202 = arith.addi %scan3A_176, %add3A_201 : i32
      %lt3A = arith.constant 336 : i32
      %lt3A_203 = arith.cmpi slt, %add3A_202, %lt3A : i32
      %convert_element_type3A = arith.extui %lt3A_203 : i1 to i32
      %cond3A = arith.constant 0 : i32
      %cond3A_204 = arith.cmpi ne, %convert_element_type3A, %cond3A : i32
      scf.if %cond3A_204 {
        %add3A_206 = arith.constant 2 : i32
        %add3A_207 = arith.addi %scan3A_176, %add3A_206 : i32
        %mul3A_208 = arith.constant 1024 : i32
        %mul3A_209 = arith.muli %add3A_207, %mul3A_208 : i32
        %add3A_210 = arith.constant 0 : i32
        %add3A_211 = arith.addi %add3A_210, %mul3A_209 : i32
        %multiple_of3A_212 = tpu.assume_multiple %add3A_211, 128 : i32
        %mul3A_213 = arith.constant 1024 : i32
        %mul3A_214 = arith.muli %rem3A_179, %mul3A_213 : i32
        %multiple_of3A_215 = tpu.assume_multiple %mul3A_214, 128 : i32
        %dma_start3A_216 = tpu.memref_slice %arg15[%multiple_of3A_215] : memref<2048xi32, #tpu.memory_space<vmem>> -> memref<1024xi32, #tpu.memory_space<vmem>>
        %dma_start3A_217 = tpu.memref_slice %arg2[%multiple_of3A_212] : memref<344064xi32, #tpu.memory_space<hbm>> -> memref<1024xi32, #tpu.memory_space<hbm>>
        %dma_start3A_218 = tpu.memref_slice %arg19[%rem3A_179] : memref<2x!tpu.dma_semaphore, #tpu.memory_space<semaphore_mem>> -> memref<1x!tpu.dma_semaphore, #tpu.memory_space<semaphore_mem>>
        %dma_start3A_219 = tpu.memref_squeeze %dma_start3A_218 : memref<1x!tpu.dma_semaphore, #tpu.memory_space<semaphore_mem>> -> memref<!tpu.dma_semaphore, #tpu.memory_space<semaphore_mem>>
        %dma_start3A_220 = tpu.memref_slice %arg15[%multiple_of3A_215] : memref<2048xi32, #tpu.memory_space<vmem>> -> memref<1024xi32, #tpu.memory_space<vmem>>
        %dma_start3A_221 = tpu.memref_slice %arg2[%multiple_of3A_212] : memref<344064xi32, #tpu.memory_space<hbm>> -> memref<1024xi32, #tpu.memory_space<hbm>>
        tpu.enqueue_dma source(%dma_start3A_221 : memref<1024xi32, #tpu.memory_space<hbm>>) target(%dma_start3A_220 : memref<1024xi32, #tpu.memory_space<vmem>>) target_semaphore(%dma_start3A_219 : memref<!tpu.dma_semaphore, #tpu.memory_space<semaphore_mem>>)
        %dma_start3A_222 = tpu.memref_slice %arg16[%multiple_of3A_215] : memref<2048xi32, #tpu.memory_space<vmem>> -> memref<1024xi32, #tpu.memory_space<vmem>>
        %dma_start3A_223 = tpu.memref_slice %arg3[%multiple_of3A_212] : memref<344064xi32, #tpu.memory_space<hbm>> -> memref<1024xi32, #tpu.memory_space<hbm>>
        %dma_start3A_224 = tpu.memref_slice %arg19[%rem3A_179] : memref<2x!tpu.dma_semaphore, #tpu.memory_space<semaphore_mem>> -> memref<1x!tpu.dma_semaphore, #tpu.memory_space<semaphore_mem>>
        %dma_start3A_225 = tpu.memref_squeeze %dma_start3A_224 : memref<1x!tpu.dma_semaphore, #tpu.memory_space<semaphore_mem>> -> memref<!tpu.dma_semaphore, #tpu.memory_space<semaphore_mem>>
        %dma_start3A_226 = tpu.memref_slice %arg16[%multiple_of3A_215] : memref<2048xi32, #tpu.memory_space<vmem>> -> memref<1024xi32, #tpu.memory_space<vmem>>
        %dma_start3A_227 = tpu.memref_slice %arg3[%multiple_of3A_212] : memref<344064xi32, #tpu.memory_space<hbm>> -> memref<1024xi32, #tpu.memory_space<hbm>>
        tpu.enqueue_dma source(%dma_start3A_227 : memref<1024xi32, #tpu.memory_space<hbm>>) target(%dma_start3A_226 : memref<1024xi32, #tpu.memory_space<vmem>>) target_semaphore(%dma_start3A_225 : memref<!tpu.dma_semaphore, #tpu.memory_space<semaphore_mem>>)
      } else {
      }
      %scan3A_205 = arith.constant 0 : i32
      scf.yield %scan3A_205 : i32
    }
    %scan3A_172 = arith.constant 336 : i32
    "tpu.trace_stop"() : () -> ()
    %mul3A_173 = arith.constant 10240 : i32
    %mul3A_174 = arith.muli %add3A_35, %mul3A_173 : i32
    %multiple_of3A_175 = tpu.assume_multiple %mul3A_174, 128 : i32
    "tpu.region"() ({
      %run_scoped3A = tpu.sem_alloc : memref<!tpu.dma_semaphore, #tpu.memory_space<semaphore_mem>>
      %dma_start3A_176 = tpu.memref_slice %arg8[%multiple_of3A_175] : memref<1310720xf32, #tpu.memory_space<hbm>> -> memref<40960xf32, #tpu.memory_space<hbm>>
      %dma_start3A_177 = tpu.memref_slice %arg8[%multiple_of3A_175] : memref<1310720xf32, #tpu.memory_space<hbm>> -> memref<40960xf32, #tpu.memory_space<hbm>>
      tpu.enqueue_dma source(%arg10 : memref<40960xf32, #tpu.memory_space<vmem>>) target(%dma_start3A_177 : memref<40960xf32, #tpu.memory_space<hbm>>) target_semaphore(%run_scoped3A : memref<!tpu.dma_semaphore, #tpu.memory_space<semaphore_mem>>)
      %dma_wait3A_178 = tpu.memref_slice %arg8[%multiple_of3A_175] : memref<1310720xf32, #tpu.memory_space<hbm>> -> memref<40960xf32, #tpu.memory_space<hbm>>
      %dma_wait3A_179 = tpu.memref_slice %arg8[%multiple_of3A_175] : memref<1310720xf32, #tpu.memory_space<hbm>> -> memref<40960xf32, #tpu.memory_space<hbm>>
      tpu.wait_dma2 semaphore(%run_scoped3A : memref<!tpu.dma_semaphore, #tpu.memory_space<semaphore_mem>>) src(%arg10 : memref<40960xf32, #tpu.memory_space<vmem>>) dst(%dma_wait3A_179 : memref<40960xf32, #tpu.memory_space<hbm>>)
      tpu.yield
    }) : () -> ()
    return
  }
}

module attributes {stable_mosaic.version = 14 : i64} {
  func.func @body(%arg0: i32, %arg1: memref<512x128xf32, #tpu.memory_space<vmem>>, %arg2: memref<128x128xf32, #tpu.memory_space<vmem>>, %arg3: memref<8x128xf32, #tpu.memory_space<vmem>>, %arg4: memref<8x128xf32, #tpu.memory_space<vmem>>, %arg5: memref<128x128xf32, #tpu.memory_space<vmem>>, %arg6: memref<128x512xf32, #tpu.memory_space<vmem>>, %arg7: memref<8x512xf32, #tpu.memory_space<vmem>>, %arg8: memref<8x512xf32, #tpu.memory_space<vmem>>, %arg9: memref<8x128xf32, #tpu.memory_space<vmem>>, %arg10: memref<8x128xf32, #tpu.memory_space<vmem>>) attributes {dimension_semantics = [#tpu.dimension_semantics<arbitrary>], iteration_bounds = array<i64: 20>, scalar_prefetch = 0 : i64, scratch_operands = 0 : i64, tpu.core_type = #tpu.core_type<tc>, window_params = [{transform_indices = @transform_0, window_bounds = array<i64: 512, 128>}, {pipeline_mode = #tpu.pipeline_mode<synchronous>, transform_indices = @transform_1, window_bounds = array<i64: 128, 128>}, {pipeline_mode = #tpu.pipeline_mode<synchronous>, transform_indices = @transform_2, window_bounds = array<i64: 8, 128>}, {pipeline_mode = #tpu.pipeline_mode<synchronous>, transform_indices = @transform_3, window_bounds = array<i64: 8, 128>}, {pipeline_mode = #tpu.pipeline_mode<synchronous>, transform_indices = @transform_4, window_bounds = array<i64: 128, 128>}, {transform_indices = @transform_5, window_bounds = array<i64: 128, 512>}, {transform_indices = @transform_6, window_bounds = array<i64: 8, 512>}, {transform_indices = @transform_7, window_bounds = array<i64: 8, 512>}, {pipeline_mode = #tpu.pipeline_mode<synchronous>, transform_indices = @transform_8, window_bounds = array<i64: 8, 128>}, {pipeline_mode = #tpu.pipeline_mode<synchronous>, transform_indices = @transform_9, window_bounds = array<i64: 8, 128>}]} {
    %get3A = arith.constant 0 : index
    %get3A_0 = arith.constant 0 : index
    %get3A_1 = vector.load %arg2[%get3A, %get3A_0] : memref<128x128xf32, #tpu.memory_space<vmem>>, vector<128x128xf32>
    %get3A_2 = arith.constant 0 : index
    %get3A_3 = arith.constant 0 : index
    %get3A_4 = vector.load %arg1[%get3A_2, %get3A_3] : memref<512x128xf32, #tpu.memory_space<vmem>>, vector<512x128xf32>
    %dot_general3A = arith.constant dense<0.000000e+00> : vector<128x512xf32>
    %dot_general3A_5 = tpu.matmul %get3A_1, %get3A_4, %dot_general3A {dimension_numbers = #tpu.dot_dimension_numbers<[1], [1], [0], [0], [0, 0, 1, 0], [], []>, transpose_lhs_hint = false} : vector<128x128xf32>, vector<512x128xf32>, vector<128x512xf32> -> vector<128x512xf32>
    %swap3A = arith.constant 0 : index
    %swap3A_6 = arith.constant 0 : index
    %swap3A_7 = vector.load %arg6[%swap3A, %swap3A_6] : memref<128x512xf32, #tpu.memory_space<vmem>>, vector<128x512xf32>
    tpu.vector_store %arg6[%swap3A, %swap3A_6], %dot_general3A_5 {strides = array<i32>} : memref<128x512xf32, #tpu.memory_space<vmem>>, vector<128x512xf32>,
    %get3A_8 = arith.constant 0 : index
    %get3A_9 = arith.constant 0 : index
    %get3A_10 = vector.load %arg3[%get3A_8, %get3A_9] : memref<8x128xf32, #tpu.memory_space<vmem>>, vector<8x128xf32>
    %dot_general3A_11 = arith.constant dense<0.000000e+00> : vector<8x512xf32>
    %dot_general3A_12 = tpu.matmul %get3A_10, %dot_general3A_5, %dot_general3A_11 {dimension_numbers = #tpu.dot_dimension_numbers<[1], [0], [0], [1], [0, 0, 1, 1], [], []>, transpose_lhs_hint = false} : vector<8x128xf32>, vector<128x512xf32>, vector<8x512xf32> -> vector<8x512xf32>
    %get3A_13 = arith.constant 0 : index
    %get3A_14 = arith.constant 0 : index
    %get3A_15 = vector.load %arg4[%get3A_13, %get3A_14] : memref<8x128xf32, #tpu.memory_space<vmem>>, vector<8x128xf32>
    %dot_general3A_16 = arith.constant dense<0.000000e+00> : vector<8x512xf32>
    %dot_general3A_17 = tpu.matmul %get3A_15, %dot_general3A_5, %dot_general3A_16 {dimension_numbers = #tpu.dot_dimension_numbers<[1], [0], [0], [1], [0, 0, 1, 1], [], []>, transpose_lhs_hint = false} : vector<8x128xf32>, vector<128x512xf32>, vector<8x512xf32> -> vector<8x512xf32>
    %swap3A_18 = arith.constant 0 : index
    %swap3A_19 = arith.constant 0 : index
    %swap3A_20 = vector.load %arg7[%swap3A_18, %swap3A_19] : memref<8x512xf32, #tpu.memory_space<vmem>>, vector<8x512xf32>
    tpu.vector_store %arg7[%swap3A_18, %swap3A_19], %dot_general3A_12 {strides = array<i32>} : memref<8x512xf32, #tpu.memory_space<vmem>>, vector<8x512xf32>,
    %swap3A_21 = arith.constant 0 : index
    %swap3A_22 = arith.constant 0 : index
    %swap3A_23 = vector.load %arg8[%swap3A_21, %swap3A_22] : memref<8x512xf32, #tpu.memory_space<vmem>>, vector<8x512xf32>
    tpu.vector_store %arg8[%swap3A_21, %swap3A_22], %dot_general3A_17 {strides = array<i32>} : memref<8x512xf32, #tpu.memory_space<vmem>>, vector<8x512xf32>,
    %eq3A = arith.constant 0 : i32
    %eq3A_24 = arith.cmpi eq, %arg0, %eq3A : i32
    %convert_element_type3A = arith.extui %eq3A_24 : i1 to i32
    %cond3A = arith.constant 0 : i32
    %cond3A_25 = arith.cmpi ne, %convert_element_type3A, %cond3A : i32
    scf.if %cond3A_25 {
      %broadcast_in_dim3A_45 = arith.constant -1.000000e+30 : f32
      %broadcast_in_dim3A_46 = vector.broadcast %broadcast_in_dim3A_45 : f32 to vector<8x128xf32>
      %swap3A_47 = arith.constant 0 : index
      %swap3A_48 = arith.constant 0 : index
      %swap3A_49 = vector.load %arg9[%swap3A_47, %swap3A_48] : memref<8x128xf32, #tpu.memory_space<vmem>>, vector<8x128xf32>
      tpu.vector_store %arg9[%swap3A_47, %swap3A_48], %broadcast_in_dim3A_46 {strides = array<i32>} : memref<8x128xf32, #tpu.memory_space<vmem>>, vector<8x128xf32>,
      %swap3A_50 = arith.constant 0 : index
      %swap3A_51 = arith.constant 0 : index
      %swap3A_52 = vector.load %arg10[%swap3A_50, %swap3A_51] : memref<8x128xf32, #tpu.memory_space<vmem>>, vector<8x128xf32>
      tpu.vector_store %arg10[%swap3A_50, %swap3A_51], %broadcast_in_dim3A_46 {strides = array<i32>} : memref<8x128xf32, #tpu.memory_space<vmem>>, vector<8x128xf32>,
    } else {
    }
    %get3A_26 = arith.constant 0 : index
    %get3A_27 = arith.constant 0 : index
    %get3A_28 = vector.load %arg9[%get3A_26, %get3A_27] : memref<8x128xf32, #tpu.memory_space<vmem>>, vector<8x128xf32>
    %reduce_max3A = arith.constant dense<0xFF800000> : vector<8xf32>
    %reduce_max3A_29 = vector.multi_reduction <maximumf>, %dot_general3A_12, %reduce_max3A [1] : vector<8x512xf32> to vector<8xf32>
    %broadcast_in_dim3A = vector.shape_cast %reduce_max3A_29 : vector<8xf32> to vector<8x1xf32>
    %max3A = vector.broadcast %broadcast_in_dim3A : vector<8x1xf32> to vector<8x128xf32>
    %max3A_30 = arith.maximumf %get3A_28, %max3A : vector<8x128xf32>
    %swap3A_31 = arith.constant 0 : index
    %swap3A_32 = arith.constant 0 : index
    %swap3A_33 = vector.load %arg9[%swap3A_31, %swap3A_32] : memref<8x128xf32, #tpu.memory_space<vmem>>, vector<8x128xf32>
    tpu.vector_store %arg9[%swap3A_31, %swap3A_32], %max3A_30 {strides = array<i32>} : memref<8x128xf32, #tpu.memory_space<vmem>>, vector<8x128xf32>,
    %get3A_34 = arith.constant 0 : index
    %get3A_35 = arith.constant 0 : index
    %get3A_36 = vector.load %arg10[%get3A_34, %get3A_35] : memref<8x128xf32, #tpu.memory_space<vmem>>, vector<8x128xf32>
    %reduce_max3A_37 = arith.constant dense<0xFF800000> : vector<8xf32>
    %reduce_max3A_38 = vector.multi_reduction <maximumf>, %dot_general3A_17, %reduce_max3A_37 [1] : vector<8x512xf32> to vector<8xf32>
    %broadcast_in_dim3A_39 = vector.shape_cast %reduce_max3A_38 : vector<8xf32> to vector<8x1xf32>
    %max3A_40 = vector.broadcast %broadcast_in_dim3A_39 : vector<8x1xf32> to vector<8x128xf32>
    %max3A_41 = arith.maximumf %get3A_36, %max3A_40 : vector<8x128xf32>
    %swap3A_42 = arith.constant 0 : index
    %swap3A_43 = arith.constant 0 : index
    %swap3A_44 = vector.load %arg10[%swap3A_42, %swap3A_43] : memref<8x128xf32, #tpu.memory_space<vmem>>, vector<8x128xf32>
    tpu.vector_store %arg10[%swap3A_42, %swap3A_43], %max3A_41 {strides = array<i32>} : memref<8x128xf32, #tpu.memory_space<vmem>>, vector<8x128xf32>,
    return
  }
  func.func @transform_0(%arg0: i32) -> (i32, i32) {
    %c0_i32 = arith.constant 0 : i32
    %c0_i32_0 = arith.constant 0 : i32
    return %arg0, %c0_i32 : i32, i32
  }
  func.func @transform_1(%arg0: i32) -> (i32, i32) {
    %c0_i32 = arith.constant 0 : i32
    %c0_i32_0 = arith.constant 0 : i32
    %c0_i32_1 = arith.constant 0 : i32
    return %c0_i32, %c0_i32_0 : i32, i32
  }
  func.func @transform_2(%arg0: i32) -> (i32, i32) {
    %c0_i32 = arith.constant 0 : i32
    %c0_i32_0 = arith.constant 0 : i32
    %c0_i32_1 = arith.constant 0 : i32
    return %c0_i32, %c0_i32_0 : i32, i32
  }
  func.func @transform_3(%arg0: i32) -> (i32, i32) {
    %c0_i32 = arith.constant 0 : i32
    %c0_i32_0 = arith.constant 0 : i32
    %c0_i32_1 = arith.constant 0 : i32
    return %c0_i32, %c0_i32_0 : i32, i32
  }
  func.func @transform_4(%arg0: i32) -> (i32, i32) {
    %c0_i32 = arith.constant 0 : i32
    %c0_i32_0 = arith.constant 0 : i32
    %c0_i32_1 = arith.constant 0 : i32
    return %c0_i32, %c0_i32_0 : i32, i32
  }
  func.func @transform_5(%arg0: i32) -> (i32, i32) {
    %c0_i32 = arith.constant 0 : i32
    %c0_i32_0 = arith.constant 0 : i32
    return %c0_i32, %arg0 : i32, i32
  }
  func.func @transform_6(%arg0: i32) -> (i32, i32) {
    %c0_i32 = arith.constant 0 : i32
    %c0_i32_0 = arith.constant 0 : i32
    return %c0_i32, %arg0 : i32, i32
  }
  func.func @transform_7(%arg0: i32) -> (i32, i32) {
    %c0_i32 = arith.constant 0 : i32
    %c0_i32_0 = arith.constant 0 : i32
    return %c0_i32, %arg0 : i32, i32
  }
  func.func @transform_8(%arg0: i32) -> (i32, i32) {
    %c0_i32 = arith.constant 0 : i32
    %c0_i32_0 = arith.constant 0 : i32
    %c0_i32_1 = arith.constant 0 : i32
    return %c0_i32, %c0_i32_0 : i32, i32
  }
  func.func @transform_9(%arg0: i32) -> (i32, i32) {
    %c0_i32 = arith.constant 0 : i32
    %c0_i32_0 = arith.constant 0 : i32
    %c0_i32_1 = arith.constant 0 : i32
    return %c0_i32, %c0_i32_0 : i32, i32
  }
}

module attributes {stable_mosaic.version = 14 : i64} {
  func.func @body(%arg0: i32, %arg1: memref<128x512xf32, #tpu.memory_space<vmem>>, %arg2: memref<128x128xf32, #tpu.memory_space<vmem>>, %arg3: memref<8x128xf32, #tpu.memory_space<vmem>>, %arg4: memref<8x128xf32, #tpu.memory_space<vmem>>, %arg5: memref<128x128xf32, #tpu.memory_space<vmem>>, %arg6: memref<128x512xf32, #tpu.memory_space<vmem>>, %arg7: memref<8x512xf32, #tpu.memory_space<vmem>>, %arg8: memref<8x512xf32, #tpu.memory_space<vmem>>, %arg9: memref<8x128xf32, #tpu.memory_space<vmem>>, %arg10: memref<8x128xf32, #tpu.memory_space<vmem>>) attributes {dimension_semantics = [#tpu.dimension_semantics<arbitrary>], iteration_bounds = array<i64: 20>, scalar_prefetch = 0 : i64, scratch_operands = 0 : i64, tpu.core_type = #tpu.core_type<tc>, window_params = [{transform_indices = @transform_0, window_bounds = array<i64: 128, 512>}, {pipeline_mode = #tpu.pipeline_mode<synchronous>, transform_indices = @transform_1, window_bounds = array<i64: 128, 128>}, {pipeline_mode = #tpu.pipeline_mode<synchronous>, transform_indices = @transform_2, window_bounds = array<i64: 8, 128>}, {pipeline_mode = #tpu.pipeline_mode<synchronous>, transform_indices = @transform_3, window_bounds = array<i64: 8, 128>}, {pipeline_mode = #tpu.pipeline_mode<synchronous>, transform_indices = @transform_4, window_bounds = array<i64: 128, 128>}, {transform_indices = @transform_5, window_bounds = array<i64: 128, 512>}, {transform_indices = @transform_6, window_bounds = array<i64: 8, 512>}, {transform_indices = @transform_7, window_bounds = array<i64: 8, 512>}, {pipeline_mode = #tpu.pipeline_mode<synchronous>, transform_indices = @transform_8, window_bounds = array<i64: 8, 128>}, {pipeline_mode = #tpu.pipeline_mode<synchronous>, transform_indices = @transform_9, window_bounds = array<i64: 8, 128>}]} {
    %get3A = arith.constant 0 : index
    %get3A_0 = arith.constant 0 : index
    %get3A_1 = vector.load %arg1[%get3A, %get3A_0] : memref<128x512xf32, #tpu.memory_space<vmem>>, vector<128x512xf32>
    %get3A_2 = arith.constant 0 : index
    %get3A_3 = arith.constant 0 : index
    %get3A_4 = vector.load %arg5[%get3A_2, %get3A_3] : memref<128x128xf32, #tpu.memory_space<vmem>>, vector<128x128xf32>
    %slice3A = vector.extract_strided_slice %get3A_4 {offsets = [0, 0], sizes = [128, 1], strides = [1, 1]} : vector<128x128xf32> to vector<128x1xf32>
    %add3A = vector.broadcast %slice3A : vector<128x1xf32> to vector<128x512xf32>
    %add3A_5 = arith.addf %get3A_1, %add3A : vector<128x512xf32>
    %max3A = arith.constant 0.000000e+00 : f32
    %max3A_6 = vector.broadcast %max3A : f32 to vector<128x512xf32>
    %max3A_7 = arith.maximumf %add3A_5, %max3A_6 : vector<128x512xf32>
    %get3A_8 = arith.constant 0 : index
    %get3A_9 = arith.constant 0 : index
    %get3A_10 = vector.load %arg2[%get3A_8, %get3A_9] : memref<128x128xf32, #tpu.memory_space<vmem>>, vector<128x128xf32>
    %dot_general3A = arith.constant dense<0.000000e+00> : vector<128x512xf32>
    %dot_general3A_11 = tpu.matmul %get3A_10, %max3A_7, %dot_general3A {dimension_numbers = #tpu.dot_dimension_numbers<[1], [0], [0], [1], [0, 0, 1, 1], [], []>, transpose_lhs_hint = false} : vector<128x128xf32>, vector<128x512xf32>, vector<128x512xf32> -> vector<128x512xf32>
    %swap3A = arith.constant 0 : index
    %swap3A_12 = arith.constant 0 : index
    %swap3A_13 = vector.load %arg6[%swap3A, %swap3A_12] : memref<128x512xf32, #tpu.memory_space<vmem>>, vector<128x512xf32>
    tpu.vector_store %arg6[%swap3A, %swap3A_12], %dot_general3A_11 {strides = array<i32>} : memref<128x512xf32, #tpu.memory_space<vmem>>, vector<128x512xf32>,
    %get3A_14 = arith.constant 0 : index
    %get3A_15 = arith.constant 0 : index
    %get3A_16 = vector.load %arg3[%get3A_14, %get3A_15] : memref<8x128xf32, #tpu.memory_space<vmem>>, vector<8x128xf32>
    %dot_general3A_17 = arith.constant dense<0.000000e+00> : vector<8x512xf32>
    %dot_general3A_18 = tpu.matmul %get3A_16, %dot_general3A_11, %dot_general3A_17 {dimension_numbers = #tpu.dot_dimension_numbers<[1], [0], [0], [1], [0, 0, 1, 1], [], []>, transpose_lhs_hint = false} : vector<8x128xf32>, vector<128x512xf32>, vector<8x512xf32> -> vector<8x512xf32>
    %get3A_19 = arith.constant 0 : index
    %get3A_20 = arith.constant 0 : index
    %get3A_21 = vector.load %arg4[%get3A_19, %get3A_20] : memref<8x128xf32, #tpu.memory_space<vmem>>, vector<8x128xf32>
    %dot_general3A_22 = arith.constant dense<0.000000e+00> : vector<8x512xf32>
    %dot_general3A_23 = tpu.matmul %get3A_21, %dot_general3A_11, %dot_general3A_22 {dimension_numbers = #tpu.dot_dimension_numbers<[1], [0], [0], [1], [0, 0, 1, 1], [], []>, transpose_lhs_hint = false} : vector<8x128xf32>, vector<128x512xf32>, vector<8x512xf32> -> vector<8x512xf32>
    %swap3A_24 = arith.constant 0 : index
    %swap3A_25 = arith.constant 0 : index
    %swap3A_26 = vector.load %arg7[%swap3A_24, %swap3A_25] : memref<8x512xf32, #tpu.memory_space<vmem>>, vector<8x512xf32>
    tpu.vector_store %arg7[%swap3A_24, %swap3A_25], %dot_general3A_18 {strides = array<i32>} : memref<8x512xf32, #tpu.memory_space<vmem>>, vector<8x512xf32>,
    %swap3A_27 = arith.constant 0 : index
    %swap3A_28 = arith.constant 0 : index
    %swap3A_29 = vector.load %arg8[%swap3A_27, %swap3A_28] : memref<8x512xf32, #tpu.memory_space<vmem>>, vector<8x512xf32>
    tpu.vector_store %arg8[%swap3A_27, %swap3A_28], %dot_general3A_23 {strides = array<i32>} : memref<8x512xf32, #tpu.memory_space<vmem>>, vector<8x512xf32>,
    %eq3A = arith.constant 0 : i32
    %eq3A_30 = arith.cmpi eq, %arg0, %eq3A : i32
    %convert_element_type3A = arith.extui %eq3A_30 : i1 to i32
    %cond3A = arith.constant 0 : i32
    %cond3A_31 = arith.cmpi ne, %convert_element_type3A, %cond3A : i32
    scf.if %cond3A_31 {
      %broadcast_in_dim3A_52 = arith.constant -1.000000e+30 : f32
      %broadcast_in_dim3A_53 = vector.broadcast %broadcast_in_dim3A_52 : f32 to vector<8x128xf32>
      %swap3A_54 = arith.constant 0 : index
      %swap3A_55 = arith.constant 0 : index
      %swap3A_56 = vector.load %arg9[%swap3A_54, %swap3A_55] : memref<8x128xf32, #tpu.memory_space<vmem>>, vector<8x128xf32>
      tpu.vector_store %arg9[%swap3A_54, %swap3A_55], %broadcast_in_dim3A_53 {strides = array<i32>} : memref<8x128xf32, #tpu.memory_space<vmem>>, vector<8x128xf32>,
      %swap3A_57 = arith.constant 0 : index
      %swap3A_58 = arith.constant 0 : index
      %swap3A_59 = vector.load %arg10[%swap3A_57, %swap3A_58] : memref<8x128xf32, #tpu.memory_space<vmem>>, vector<8x128xf32>
      tpu.vector_store %arg10[%swap3A_57, %swap3A_58], %broadcast_in_dim3A_53 {strides = array<i32>} : memref<8x128xf32, #tpu.memory_space<vmem>>, vector<8x128xf32>,
    } else {
    }
    %get3A_32 = arith.constant 0 : index
    %get3A_33 = arith.constant 0 : index
    %get3A_34 = vector.load %arg9[%get3A_32, %get3A_33] : memref<8x128xf32, #tpu.memory_space<vmem>>, vector<8x128xf32>
    %reduce_max3A = arith.constant dense<0xFF800000> : vector<8xf32>
    %reduce_max3A_35 = vector.multi_reduction <maximumf>, %dot_general3A_18, %reduce_max3A [1] : vector<8x512xf32> to vector<8xf32>
    %broadcast_in_dim3A = vector.shape_cast %reduce_max3A_35 : vector<8xf32> to vector<8x1xf32>
    %max3A_36 = vector.broadcast %broadcast_in_dim3A : vector<8x1xf32> to vector<8x128xf32>
    %max3A_37 = arith.maximumf %get3A_34, %max3A_36 : vector<8x128xf32>
    %swap3A_38 = arith.constant 0 : index
    %swap3A_39 = arith.constant 0 : index
    %swap3A_40 = vector.load %arg9[%swap3A_38, %swap3A_39] : memref<8x128xf32, #tpu.memory_space<vmem>>, vector<8x128xf32>
    tpu.vector_store %arg9[%swap3A_38, %swap3A_39], %max3A_37 {strides = array<i32>} : memref<8x128xf32, #tpu.memory_space<vmem>>, vector<8x128xf32>,
    %get3A_41 = arith.constant 0 : index
    %get3A_42 = arith.constant 0 : index
    %get3A_43 = vector.load %arg10[%get3A_41, %get3A_42] : memref<8x128xf32, #tpu.memory_space<vmem>>, vector<8x128xf32>
    %reduce_max3A_44 = arith.constant dense<0xFF800000> : vector<8xf32>
    %reduce_max3A_45 = vector.multi_reduction <maximumf>, %dot_general3A_23, %reduce_max3A_44 [1] : vector<8x512xf32> to vector<8xf32>
    %broadcast_in_dim3A_46 = vector.shape_cast %reduce_max3A_45 : vector<8xf32> to vector<8x1xf32>
    %max3A_47 = vector.broadcast %broadcast_in_dim3A_46 : vector<8x1xf32> to vector<8x128xf32>
    %max3A_48 = arith.maximumf %get3A_43, %max3A_47 : vector<8x128xf32>
    %swap3A_49 = arith.constant 0 : index
    %swap3A_50 = arith.constant 0 : index
    %swap3A_51 = vector.load %arg10[%swap3A_49, %swap3A_50] : memref<8x128xf32, #tpu.memory_space<vmem>>, vector<8x128xf32>
    tpu.vector_store %arg10[%swap3A_49, %swap3A_50], %max3A_48 {strides = array<i32>} : memref<8x128xf32, #tpu.memory_space<vmem>>, vector<8x128xf32>,
    return
  }
  func.func @transform_0(%arg0: i32) -> (i32, i32) {
    %c0_i32 = arith.constant 0 : i32
    %c0_i32_0 = arith.constant 0 : i32
    return %c0_i32, %arg0 : i32, i32
  }
  func.func @transform_1(%arg0: i32) -> (i32, i32) {
    %c0_i32 = arith.constant 0 : i32
    %c0_i32_0 = arith.constant 0 : i32
    %c0_i32_1 = arith.constant 0 : i32
    return %c0_i32, %c0_i32_0 : i32, i32
  }
  func.func @transform_2(%arg0: i32) -> (i32, i32) {
    %c0_i32 = arith.constant 0 : i32
    %c0_i32_0 = arith.constant 0 : i32
    %c0_i32_1 = arith.constant 0 : i32
    return %c0_i32, %c0_i32_0 : i32, i32
  }
  func.func @transform_3(%arg0: i32) -> (i32, i32) {
    %c0_i32 = arith.constant 0 : i32
    %c0_i32_0 = arith.constant 0 : i32
    %c0_i32_1 = arith.constant 0 : i32
    return %c0_i32, %c0_i32_0 : i32, i32
  }
  func.func @transform_4(%arg0: i32) -> (i32, i32) {
    %c0_i32 = arith.constant 0 : i32
    %c0_i32_0 = arith.constant 0 : i32
    %c0_i32_1 = arith.constant 0 : i32
    return %c0_i32, %c0_i32_0 : i32, i32
  }
  func.func @transform_5(%arg0: i32) -> (i32, i32) {
    %c0_i32 = arith.constant 0 : i32
    %c0_i32_0 = arith.constant 0 : i32
    return %c0_i32, %arg0 : i32, i32
  }
  func.func @transform_6(%arg0: i32) -> (i32, i32) {
    %c0_i32 = arith.constant 0 : i32
    %c0_i32_0 = arith.constant 0 : i32
    return %c0_i32, %arg0 : i32, i32
  }
  func.func @transform_7(%arg0: i32) -> (i32, i32) {
    %c0_i32 = arith.constant 0 : i32
    %c0_i32_0 = arith.constant 0 : i32
    return %c0_i32, %arg0 : i32, i32
  }
  func.func @transform_8(%arg0: i32) -> (i32, i32) {
    %c0_i32 = arith.constant 0 : i32
    %c0_i32_0 = arith.constant 0 : i32
    %c0_i32_1 = arith.constant 0 : i32
    return %c0_i32, %c0_i32_0 : i32, i32
  }
  func.func @transform_9(%arg0: i32) -> (i32, i32) {
    %c0_i32 = arith.constant 0 : i32
    %c0_i32_0 = arith.constant 0 : i32
    %c0_i32_1 = arith.constant 0 : i32
    return %c0_i32, %c0_i32_0 : i32, i32
  }
}

module attributes {stable_mosaic.version = 14 : i64} {
  func.func @body(%arg0: i32, %arg1: memref<128x2048xf32, #tpu.memory_space<vmem>>, %arg2: memref<8x128xf32, #tpu.memory_space<vmem>>, %arg3: memref<2048x128xf32, #tpu.memory_space<vmem>>) attributes {dimension_semantics = [#tpu.dimension_semantics<arbitrary>], iteration_bounds = array<i64: 5>, scalar_prefetch = 0 : i64, scratch_operands = 0 : i64, tpu.core_type = #tpu.core_type<tc>, window_params = [{transform_indices = @transform_0, window_bounds = array<i64: 128, 2048>}, {pipeline_mode = #tpu.pipeline_mode<synchronous>, transform_indices = @transform_1, window_bounds = array<i64: 8, 128>}, {transform_indices = @transform_2, window_bounds = array<i64: 2048, 128>}]} {
    %get3A = arith.constant 0 : index
    %get3A_0 = arith.constant 0 : index
    %get3A_1 = vector.load %arg1[%get3A, %get3A_0] : memref<128x2048xf32, #tpu.memory_space<vmem>>, vector<128x2048xf32>
    %transpose3A = tpu.transpose %get3A_1, [1, 0] : vector<128x2048xf32> -> vector<2048x128xf32>
    %get3A_2 = arith.constant 0 : index
    %get3A_3 = arith.constant 0 : index
    %get3A_4 = vector.load %arg2[%get3A_2, %get3A_3] : memref<8x128xf32, #tpu.memory_space<vmem>>, vector<8x128xf32>
    %slice3A = vector.extract_strided_slice %get3A_4 {offsets = [0, 0], sizes = [1, 128], strides = [1, 1]} : vector<8x128xf32> to vector<1x128xf32>
    %add3A = vector.broadcast %slice3A : vector<1x128xf32> to vector<2048x128xf32>
    %add3A_5 = arith.addf %transpose3A, %add3A : vector<2048x128xf32>
    %swap3A = arith.constant 0 : index
    %swap3A_6 = arith.constant 0 : index
    %swap3A_7 = vector.load %arg3[%swap3A, %swap3A_6] : memref<2048x128xf32, #tpu.memory_space<vmem>>, vector<2048x128xf32>
    tpu.vector_store %arg3[%swap3A, %swap3A_6], %add3A_5 {strides = array<i32>} : memref<2048x128xf32, #tpu.memory_space<vmem>>, vector<2048x128xf32>,
    return
  }
  func.func @transform_0(%arg0: i32) -> (i32, i32) {
    %c0_i32 = arith.constant 0 : i32
    %c0_i32_0 = arith.constant 0 : i32
    return %c0_i32, %arg0 : i32, i32
  }
  func.func @transform_1(%arg0: i32) -> (i32, i32) {
    %c0_i32 = arith.constant 0 : i32
    %c0_i32_0 = arith.constant 0 : i32
    %c0_i32_1 = arith.constant 0 : i32
    return %c0_i32, %c0_i32_0 : i32, i32
  }
  func.func @transform_2(%arg0: i32) -> (i32, i32) {
    %c0_i32 = arith.constant 0 : i32
    %c0_i32_0 = arith.constant 0 : i32
    return %arg0, %c0_i32 : i32, i32
  }
}

</mosaic_0001>

<sc_bundles>
// kernel: kernel.10.cloned.1.call-start
scs
__scs_entry_jumppad:
0x0: {  	(pc) =	sbr.rel $0x88, $3  }
0x1: {  	(tag) =	ssettag $0x0;
	lr =	simm.s32 $0x1  }
0x2: {  	[smem:$0x3F97] =	sst lr;
	_ =	strace $0xD0000000  }
0x3: {  	_ = 	snop  }
0x4: {  	_ = 	snop  }
0x5: {  	_ = 	snop  }
0x6: {  	_ = 	snop  }
0x7: {  	_ = 	snop  }
__scs_overlays_trampoline_lowered:
0x8: {  	[smem:$0x3FA6] =	sst s0  }
0x9: {  	[smem:$0x3FA7] =	sst s1  }
0xa: {  	[smem:$0x3FA8] =	sst s2  }
0xb: {  	[smem:$0x3FA9] =	sst s3  }
0xc: {  	[smem:$0x3FAA] =	sst s4  }
0xd: {  	[smem:$0x3FAB] =	sst s5  }
0xe: {  	[smem:$0x3FAC] =	sst s6  }
0xf: {  	[smem:$0x3FAD] =	sst s7  }
0x10: {  	[smem:$0x3FAE] =	sst s8  }
0x11: {  	[smem:$0x3FAF] =	sst s9;
	s0 =	simm.s32 @!p0 $0x0  }
0x12: {  	s1 =	sld [smem:$0x3F95];
	s0 =	simm.s32 @p0 $0x1  }
0x13: {  	[smem:$0x3FB0] =	sst s0;
	s0 =	simm.s32 @!p1 $0x0  }
0x14: {  	s2 =	sld [smem:$0x3F94];
	s0 =	simm.s32 @p1 $0x1  }
0x15: {  	[smem:$0x3FB1] =	sst s0;
	s0 =	simm.s32 @!p2 $0x0  }
0x16: {  	s3 =	sld [smem:$0x3FDB];
	s0 =	simm.s32 @p2 $0x1  }
0x17: {  	s4 =	simm.s32 $0x1BF5;
	[smem:$0x3FB3] =	sst s0  }
0x18: {  	s0 =	sld [smem:$0x3F96];
	_ =	swait.ge [sflag:s4], $0x0  }
0x19: {  	s7 =	sld [smem:$0x3F97]  }
0x1a: {  	s8 =	sadd.s32 $0xFFFFE003, lr  }
0x1b: {  	s9 =	sadd.s32 $0xFFFFFEF7, lr;
	s5 =	simm.s32 $0xFFFFFFFF;
	p2 =	slt.u32 s8, $0xFFFFF086  }
0x1c: {  	p1 =	slt.u32 s9, $0xF7A;
	s5 =	simm.s32 @!p2 $0x0  }
0x1d: {  	s5 =	simm.s32 @p1 $0x1;
	p0 =	seq.s32 s7, s2  }
0x1e: {  	s7 =	smul.u32 @!p0 $0xF7A, s2;
	p2 =	seq.s32 @!p0 s5, $0x0  }
0x1f: {  	s9 =	smul.u32 $0xF7A, s1;
	s8 =	simm.s32 @!p0 $0x1BF5;
	p2 =	por !p2, p0  }
0x20: {  	[sflag:s8] =	ssyncset.s32 @!p0 $0xFFFFF086;
	s6 =	sadd.s32 @!p0 s3, s7;
	s7 =	simm.s32 @!p0 $0x108  }
0x21: {  	s3 =	sadd.s32 s3, s9;
	s6 =	sadd.s32 @!p0 $0x88, s6;
	s7 =	simm.s32 @p2 $0x1082  }
0x22: {  	[simem:s7], [sflag:s8] =	dma.local @!p0 [hbm:s6], $0xF7A  }
0x23: {  	s9 =	sor.u32 $0xD0000000, s2;
	s6 =	simm.s32 $0x108;
	_ =	swait.ge @!p0 [sflag:s8], $0x0  }
0x24: {  	s3 =	sadd.s32 $0x88, s3;
	s6 =	simm.s32 @!p1 $0x1082;
	[sflag:s4] =	ssyncset.s32 $0xFFFFF086  }
0x25: {  	[simem:s6], [sflag:s4] =	dma.local [hbm:s3], $0xF7A  }
0x26: {  	[smem:$0x3F97] =	sst s1;
	(tag) =	ssettag s2;
	_ =	strace s9  }
0x27: {  	s1 =	sld [smem:$0x3FA7]  }
0x28: {  	s2 =	sld [smem:$0x3FA8]  }
0x29: {  	s4 =	sld [smem:$0x3FAA]  }
0x2a: {  	p0 =	seq.s32 s5, $0x0;
	s5 =	sld [smem:$0x3FAB]  }
0x2b: {  	s6 =	sld [smem:$0x3FAC]  }
0x2c: {  	s7 =	sld [smem:$0x3FAD]  }
0x2d: {  	s3 =	simm.s32 $0x108;
	s8 =	sld [smem:$0x3FAE]  }
0x2e: {  	s3 =	simm.s32 @!p0 $0x1082;
	s9 =	sld [smem:$0x3FAF]  }
0x2f: {  	lr =	sadd.s32 s0, s3;
	s0 =	sld [smem:$0x3FA6]  }
0x30: {  	s3 =	sld [smem:$0x3FA9]  }
0x31: {  	[smem:$0x3FB2] =	sst s10  }
0x32: {  	s10 =	sld [smem:$0x3FB0];
	_ =	sdelay $0x3  }
0x33: {  	p0 =	seq.s32 s10, $0x1;
	s10 =	sld [smem:$0x3FB2];
	_ =	sdelay $0x3  }
0x34: {  	[smem:$0x3FB2] =	sst s10  }
0x35: {  	s10 =	sld [smem:$0x3FB1];
	_ =	sdelay $0x3  }
0x36: {  	p1 =	seq.s32 s10, $0x1;
	s10 =	sld [smem:$0x3FB2];
	_ =	sdelay $0x3  }
0x37: {  	[smem:$0x3FB2] =	sst s10  }
0x38: {  	s10 =	sld [smem:$0x3FB3]  }
0x39: {  	_ = 	snop;
	(pc) =	sbr.ind lr, $3  }
0x3a: {  	_ = 	snop  }
0x3b: {  	_ = 	snop  }
0x3c: {  	p2 =	seq.s32 s10, $0x1;
	s10 =	sld [smem:$0x3FB2]  }
0x3d: {  	_ =	shalt  }
0x3e: {  	_ =	shalt  }
0x3f: {  	_ =	shalt  }
0x40: {  	_ =	shalt  }
0x41: {  	_ =	shalt  }
0x42: {  	_ =	shalt  }
0x43: {  	_ =	shalt  }
0x44: {  	_ =	shalt  }
0x45: {  	_ =	shalt  }
0x46: {  	_ =	shalt  }
0x47: {  	_ =	shalt  }
0x48: {  	_ =	shalt  }
0x49: {  	_ =	shalt  }
0x4a: {  	_ =	shalt  }
0x4b: {  	_ =	shalt  }
0x4c: {  	_ =	shalt  }
0x4d: {  	_ =	shalt  }
0x4e: {  	_ =	shalt  }
0x4f: {  	_ =	shalt  }
0x50: {  	_ =	shalt  }
0x51: {  	_ =	shalt  }
0x52: {  	_ =	shalt  }
0x53: {  	_ =	shalt  }
0x54: {  	_ =	shalt  }
0x55: {  	_ =	shalt  }
0x56: {  	_ =	shalt  }
0x57: {  	_ =	shalt  }
0x58: {  	_ =	shalt  }
0x59: {  	_ =	shalt  }
0x5a: {  	_ =	shalt  }
0x5b: {  	_ =	shalt  }
0x5c: {  	_ =	shalt  }
0x5d: {  	_ =	shalt  }
0x5e: {  	_ =	shalt  }
0x5f: {  	_ =	shalt  }
0x60: {  	_ =	shalt  }
0x61: {  	_ =	shalt  }
0x62: {  	_ =	shalt  }
0x63: {  	_ =	shalt  }
0x64: {  	_ =	shalt  }
0x65: {  	_ =	shalt  }
0x66: {  	_ =	shalt  }
0x67: {  	_ =	shalt  }
0x68: {  	_ =	shalt  }
0x69: {  	_ =	shalt  }
0x6a: {  	_ =	shalt  }
0x6b: {  	_ =	shalt  }
0x6c: {  	_ =	shalt  }
0x6d: {  	_ =	shalt  }
0x6e: {  	_ =	shalt  }
0x6f: {  	_ =	shalt  }
0x70: {  	_ =	shalt  }
0x71: {  	_ =	shalt  }
0x72: {  	_ =	shalt  }
0x73: {  	_ =	shalt  }
0x74: {  	_ =	shalt  }
0x75: {  	_ =	shalt  }
0x76: {  	_ =	shalt  }
0x77: {  	_ =	shalt  }
0x78: {  	_ =	shalt  }
0x79: {  	_ =	shalt  }
0x7a: {  	_ =	shalt  }
0x7b: {  	_ =	shalt  }
0x7c: {  	_ =	shalt  }
0x7d: {  	_ =	shalt  }
0x7e: {  	_ =	shalt  }
0x7f: {  	_ =	shalt  }
0x80: {  	_ =	shalt  }
0x81: {  	_ =	shalt  }
0x82: {  	_ =	shalt  }
0x83: {  	_ =	shalt  }
0x84: {  	_ =	shalt  }
0x85: {  	_ =	shalt  }
0x86: {  	_ =	shalt  }
0x87: {  	_ =	shalt  }
.Lfunc_end0:
.L_simem_size_0:
called_computation.1_lowered:
.L_overlay_start_0:
0x88: {  	s2 =	sld [smem:$0x3FD9]  }
0x89: {  	s3 =	sld [smem:$0x3FFE];
	_ =	sdelay $0x1  }
0x8a: {  	s1 =	srdreg.scid  }
0x8b: {  	s0 =	sand.u32 $0x1, s1  }
0x8c: {  	s17 =	sshll.u32 s0, $0xA;
	s2 =	sadd.s32 s3, s2  }
0x8d: {  	s2 =	sadd.s32 s2, s17  }
0x8e: {  	[smem:$0x3FBE] =	sst s2  }
0x8f: {  	_ = 	snop  }
0x90: {  	s2 =	sld [smem:$0x3FD0];
	(tm) =	ssettm $0x1  }
0x91: {  	s18 =	sld [smem:$0x3FFB];
	_ =	sdelay $0x3  }
0x92: {  	_ =	strace s18  }
0x93: {  	s3 =	sld [smem:$0x3FFC];
	_ =	sdelay $0x3  }
0x94: {  	_ =	strace s3  }
0x95: {  	s3 =	sld [smem:$0x3FFD];
	_ =	sdelay $0x3  }
0x96: {  	_ =	strace s3  }
0x97: {  	_ =	strace $0x8FFFFFFF  }
0x98: {  	s19 =	sld [smem:$0x3FDB];
	_ =	sdelay $0x1  }
0x99: {  	s4 =	simm.s32 $_scs_section_size  }
0x9a: {  	s5 =	simm.s32 $_size__tile_overlayer_lowered;
	s6 =	simm.s32 $_tile_overlayer_lowered  }
0x9b: {  	s22 =	simm.s32 $0x1BFF;
	s21 =	sshll.u32 s6, $0x1;
	s3 =	sadd.s32 s4, s19  }
0x9c: {  	s7 =	simm.s32 $0x0;
	s20 =	sshll.u32 s5, $0x1;
	s5 =	sadd.s32 s21, s3  }
0x9d: {  	[timem:s7], [sflag:s22] =	dma.local [hbm:s5], s20  }
0x9e: {  	_ =	swait.ge [sflag:s22], s20  }
0x9f: {  	s4 =	ssub.s32 $0x0, s20;
	[sflag:s22] =	ssyncset.done $0x0  }
0xa0: {  	[sflag:s22] =	ssyncadd.s32 s4;
	_ =	sdelay $0x1  }
0xa1: {  	s23 =	simm.s32 $0x1B8B  }
0xa2: {  	_ =	swait.ge [sflag:s23], $0x1  }
0xa3: {  	[sflag:s23] =	ssyncset.done $0x0  }
0xa4: {  	s25 =	simm.s32 $0x1B8E;
	s24 =	sld [smem:$0x3FFE];
	[sflag:s23] =	ssyncadd.s32 $0xFFFFFFFF  }
0xa5: {  	s26 =	simm.s32 $execute0_lowered;
	[smem:$0x3FD2] =	sst s25  }
0xa6: {  	s5 =	sshll.u32 s26, $0x1;
	_ =	strace $0x8000004B;
	[dreg:$0x1] =	wrdreg $0xFFFFFFFF  }
0xa7: {  	s28 =	simm.s32 $_size_execute0_lowered;
	s3 =	sadd.s32 s3, s5;
	[dreg:$0x0] =	wrdreg $0x0  }
0xa8: {  	s5 =	sshll.u32 s28, $0x1;
	[dreg:$0x2] =	wrdreg s3  }
0xa9: {  	[dreg:$0x3] =	wrdreg s5  }
0xaa: {  	[dreg:$0x4] =	wrdreg $0xC0  }
0xab: {  	_ =	task [dreg:s7], $0x5FFFF  }
0xac: {  	[dreg:$0x1] =	wrdreg $0xFFFFFFFF  }
0xad: {  	[dreg:$0x0] =	wrdreg $0x60  }
0xae: {  	[dreg:$0x2] =	wrdreg s2  }
0xaf: {  	[dreg:$0x3] =	wrdreg s24  }
0xb0: {  	[dreg:$0x4] =	wrdreg $0x1CB000  }
0xb1: {  	[dreg:$0x5] =	wrdreg $0x9  }
0xb2: {  	_ =	task.clear_ibuf [dreg:s7], $0x6FFFF;
	_ =	strace $0x9000004B  }
0xb3: {  	s29 =	simm.s32 $0x9;
	_ =	strace $0x8000004F  }
0xb4: {  	_ =	swait.ge [sflag:s29], $0x1  }
0xb5: {  	[sflag:s29] =	ssyncadd.s32 $0xFFFFFFFF  }
0xb6: {  	_ =	strace $0x9000004F  }
0xb7: {  	_ =	sfence  }
0xb8: {  	s30 =	sld [smem:$0x0];
	_ =	sdelay $0x2  }
0xb9: {  	s31 =	sshll.u32 s1, $0xD;
	s1 =	sshrl.u32 s1, $0x2  }
0xba: {  	s3 =	sand.u32 $0x4000, s31;
	s1 =	sadd.s32 s1, s30  }
0xbb: {  	s0 =	sor.u32 s3, s0;
	s1 =	sshll.u32 s1, $0x11  }
0xbc: {  	s0 =	sor.u32 s1, s0  }
0xbd: {  	s0 =	sadd.s32 $0x8F2B, s0  }
0xbe: {  	[sflag:s0] =	ssyncadd.remote.s32 $0x1  }
0xbf: {  	_ =	sfence.sel $0xFFFF  }
0xc0: {  	[dreg:$0x0] =	wrdreg $0xFFFFFFFF;
	(pc) =	sbr.abs _section_cstart, $3  }
0xc1: {  	[dreg:$0x1] =	wrdreg $0xFFFFFFFF  }
0xc2: {  	_ =	task.clear_ibuf [dreg:s7], $0x2FFFF;
	_ =	strace $0x9FFFFFFF  }
0xc3: {  	(tm) =	ssettm $0x7FFFFFFF  }
tec
execute0_lowered:
.L_overlay_start_1:
0x0: {  	(tag) =	ssettag $0x1  }
0x1: {  	s1 =	rddreg [dreg:$0x0]  }
0x2: {  	s0 =	rddreg [dreg:$0x1]  }
0x3: {  	s10 =	rddreg [dreg:$0x2];
	s2 =	srdreg.scid  }
0x4: {  	s4 =	simm.s32 $0x0;
	s9 =	stileid.u32;
	s28 =	simm.s32 $0x1BA80  }
0x5: {  	s29 =	simm.s32 $0x1C280;
	s30 =	simm.s32 $0x1BE80;
	s31 =	simm.s32 $0x1C680  }
0x6: {  	s2 =	sand.u32 $0x1, s2;
	[smem:$0x7FF] =	sst s4;
	s6 =	sshll.u32 s9, $0x2  }
0x7: {  	s5 =	sadd.s32 $0x2E000, s0;
	s19 =	sadd.s32 $0x29000, s0;
	s7 =	smul.u32 $0x5400, s9  }
0x8: {  	s20 =	sadd.s32 $0x2B800, s0;
	s8 =	sadd.s32 $0x38800, s0;
	s24 =	smul.u32 $0xA000, s9  }
0x9: {  	s13 =	smul.u32 $0x280, s9;
	_ =	strace $0x8000004C;
	[dreg:$0x4] =	wrdreg s19  }
0xa: {  	s3 =	sshll.u32 s2, $0x6;
	s2 =	ssub.s32 $0x2, s2;
	[dreg:$0x5] =	wrdreg s20  }
0xb: {  	[dreg:$0x6] =	wrdreg s8;
	s19 =	sadd.s32 $0x80, s1;
	s20 =	sadd.s32 $0x2E080, s0  }
0xc: {  	s3 =	sor.u32 s6, s3;
	s21 =	sshrl.u32 s2, $0x1;
	s23 =	sshrl.u32 s7, $0x3  }
0xd: {  	s8 =	sshrl.u32 s24, $0x2;
	s15 =	sadd.s32 $0x800, s7;
	s17 =	sadd.s32 $0x19000, s13  }
0xe: {  	s18 =	sadd.s32 s13, s10;
	s24 =	simm.s32 $0x4;
	s3 =	smul.u32 $0x500, s3  }
0xf: {  	s2 =	ssub.s32 s2, s21;
	s11 =	sadd.s32 s1, s23;
	s25 =	sadd.s32 s5, s23  }
0x10: {  	s6 =	sadd.s32 $0x80, s23;
	s16 =	sadd.s32 s8, s10;
	[dreg:$0x8] =	wrdreg s11  }
0x11: {  	s23 =	simm.s32 $0x14000;
	[dreg:$0x9] =	wrdreg s25;
	s26 =	sadd.s32 s1, s6  }
0x12: {  	s14 =	sadd.s32 s5, s6;
	s25 =	simm.s32 $0x16800;
	s3 =	sadd.s32 s3, s0  }
0x13: {  	[dreg:$0xa] =	wrdreg s26;
	s0 =	simm.s32 $0x19000;
	s26 =	simm.s32 $0xA000  }
0x14: {  	s22 =	sadd.s32 $0x1000, s3;
	s21 =	sadd.s32 $0x38A00, s3;
	s3 =	simm.s32 $0x0  }
0x15: {  	v0 =	vimm.f32 $-1.000000020e+30;
	v1 =	vimm.f32 $0.0e+00;
	[dreg:$0x7] =	wrdreg s22;
	s22 =	smax.u32 s2, $0x1;
	s2 =	simm.s32 $0x3  }
.LBB2_1:
0x16: {  	s6 =	rddreg [dreg:$0x4]  }
0x17: {  	[tilespmem:s23], [sflag:$0x4] =	stream.linear.gather [hbm4b:s6+s4], $0x2800, $0x38;
	[tilespmem:$0x1F300] =	vst v63  }
0x18: {  	_ =	swait.ge [sflag:s24], $0x2800  }
0x19: {  	[sflag:s24] =	ssyncset.done $0x0  }
0x1a: {  	s10 =	rddreg [dreg:$0x5];
	[sflag:s24] =	ssyncadd.s32 $0xFFFFD800  }
0x1b: {  	[tilespmem:s25], [sflag:$0x4] =	stream.linear.gather [hbm4b:s10+s4], $0x2800, $0x38;
	[tilespmem:$0x1F300] =	vst v63  }
0x1c: {  	_ =	swait.ge [sflag:s24], $0x2800  }
0x1d: {  	[sflag:s24] =	ssyncset.done $0x0  }
0x1e: {  	s7 =	simm.s32 $0x1CA80;
	s11 =	rddreg [dreg:$0x6];
	[sflag:s24] =	ssyncadd.s32 $0xFFFFD800  }
0x1f: {  	[tilespmem:s7], [sflag:$0x4] =	stream.linear.gather [hbm4b:s11+s4], $0x80, $0x38;
	[tilespmem:$0x1F300] =	vst v63  }
0x20: {  	_ =	swait.ge [sflag:s24], $0x80  }
0x21: {  	[sflag:s24] =	ssyncset.done $0x0  }
0x22: {  	[sflag:s24] =	ssyncadd.s32 $0xFFFFFF80  }
0x23: {  	v2 =	vld [tilespmem:$0x1CA80];
	_ =	sdelay $0x1  }
0x24: {  	[tilespmem:$0x16710] =	vst v0  }
0x25: {  	s6 =	simm.s32 $0x0;
	s12 =	rddreg [dreg:$0x7];
	[tilespmem:$0x18F10] =	vst v0  }
0x26: {  	[tilespmem:s4], [sflag:$0x3] =	stream.linear.gather [hbm4b:s12+s4], $0xA000, $0x38;
	[tilespmem:$0x1F300] =	vst v63  }
.LBB2_2:
0x27: {  	p0 =	sne.s32 s6, $0x27FC0  }
.Ltmp0:
0x28: {  	_ = 	snop;
	(pc) =	sbr.rel @p0 .LBB2_2-.Ltmp0, $3  }
0x29: {  	_ =	sdelay $0x1  }
0x2a: {  	s7 =	sshra.s32 s6, $0x2  }
0x2b: {  	s6 =	sadd.s32 $0x40, s6;
	[tilespmem:s7+$0xA000] =	vst v1  }
0x2c: {  	s6 =	simm.s32 $0x40;
	s7 =	simm.s32 $0x0  }
.LBB2_4:
0x2d: {  	p0 =	sne.s32 s6, $0x9FC0;
	[tilespmem:s7+$0x19000] =	vst v1;
	s7 =	smov.u32 s6;
	s6 =	sadd.s32 $0x40, s6  }
.Ltmp1:
0x2e: {  	(pc) =	sbr.rel @p0 .LBB2_4-.Ltmp1, $2  }
0x2f: {  	_ =	sdelay $0x2  }
0x30: {  	s7 =	sshra.s32 s7, $0x2  }
0x31: {  	[tilespmem:s7+$0x19000] =	vst v1  }
0x32: {  	_ =	strace $0x8000004D  }
0x33: {  	s6 =	simm.s32 $0x0;
	s10 =	rddreg [dreg:$0x8]  }
0x34: {  	[tilespmem:s28], [sflag:$0x1] =	stream.linear.gather [hbm4b:s10+s6], $0x400, $0x200038;
	[tilespmem:$0x1F300] =	vst v63  }
0x35: {  	s11 =	rddreg [dreg:$0x9]  }
0x36: {  	[tilespmem:s29], [sflag:$0x1] =	stream.linear.gather [hbm4b:s11+s6], $0x400, $0x200038;
	[tilespmem:$0x1F300] =	vst v63  }
0x37: {  	s12 =	rddreg [dreg:$0xa]  }
0x38: {  	[tilespmem:s30], [sflag:$0x2] =	stream.linear.gather [hbm4b:s12+s6], $0x400, $0x200038;
	[tilespmem:$0x1F300] =	vst v63  }
0x39: {  	p0 =	por $0x0, $0x0  }
0x3a: {  	[tilespmem:s31], [sflag:$0x2] =	stream.linear.gather [hbm4b:s14+s6], $0x400, $0x200038;
	[tilespmem:$0x1F300] =	vst v63  }
.LBB2_6:
0x3b: {  	s8 =	sand.u32 $0x1, s6  }
0x3c: {  	s7 =	sadd.s32 $0x1, s8  }
0x3d: {  	_ =	swait.ge [sflag:s7], $0x400  }
0x3e: {  	[sflag:s7] =	ssyncset.done $0x0  }
0x3f: {  	s9 =	simm.s32 $0x1;
	[sflag:s7] =	ssyncadd.s32 $0xFFFFFC00  }
0x40: {  	s9 =	simm.s32 @!p0 $0x0;
	_ =	swait.ge [sflag:s7], $0x400  }
0x41: {  	s9 =	sshll.u32 s9, $0xA;
	[sflag:s7] =	ssyncset.done $0x0  }
0x42: {  	s10 =	sor.u32 $0x1BA90, s9;
	[sflag:s7] =	ssyncadd.s32 $0xFFFFFC00  }
0x43: {  	s9 =	sor.u32 $0x1C290, s9;
	v3 =	vld [tilespmem:s10+$0x0]  }
0x44: {  	v10 =	vld [tilespmem:s9+$0x0];
	_ =	sdelay $0x5  }
0x45: {  	v6 =	vld [tilespmem:s10+$0xFFFFFFF0]  }
0x46: {  	v4 =	vld.idx.msk [tilespmem:v3+s23+$0x0], $0xffff  }
0x47: {  	v7 =	vld.idx.msk [tilespmem:v10+s25+$0x0], $0xffff;
	_ =	sdelay $0x1  }
0x48: {  	s10 =	sadd.s32 $0x20, s10  }
0x49: {  	v8 =	vld [tilespmem:s10+$0x0]  }
0x4a: {  	v3 =	vld [tilespmem:s9+$0xFFFFFFF0]  }
0x4b: {  	v9 =	vld [tilespmem:s10+$0xFFFFFFF0];
	s9 =	sadd.s32 $0x20, s9;
	v7 =	vadd.f32 v7, v4  }
0x4c: {  	v5 =	vld [tilespmem:s9+$0x0]  }
0x4d: {  	v12 =	vld.idx.msk [tilespmem:v6+s23+$0x0], $0xffff;
	v11 =	vmul.f32 $2.000000030e-01, v7  }
0x4e: {  	s10 =	sadd.s32 $0x20, s10;
	v4 =	vld [tilespmem:s9+$0xFFFFFFF0];
	vm0 =	vge.f32 v7, $0.0e+00  }
0x4f: {  	v6 =	vsel vm0, v7, v11;
	v11 =	vld [tilespmem:s10+$0x0]  }
0x50: {  	s9 =	sadd.s32 $0x20, s9  }
0x51: {  	v7 =	vsub.f32 v6, v2;
	v6 =	vld [tilespmem:s9+$0x0]  }
0x52: {  	v13 =	vld.idx.msk [tilespmem:v3+s25+$0x0], $0xffff  }
0x53: {  	v8 =	vld.idx.msk [tilespmem:v8+s23+$0x0], $0xffff;
	v14 =	vmul.f32 $1.442695020e+00, v7  }
0x54: {  	v15 =	vld.idx.msk [tilespmem:v5+s25+$0x0], $0xffff  }
0x55: {  	v16 =	vld.idx.msk [tilespmem:v9+s23+$0x0], $0xffff;
	(erf) = vpow2.f32 v14  }
0x56: {  	v17 =	vld.idx.msk [tilespmem:v4+s25+$0x0], $0xffff  }
0x57: {  	v18 =	vld.idx.msk [tilespmem:v11+s23+$0x0], $0xffff;
	v11 =	vadd.f32 v13, v12  }
0x58: {  	v14 =	vld [tilespmem:s10+$0xFFFFFFF0]  }
0x59: {  	v13 =	vadd.f32 v15, v8;
	v12 =	vld.idx.msk [tilespmem:v6+s25+$0x0], $0xffff;
	v8 =	vmul.f32 $2.000000030e-01, v11  }
0x5a: {  	vm12 =	vge.f32 v11, $0.0e+00  }
0x5b: {  	v11 =	vsel vm12, v11, v8  }
0x5c: {  	v19 =	vmul.f32 $2.000000030e-01, v13;
	v20 =	vsub.f32 v11, v2  }
0x5d: {  	v7 =	vld [tilespmem:s9+$0xFFFFFFF0];
	s9 =	sadd.s32 $0x20, s9;
	v16 =	vadd.f32 v17, v16;
	vm13 =	vge.f32 v13, $0.0e+00  }
0x5e: {  	v9 =	vld [tilespmem:s9+$0x0];
	v11 =	vsel vm13, v13, v19;
	v17 =	vpop (erf);
	v18 =	vadd.f32 v12, v18;
	v12 =	vmul.f32 $1.442695020e+00, v20  }
0x5f: {  	s11 =	sadd.s32 $0x20, s10;
	v13 =	vmul.f32 $2.000000030e-01, v16;
	[tilespmem:v10+s0+$0x0] =	vst.idx.add.f32.msk $0xffff, v17;
	v17 =	vsub.f32 v11, v2  }
0x60: {  	v15 =	vld [tilespmem:s11+$0x0];
	vm14 =	vge.f32 v16, $0.0e+00;
	(erf) = vpow2.f32 v12  }
0x61: {  	v10 =	vld.idx.msk [tilespmem:v14+s23+$0x0], $0xffff;
	v14 =	vsel vm14, v16, v13;
	v16 =	vmul.f32 $1.442695020e+00, v17;
	_ =	sdelay $0x1  }
0x62: {  	(erf) = vpow2.f32 v16  }
0x63: {  	v8 =	vld [tilespmem:s9+$0xFFFFFFF0]  }
0x64: {  	v11 =	vld [tilespmem:s11+$0xFFFFFFF0]  }
0x65: {  	v13 =	vld.idx.msk [tilespmem:v7+s25+$0x0], $0xffff;
	v19 =	vsub.f32 v14, v2;
	v17 =	vmul.f32 $2.000000030e-01, v18  }
0x66: {  	vm15 =	vge.f32 v18, $0.0e+00;
	v14 =	vld.idx.msk [tilespmem:v9+s25+$0x0], $0xffff  }
0x67: {  	s8 =	sshll.u32 s8, $0xA;
	s10 =	simm.s32 $0x6;
	s11 =	sadd.s32 $0x20, s11;
	v12 =	vld.idx.msk [tilespmem:v15+s23+$0x0], $0xffff;
	v15 =	vmul.f32 $1.442695020e+00, v19;
	v16 =	vsel vm15, v18, v17  }
.LBB2_7:
0x68: {  	v17 =	vld [tilespmem:s11+$0x0];
	s9 =	sadd.s32 $0x20, s9;
	v16 =	vsub.f32 v16, v2;
	v18 =	vpop (erf)  }
0x69: {  	s10 =	sadd.s32 $0x2, s10;
	v19 =	vld [tilespmem:s9+$0x0];
	(erf) = vpow2.f32 v15  }
0x6a: {  	p1 =	slt.u32 s10, $0x3E;
	v20 =	vadd.f32 v13, v10;
	v15 =	vld [tilespmem:s9+$0xFFFFFFF0];
	v10 =	vmul.f32 $1.442695020e+00, v16  }
0x6b: {  	v16 =	vld [tilespmem:s11+$0xFFFFFFF0];
	v13 =	vpop (erf)  }
0x6c: {  	vm0 =	vge.f32 v20, $0.0e+00;
	v21 =	vmul.f32 $2.000000030e-01, v20;
	(erf) = vpow2.f32 v10;
	[tilespmem:v5+s0+$0x0] =	vst.idx.add.f32.msk $0xffff, v13;
	v5 =	vmovc v6;
	v6 =	vmovc v9  }
.Ltmp2:
0x6d: {  	v22 =	vadd.f32 v14, v12;
	v10 =	vld.idx.msk [tilespmem:v11+s23+$0x0], $0xffff;
	(pc) =	sbr.rel @p1 .LBB2_7-.Ltmp2, $4  }
0x6e: {  	v14 =	vsel vm0, v20, v21;
	v13 =	vld.idx.msk [tilespmem:v8+s25+$0x0], $0xffff;
	v9 =	vmov v19  }
0x6f: {  	v20 =	vmul.f32 $2.000000030e-01, v22;
	v21 =	vsub.f32 v14, v2;
	[tilespmem:v3+s0+$0x0] =	vst.idx.add.f32.msk $0xffff, v18;
	v3 =	vmovc v4;
	v4 =	vmov v7  }
0x70: {  	vm0 =	vge.f32 v22, $0.0e+00;
	v7 =	vmovc v8;
	v8 =	vmov v15;
	v12 =	vld.idx.msk [tilespmem:v17+s23+$0x0], $0xffff;
	v11 =	vmov v16  }
0x71: {  	s11 =	sadd.s32 $0x20, s11;
	v16 =	vsel vm0, v22, v20;
	v15 =	vmul.f32 $1.442695020e+00, v21;
	v14 =	vld.idx.msk [tilespmem:v19+s25+$0x0], $0xffff  }
0x72: {  	_ =	sdelay $0x3  }
0x73: {  	v11 =	vld.idx.msk [tilespmem:v11+s23+$0x0], $0xffff  }
0x74: {  	v17 =	vld.idx.msk [tilespmem:v8+s25+$0x0], $0xffff;
	_ =	sdelay $0x2  }
0x75: {  	v10 =	vadd.f32 v13, v10  }
0x76: {  	v12 =	vadd.f32 v14, v12  }
0x77: {  	v13 =	vmul.f32 $2.000000030e-01, v10;
	v11 =	vadd.f32 v17, v11  }
0x78: {  	v16 =	vsub.f32 v16, v2;
	vm0 =	vge.f32 v10, $0.0e+00;
	v14 =	vmul.f32 $2.000000030e-01, v12  }
0x79: {  	v10 =	vsel vm0, v10, v13;
	vm14 =	vge.f32 v12, $0.0e+00;
	v56 =	vmul.f32 $2.000000030e-01, v11  }
0x7a: {  	v10 =	vsub.f32 v10, v2;
	vm15 =	vge.f32 v11, $0.0e+00;
	v12 =	vsel vm14, v12, v14  }
0x7b: {  	v57 =	vmul.f32 $1.442695020e+00, v16;
	v12 =	vsub.f32 v12, v2;
	v11 =	vsel vm15, v11, v56  }
0x7c: {  	(erf) = vpow2.f32 v15;
	v10 =	vmul.f32 $1.442695020e+00, v10;
	v11 =	vsub.f32 v11, v2  }
0x7d: {  	(erf) = vpow2.f32 v57;
	v12 =	vmul.f32 $1.442695020e+00, v12  }
0x7e: {  	(erf) = vpow2.f32 v10;
	v58 =	vmul.f32 $1.442695020e+00, v11  }
0x7f: {  	(erf) = vpow2.f32 v12  }
0x80: {  	(erf) = vpow2.f32 v58;
	_ =	sdelay $0x2  }
0x81: {  	v59 =	vpop (erf)  }
0x82: {  	[tilespmem:v3+s0+$0x0] =	vst.idx.add.f32.msk $0xffff, v59;
	v60 =	vpop (erf)  }
0x83: {  	[tilespmem:v5+s0+$0x0] =	vst.idx.add.f32.msk $0xffff, v60;
	v61 =	vpop (erf)  }
0x84: {  	p1 =	sgt.u32 s6, $0x12;
	[tilespmem:v4+s0+$0x0] =	vst.idx.add.f32.msk $0xffff, v61;
	v62 =	vpop (erf)  }
0x85: {  	s9 =	sshll.u32 @!p1 s6, $0xA;
	[tilespmem:v6+s0+$0x0] =	vst.idx.add.f32.msk $0xffff, v62;
	v3 =	vpop (erf)  }
0x86: {  	s9 =	sadd.s32 @!p1 s9, s15;
	[tilespmem:v7+s0+$0x0] =	vst.idx.add.f32.msk $0xffff, v3;
	v63 =	vpop (erf)  }
0x87: {  	s9 =	sshrl.u32 @!p1 s9, $0x3;
	[tilespmem:v9+s0+$0x0] =	vst.idx.add.f32.msk $0xffff, v63;
	v3 =	vpop (erf)  }
0x88: {  	s10 =	sadd.s32 @!p1 $0x1BA80, s8;
	s12 =	simm.s32 @!p1 $0x0;
	s11 =	sadd.s32 @!p1 s1, s9;
	[tilespmem:v8+s0+$0x0] =	vst.idx.add.f32.msk $0xffff, v3  }
0x89: {  	[tilespmem:s10], [sflag:s7] =	stream.linear.gather @!p1 [hbm4b:s11+s12], $0x400, $0x200038;
	[tilespmem:$0x1F300] =	vst v63  }
0x8a: {  	s8 =	sadd.s32 @!p1 $0x1C280, s8;
	s6 =	sadd.s32 $0x1, s6;
	s9 =	sadd.s32 @!p1 s5, s9  }
0x8b: {  	[tilespmem:s8], [sflag:s7] =	stream.linear.gather @!p1 [hbm4b:s9+s12], $0x400, $0x200038;
	[tilespmem:$0x1F300] =	vst v63  }
0x8c: {  	p1 =	sne.s32 s6, $0x15  }
.Ltmp3:
0x8d: {  	_ = 	snop;
	(pc) =	sbr.rel @p1 .LBB2_6-.Ltmp3, $2  }
0x8e: {  	_ =	sdelay $0x2  }
0x8f: {  	p0 =	por !p0, !p0  }
0x90: {  	_ =	strace $0x9000004D  }
0x91: {  	[spmem:s16] =	stream.linear.scatter [tilespmem:s0], [sflag:$0x4], $0x2800, $0x38;
	[tilespmem:$0x1F300] =	vst v63  }
0x92: {  	_ =	swait.ge [sflag:s24], $0x2800  }
0x93: {  	[sflag:s24] =	ssyncset.done $0x0  }
0x94: {  	[sflag:s24] =	ssyncadd.s32 $0xFFFFD800  }
0x95: {  	[bflag:$0x0] =	sbarrier.arrive $0xFFFF  }
0x96: {  	[tilespmem:s17], [sflag:$0x4] =	stream.linear.gather [spmem:s18], $0x280, $0x38;
	[tilespmem:$0x1F300] =	vst v63  }
0x97: {  	_ =	swait.ge [sflag:s24], $0x280  }
0x98: {  	[sflag:s24] =	ssyncset.done $0x0  }
0x99: {  	s6 =	simm.s32 $0x1;
	[sflag:s24] =	ssyncadd.s32 $0xFFFFFD80  }
.LBB2_10:
0x9a: {  	s7 =	smul.u32 $0xA000, s6;
	_ =	sdelay $0x1  }
0x9b: {  	s7 =	sshra.s32 s7, $0x2  }
0x9c: {  	s8 =	simm.s32 $0x1B800;
	s7 =	sadd.s32 s7, s18  }
0x9d: {  	[tilespmem:s8], [sflag:$0x4] =	stream.linear.gather [spmem:s7], $0x280, $0x38;
	[tilespmem:$0x1F300] =	vst v63  }
0x9e: {  	_ =	swait.ge [sflag:s24], $0x280  }
0x9f: {  	s12 =	simm.s32 $0x0;
	s9 =	sadd.s32 $0x0, s13;
	[sflag:s24] =	ssyncset.done $0x0  }
0xa0: {  	s9 =	sand.u32 $0x7F80, s9;
	s7 =	sand.u32 $0x70, s12;
	[sflag:s24] =	ssyncadd.s32 $0xFFFFFD80  }
0xa1: {  	s7 =	sor.u32 s7, s9;
	v3 =	vld [tilespmem:s8+$0x0]  }
0xa2: {  	v4 =	vld [tilespmem:s7+$0x19000];
	_ =	sdelay $0x4  }
0xa3: {  	s11 =	sadd.s32 $0x10, s13;
	v3 =	vadd.f32 v3, v4  }
0xa4: {  	s10 =	simm.s32 $0x20;
	s9 =	simm.s32 $0x10;
	s8 =	simm.s32 $0x1B810  }
.LBB2_11:
0xa5: {  	p0 =	sne.s32 s10, $0x270;
	s11 =	sand.u32 $0x7F80, s11;
	s9 =	sand.u32 $0x70, s9;
	[tilespmem:s7+$0x19000] =	vst v3  }
0xa6: {  	s7 =	sor.u32 s9, s11;
	v3 =	vld [tilespmem:s8+$0x0];
	s9 =	smov.u32 s10  }
0xa7: {  	v4 =	vld [tilespmem:s7+$0x19000];
	_ =	sdelay $0x1  }
.Ltmp4:
0xa8: {  	(pc) =	sbr.rel @p0 .LBB2_11-.Ltmp4, $3  }
0xa9: {  	_ =	sdelay $0x1  }
0xaa: {  	v3 =	vadd.f32 v3, v4  }
0xab: {  	s10 =	sadd.s32 $0x10, s10;
	s8 =	sadd.s32 $0x10, s8;
	s11 =	sadd.s32 s9, s13  }
0xac: {  	s10 =	sand.u32 $0x7F80, s11;
	s9 =	sand.u32 $0x70, s9;
	[tilespmem:s7+$0x19000] =	vst v3  }
0xad: {  	s12 =	sor.u32 s9, s10;
	v3 =	vld [tilespmem:s8+$0x0]  }
0xae: {  	v4 =	vld [tilespmem:s12+$0x19000]  }
0xaf: {  	s6 =	sadd.s32 $0x1, s6  }
0xb0: {  	p0 =	sne.s32 s6, $0x10  }
.Ltmp5:
0xb1: {  	_ = 	snop;
	(pc) =	sbr.rel @p0 .LBB2_10-.Ltmp5, $3  }
0xb2: {  	_ = 	snop  }
0xb3: {  	v3 =	vadd.f32 v3, v4;
	_ =	sdelay $0x1  }
0xb4: {  	[tilespmem:s12+$0x19000] =	vst v3  }
0xb5: {  	s6 =	simm.s32 $0x0;
	s7 =	sadd.s32 $0x0, s13  }
0xb6: {  	s7 =	sand.u32 $0x7F80, s7;
	s6 =	sand.u32 $0x70, s6  }
0xb7: {  	s6 =	sor.u32 s6, s7  }
0xb8: {  	v3 =	vld [tilespmem:s6+$0x19000];
	_ =	sdelay $0x4  }
0xb9: {  	v3 =	vadd.f32 $1.000000020e-16, v3;
	_ =	sdelay $0x1  }
0xba: {  	(erf) = vrcp.f32 v3;
	_ =	sdelay $0x7  }
0xbb: {  	s9 =	sadd.s32 $0x10, s13;
	s8 =	simm.s32 $0x20;
	s7 =	simm.s32 $0x10  }
.LBB2_14:
0xbc: {  	p0 =	sne.s32 s8, $0x270;
	s9 =	sand.u32 $0x7F80, s9;
	s7 =	sand.u32 $0x70, s7;
	v3 =	vpop (erf)  }
0xbd: {  	[tilespmem:s6+$0x19000] =	vst v3;
	s6 =	sor.u32 s7, s9;
	s7 =	smov.u32 s8  }
0xbe: {  	v3 =	vld [tilespmem:s6+$0x19000];
	_ =	sdelay $0x4  }
0xbf: {  	v3 =	vadd.f32 $1.000000020e-16, v3;
	_ =	sdelay $0x1  }
0xc0: {  	(erf) = vrcp.f32 v3;
	_ =	sdelay $0x3  }
.Ltmp6:
0xc1: {  	(pc) =	sbr.rel @p0 .LBB2_14-.Ltmp6, $2  }
0xc2: {  	_ =	sdelay $0x2  }
0xc3: {  	s8 =	sadd.s32 $0x10, s8;
	s9 =	sadd.s32 s7, s13  }
0xc4: {  	s8 =	sand.u32 $0x7F80, s9;
	s7 =	sand.u32 $0x70, s7;
	v3 =	vpop (erf)  }
0xc5: {  	s7 =	sor.u32 s7, s8;
	[tilespmem:s6+$0x19000] =	vst v3  }
0xc6: {  	v3 =	vld [tilespmem:s7+$0x19000];
	_ =	sdelay $0x4  }
0xc7: {  	v3 =	vadd.f32 $1.000000020e-16, v3;
	_ =	sdelay $0x1  }
0xc8: {  	(erf) = vrcp.f32 v3;
	_ =	sdelay $0x8  }
0xc9: {  	v3 =	vpop (erf)  }
0xca: {  	[tilespmem:s7+$0x19000] =	vst v3  }
0xcb: {  	[bflag:$0x0] =	sbarrier.arrive $0xFFFF  }
0xcc: {  	[spmem:s18] =	stream.linear.scatter [tilespmem:s17], [sflag:$0x4], $0x280, $0x38;
	[tilespmem:$0x1F300] =	vst v63  }
0xcd: {  	_ =	swait.ge [sflag:s24], $0x280  }
0xce: {  	[sflag:s24] =	ssyncset.done $0x0  }
0xcf: {  	[sflag:s24] =	ssyncadd.s32 $0xFFFFFD80  }
0xd0: {  	[bflag:$0x0] =	sbarrier.arrive $0xFFFF  }
0xd1: {  	s12 =	rddreg [dreg:$0x2]  }
0xd2: {  	[tilespmem:s0], [sflag:$0x4] =	stream.linear.gather [spmem:s12], $0x2800, $0x38;
	[tilespmem:$0x1F300] =	vst v63  }
0xd3: {  	_ =	swait.ge [sflag:s24], $0x2800  }
0xd4: {  	[sflag:s24] =	ssyncset.done $0x0  }
0xd5: {  	[sflag:s24] =	ssyncadd.s32 $0xFFFFD800  }
0xd6: {  	_ =	swait.ge [sflag:s2], $0xA000  }
0xd7: {  	[sflag:s2] =	ssyncset.done $0x0  }
0xd8: {  	[sflag:s2] =	ssyncadd.s32 $0xFFFF6000  }
0xd9: {  	s6 =	simm.s32 $0x0;
	_ =	strace $0x8000004E  }
0xda: {  	[tilespmem:s28], [sflag:$0x1] =	stream.linear.gather [hbm4b:s1+s6], $0x400, $0x200038;
	[tilespmem:$0x1F300] =	vst v63  }
0xdb: {  	_ = 	snop  }
0xdc: {  	[tilespmem:s29], [sflag:$0x1] =	stream.linear.gather [hbm4b:s5+s6], $0x400, $0x200038;
	[tilespmem:$0x1F300] =	vst v63  }
0xdd: {  	_ = 	snop  }
0xde: {  	[tilespmem:s30], [sflag:$0x2] =	stream.linear.gather [hbm4b:s19+s6], $0x400, $0x200038;
	[tilespmem:$0x1F300] =	vst v63  }
0xdf: {  	p0 =	por $0x0, $0x0  }
0xe0: {  	[tilespmem:s31], [sflag:$0x2] =	stream.linear.gather [hbm4b:s20+s6], $0x400, $0x200038;
	[tilespmem:$0x1F300] =	vst v63  }
.LBB2_16:
0xe1: {  	s8 =	sand.u32 $0x1, s6  }
0xe2: {  	s7 =	sadd.s32 $0x1, s8  }
0xe3: {  	_ =	swait.ge [sflag:s7], $0x400  }
0xe4: {  	[sflag:s7] =	ssyncset.done $0x0  }
0xe5: {  	s9 =	simm.s32 $0x1;
	[sflag:s7] =	ssyncadd.s32 $0xFFFFFC00  }
0xe6: {  	s9 =	simm.s32 @!p0 $0x0;
	_ =	swait.ge [sflag:s7], $0x400  }
0xe7: {  	s9 =	sshll.u32 s9, $0xA;
	[sflag:s7] =	ssyncset.done $0x0  }
0xe8: {  	s10 =	sor.u32 $0x1BA90, s9;
	[sflag:s7] =	ssyncadd.s32 $0xFFFFFC00  }
0xe9: {  	s9 =	sor.u32 $0x1C290, s9;
	v5 =	vld [tilespmem:s10+$0x0]  }
0xea: {  	v7 =	vld [tilespmem:s9+$0x0];
	_ =	sdelay $0x4  }
0xeb: {  	v9 =	vld [tilespmem:s9+$0xFFFFFFF0]  }
0xec: {  	v12 =	vld [tilespmem:s10+$0xFFFFFFF0]  }
0xed: {  	v3 =	vld.idx.msk [tilespmem:v5+s23+$0x0], $0xffff  }
0xee: {  	v4 =	vld.idx.msk [tilespmem:v7+s25+$0x0], $0xffff;
	_ =	sdelay $0x4  }
0xef: {  	v3 =	vadd.f32 v4, v3  }
0xf0: {  	v6 =	vld.idx.msk [tilespmem:v12+s23+$0x0], $0xffff  }
0xf1: {  	v4 =	vld.idx.msk [tilespmem:v9+s25+$0x0], $0xffff;
	v8 =	vmul.f32 $2.000000030e-01, v3  }
0xf2: {  	vm0 =	vge.f32 v3, $0.0e+00  }
0xf3: {  	v3 =	vsel vm0, v3, v8  }
0xf4: {  	v3 =	vsub.f32 v3, v2;
	_ =	sdelay $0x1  }
0xf5: {  	v4 =	vadd.f32 v4, v6;
	v3 =	vmul.f32 $1.442695020e+00, v3  }
0xf6: {  	s9 =	sadd.s32 $0x20, s9  }
0xf7: {  	s10 =	sadd.s32 $0x20, s10;
	v11 =	vld [tilespmem:s9+$0x0];
	v6 =	vmul.f32 $2.000000030e-01, v4;
	(erf) = vpow2.f32 v3  }
0xf8: {  	v10 =	vld [tilespmem:s10+$0x0];
	vm9 =	vge.f32 v4, $0.0e+00  }
0xf9: {  	v3 =	vsel vm9, v4, v6  }
0xfa: {  	v3 =	vsub.f32 v3, v2  }
0xfb: {  	v16 =	vld [tilespmem:s9+$0xFFFFFFF0]  }
0xfc: {  	v4 =	vld.idx.msk [tilespmem:v7+s0+$0x0], $0xffff;
	v3 =	vmul.f32 $1.442695020e+00, v3  }
0xfd: {  	v15 =	vld [tilespmem:s10+$0xFFFFFFF0]  }
0xfe: {  	v6 =	vld.idx.msk [tilespmem:v5+s4+$0x0], $0xffff;
	(erf) = vpow2.f32 v3  }
0xff: {  	v13 =	vld.idx.msk [tilespmem:v11+s25+$0x0], $0xffff  }
0x100: {  	v3 =	vld.idx.msk [tilespmem:v10+s23+$0x0], $0xffff;
	v8 =	vpop (erf)  }
0x101: {  	v8 =	vmul.f32 v8, v4;
	v4 =	vadd.s32 $0x2800, v5  }
0x102: {  	v14 =	vld.idx.msk [tilespmem:v9+s0+$0x0], $0xffff  }
0x103: {  	v17 =	vld.idx.msk [tilespmem:v12+s4+$0x0], $0xffff;
	v6 =	vmul.f32 v8, v6  }
0x104: {  	v18 =	vld.idx.msk [tilespmem:v16+s25+$0x0], $0xffff  }
0x105: {  	[tilespmem:v7+s26+$0x0] =	vst.idx.add.f32.msk $0xffff, v6;
	v6 =	vadd.f32 v13, v3  }
0x106: {  	v4 =	vld.idx.msk [tilespmem:v4+s4+$0x0], $0xffff  }
0x107: {  	v3 =	vpop (erf);
	v13 =	vld.idx.msk [tilespmem:v15+s23+$0x0], $0xffff;
	v19 =	vmul.f32 $2.000000030e-01, v6  }
0x108: {  	v3 =	vmul.f32 v3, v14;
	v14 =	vadd.s32 $0x2800, v7;
	vm10 =	vge.f32 v6, $0.0e+00  }
0x109: {  	v20 =	vadd.s32 $0x5000, v5;
	v6 =	vsel vm10, v6, v19  }
0x10a: {  	s9 =	sadd.s32 $0x20, s9;
	v17 =	vmul.f32 v3, v17;
	v6 =	vsub.f32 v6, v2  }
0x10b: {  	v22 =	vld [tilespmem:s9+$0xFFFFFFF0];
	v4 =	vmul.f32 v8, v4  }
0x10c: {  	[tilespmem:v9+s26+$0x0] =	vst.idx.add.f32.msk $0xffff, v17;
	v13 =	vadd.f32 v18, v13;
	v6 =	vmul.f32 $1.442695020e+00, v6  }
0x10d: {  	v21 =	vadd.s32 $0x2800, v12;
	[tilespmem:v14+s26+$0x0] =	vst.idx.add.f32.msk $0xffff, v4  }
0x10e: {  	s10 =	sadd.s32 $0x20, s10;
	v4 =	vmul.f32 $2.000000030e-01, v13;
	v14 =	vld.idx.msk [tilespmem:v20+s4+$0x0], $0xffff;
	(erf) = vpow2.f32 v6  }
0x10f: {  	vm11 =	vge.f32 v13, $0.0e+00;
	v6 =	vld [tilespmem:s10+$0x0]  }
0x110: {  	v17 =	vadd.s32 $0x5000, v7;
	v13 =	vsel vm11, v13, v4;
	v4 =	vld [tilespmem:s9+$0x0]  }
0x111: {  	v25 =	vld.idx.msk [tilespmem:v15+s4+$0x0], $0xffff;
	v13 =	vsub.f32 v13, v2  }
0x112: {  	v18 =	vld.idx.msk [tilespmem:v21+s4+$0x0], $0xffff  }
0x113: {  	v20 =	vld.idx.msk [tilespmem:v11+s0+$0x0], $0xffff;
	v13 =	vmul.f32 $1.442695020e+00, v13;
	v14 =	vmul.f32 v8, v14  }
0x114: {  	v5 =	vadd.s32 $0x7800, v5;
	v21 =	vld.idx.msk [tilespmem:v10+s4+$0x0], $0xffff  }
0x115: {  	(erf) = vpow2.f32 v13;
	[tilespmem:v17+s26+$0x0] =	vst.idx.add.f32.msk $0xffff, v14  }
0x116: {  	v17 =	vld [tilespmem:s10+$0xFFFFFFF0]  }
0x117: {  	v14 =	vld.idx.msk [tilespmem:v6+s23+$0x0], $0xffff;
	v13 =	vpop (erf)  }
0x118: {  	v23 =	vld.idx.msk [tilespmem:v4+s25+$0x0], $0xffff;
	v20 =	vmul.f32 v13, v20;
	v13 =	vadd.s32 $0x2800, v10  }
0x119: {  	v5 =	vld.idx.msk [tilespmem:v5+s4+$0x0], $0xffff  }
0x11a: {  	v24 =	vadd.s32 $0x2800, v9;
	v19 =	vld.idx.msk [tilespmem:v16+s0+$0x0], $0xffff;
	v21 =	vmul.f32 v20, v21  }
0x11b: {  	v26 =	vld.idx.msk [tilespmem:v22+s25+$0x0], $0xffff;
	v7 =	vadd.s32 $0x7800, v7  }
0x11c: {  	[tilespmem:v11+s26+$0x0] =	vst.idx.add.f32.msk $0xffff, v21  }
0x11d: {  	v18 =	vmul.f32 v3, v18;
	v14 =	vadd.f32 v23, v14;
	v13 =	vld.idx.msk [tilespmem:v13+s4+$0x0], $0xffff  }
0x11e: {  	v8 =	vmul.f32 v5, v8;
	v5 =	vpop (erf);
	v21 =	vld.idx.msk [tilespmem:v17+s23+$0x0], $0xffff  }
0x11f: {  	[tilespmem:v24+s26+$0x0] =	vst.idx.add.f32.msk $0xffff, v18;
	v5 =	vmul.f32 v5, v19;
	v18 =	vmul.f32 $2.000000030e-01, v14  }
0x120: {  	s11 =	sadd.s32 $0x20, s10;
	[tilespmem:v7+s26+$0x0] =	vst.idx.add.f32.msk $0xffff, v8;
	v7 =	vadd.s32 $0x2800, v11;
	vm12 =	vge.f32 v14, $0.0e+00  }
0x121: {  	v29 =	vld [tilespmem:s11+$0xFFFFFFF0];
	v23 =	vadd.s32 $0x2800, v15;
	v8 =	vmul.f32 v5, v25;
	v14 =	vsel vm12, v14, v18  }
0x122: {  	v24 =	vadd.s32 $0x5000, v10;
	v27 =	vld.idx.msk [tilespmem:v6+s4+$0x0], $0xffff;
	v14 =	vsub.f32 v14, v2  }
0x123: {  	[tilespmem:v16+s26+$0x0] =	vst.idx.add.f32.msk $0xffff, v8;
	v8 =	vmul.f32 v20, v13;
	v13 =	vadd.f32 v26, v21  }
0x124: {  	v26 =	vld.idx.msk [tilespmem:v4+s0+$0x0], $0xffff;
	v14 =	vmul.f32 $1.442695020e+00, v14  }
0x125: {  	v18 =	vadd.s32 $0x5000, v12;
	[tilespmem:v7+s26+$0x0] =	vst.idx.add.f32.msk $0xffff, v8;
	v7 =	vmul.f32 $2.000000030e-01, v13  }
0x126: {  	v21 =	vld.idx.msk [tilespmem:v23+s4+$0x0], $0xffff;
	vm13 =	vge.f32 v13, $0.0e+00;
	(erf) = vpow2.f32 v14  }
0x127: {  	v23 =	vld.idx.msk [tilespmem:v24+s4+$0x0], $0xffff;
	v7 =	vsel vm13, v13, v7  }
0x128: {  	s9 =	sadd.s32 $0x20, s9;
	v8 =	vld [tilespmem:s11+$0x0];
	v13 =	vsub.f32 v7, v2  }
0x129: {  	v14 =	vadd.s32 $0x5000, v11;
	v7 =	vld [tilespmem:s9+$0x0]  }
0x12a: {  	v10 =	vadd.s32 $0x7800, v10;
	v24 =	vld.idx.msk [tilespmem:v18+s4+$0x0], $0xffff;
	v18 =	vmul.f32 $1.442695020e+00, v13  }
0x12b: {  	v13 =	vld [tilespmem:s9+$0xFFFFFFF0]  }
0x12c: {  	v19 =	vld.idx.msk [tilespmem:v22+s0+$0x0], $0xffff;
	v23 =	vmul.f32 v20, v23;
	(erf) = vpow2.f32 v18  }
0x12d: {  	v25 =	vld.idx.msk [tilespmem:v17+s4+$0x0], $0xffff;
	v18 =	vadd.s32 $0x2800, v16  }
0x12e: {  	[tilespmem:v14+s26+$0x0] =	vst.idx.add.f32.msk $0xffff, v23  }
0x12f: {  	v14 =	vld.idx.msk [tilespmem:v10+s4+$0x0], $0xffff;
	v10 =	vpop (erf)  }
0x130: {  	v21 =	vmul.f32 v5, v21;
	v23 =	vld.idx.msk [tilespmem:v8+s23+$0x0], $0xffff;
	v10 =	vmul.f32 v10, v26;
	v26 =	vadd.s32 $0x2800, v6  }
0x131: {  	v30 =	vadd.s32 $0x7800, v11;
	v28 =	vld.idx.msk [tilespmem:v7+s25+$0x0], $0xffff  }
0x132: {  	[tilespmem:v18+s26+$0x0] =	vst.idx.add.f32.msk $0xffff, v21;
	v11 =	vmul.f32 v10, v27  }
0x133: {  	v32 =	vld.idx.msk [tilespmem:v13+s25+$0x0], $0xffff  }
0x134: {  	v33 =	vadd.s32 $0x5000, v9;
	v18 =	vmul.f32 v14, v20;
	[tilespmem:v4+s26+$0x0] =	vst.idx.add.f32.msk $0xffff, v11  }
0x135: {  	v34 =	vadd.s32 $0x7800, v12;
	v37 =	vadd.s32 $0x5000, v6;
	v36 =	vadd.s32 $0x2800, v4;
	v26 =	vld.idx.msk [tilespmem:v26+s4+$0x0], $0xffff;
	v12 =	vpop (erf)  }
0x136: {  	v31 =	vadd.s32 $0x2800, v17;
	[tilespmem:v30+s26+$0x0] =	vst.idx.add.f32.msk $0xffff, v18;
	v23 =	vadd.f32 v28, v23;
	v20 =	vmul.f32 v12, v19  }
0x137: {  	v21 =	vadd.s32 $0x5000, v17;
	v14 =	vadd.s32 $0x5000, v16;
	v30 =	vld.idx.msk [tilespmem:v29+s23+$0x0], $0xffff;
	v19 =	vadd.s32 $0x5000, v15  }
0x138: {  	v27 =	vld.idx.msk [tilespmem:v13+s0+$0x0], $0xffff;
	v11 =	vadd.s32 $0x7800, v9;
	v35 =	vmul.f32 $2.000000030e-01, v23;
	v28 =	vmul.f32 v20, v25  }
0x139: {  	v9 =	vadd.s32 $0x7800, v16;
	v16 =	vadd.s32 $0x7800, v15;
	vm14 =	vge.f32 v23, $0.0e+00;
	v25 =	vld.idx.msk [tilespmem:v29+s4+$0x0], $0xffff  }
0x13a: {  	v18 =	vadd.s32 $0x2800, v22;
	v15 =	vadd.s32 $0x5000, v22;
	v23 =	vsel vm14, v23, v35;
	[tilespmem:v22+s26+$0x0] =	vst.idx.add.f32.msk $0xffff, v28  }
0x13b: {  	v12 =	vadd.s32 $0x7800, v22;
	v22 =	vmul.f32 v3, v24;
	v38 =	vsub.f32 v23, v2;
	v62 =	vld.idx.msk [tilespmem:v31+s4+$0x0], $0xffff  }
0x13c: {  	v17 =	vadd.s32 $0x7800, v17;
	v26 =	vmul.f32 v10, v26;
	v32 =	vadd.f32 v32, v30;
	v31 =	vld.idx.msk [tilespmem:v19+s4+$0x0], $0xffff  }
0x13d: {  	v23 =	vadd.s32 $0x2800, v13;
	v24 =	vadd.s32 $0x7800, v13;
	[tilespmem:v33+s26+$0x0] =	vst.idx.add.f32.msk $0xffff, v22;
	v30 =	vmul.f32 $1.442695020e+00, v38  }
0x13e: {  	v28 =	vadd.s32 $0x2800, v29;
	v19 =	vadd.s32 $0x5000, v13;
	[tilespmem:v36+s26+$0x0] =	vst.idx.add.f32.msk $0xffff, v26;
	v63 =	vmul.f32 $2.000000030e-01, v32  }
0x13f: {  	v26 =	vadd.s32 $0x5000, v29;
	vm15 =	vge.f32 v32, $0.0e+00;
	v33 =	vld.idx.msk [tilespmem:v37+s4+$0x0], $0xffff;
	(erf) = vpow2.f32 v30  }
0x140: {  	s8 =	sshll.u32 s8, $0xA;
	s10 =	simm.s32 $0x6;
	s11 =	sadd.s32 $0x20, s11;
	v22 =	vadd.s32 $0x7800, v29;
	v29 =	vmovc v7;
	v30 =	vld.idx.msk [tilespmem:v34+s4+$0x0], $0xffff;
	v34 =	vsel vm15, v32, v63;
	v32 =	vmul.f32 v20, v62  }
.LBB2_17:
0x141: {  	v35 =	vld [tilespmem:s11+$0x0];
	v34 =	vsub.f32 v34, v2;
	s9 =	sadd.s32 $0x20, s9;
	v36 =	vadd.s32 $0x5000, v4;
	v37 =	vmul.f32 v5, v31;
	v38 =	vmovc v9;
	v9 =	vmovc v12  }
0x142: {  	v39 =	vadd.s32 $0x7800, v6;
	v6 =	vmov v8;
	v12 =	vmov v24;
	v31 =	vld [tilespmem:s9+$0x0]  }
0x143: {  	s10 =	sadd.s32 $0x2, s10;
	v24 =	vmul.f32 $1.442695020e+00, v34;
	v34 =	vld.idx.msk [tilespmem:v7+s0+$0x0], $0xffff  }
0x144: {  	p1 =	slt.u32 s10, $0x3E;
	v33 =	vmul.f32 v10, v33;
	v40 =	vld [tilespmem:s9+$0xFFFFFFF0]  }
0x145: {  	v42 =	vmul.f32 v30, v3;
	v3 =	vmovc v5;
	v5 =	vmov v20;
	v41 =	vld.idx.msk [tilespmem:v8+s4+$0x0], $0xffff;
	(erf) = vpow2.f32 v24  }
0x146: {  	[tilespmem:v36+s26+$0x0] =	vst.idx.add.f32.msk $0xffff, v33;
	v8 =	vmov v35  }
0x147: {  	v20 =	vld.idx.msk [tilespmem:v39+s4+$0x0], $0xffff  }
0x148: {  	v30 =	vld [tilespmem:s11+$0xFFFFFFF0];
	v24 =	vpop (erf)  }
0x149: {  	v36 =	vadd.s32 $0x2800, v6;
	v33 =	vadd.s32 $0x2800, v40;
	v35 =	vld.idx.msk [tilespmem:v35+s23+$0x0], $0xffff;
	v34 =	vmul.f32 v24, v34  }
0x14a: {  	v44 =	vadd.s32 $0x7800, v4;
	v4 =	vmovc v7;
	v7 =	vmovc v31;
	v39 =	vadd.s32 $0x5000, v40;
	v24 =	vadd.s32 $0x7800, v40;
	v43 =	vld.idx.msk [tilespmem:v31+s25+$0x0], $0xffff  }
0x14b: {  	v41 =	vmul.f32 v34, v41;
	[tilespmem:v18+s26+$0x0] =	vst.idx.add.f32.msk $0xffff, v32;
	v18 =	vmov v23;
	v23 =	vmov v33  }
0x14c: {  	v32 =	vld.idx.msk [tilespmem:v40+s25+$0x0], $0xffff  }
0x14d: {  	v33 =	vadd.s32 $0x2800, v30;
	v45 =	vadd.s32 $0x5000, v30;
	[tilespmem:v29+s26+$0x0] =	vst.idx.add.f32.msk $0xffff, v41;
	v41 =	vmul.f32 v20, v10;
	v29 =	vmovc v31  }
0x14e: {  	v46 =	vadd.s32 $0x7800, v30;
	v10 =	vmov v34;
	v31 =	vld.idx.msk [tilespmem:v36+s4+$0x0], $0xffff;
	v20 =	vpop (erf)  }
0x14f: {  	v20 =	vmul.f32 v20, v27;
	[tilespmem:v44+s26+$0x0] =	vst.idx.add.f32.msk $0xffff, v41  }
0x150: {  	v35 =	vadd.f32 v43, v35;
	v34 =	vld.idx.msk [tilespmem:v30+s23+$0x0], $0xffff  }
0x151: {  	v27 =	vld.idx.msk [tilespmem:v40+s0+$0x0], $0xffff;
	v36 =	vmul.f32 v20, v25  }
0x152: {  	v41 =	vadd.s32 $0x2800, v4;
	v25 =	vld.idx.msk [tilespmem:v30+s4+$0x0], $0xffff;
	v30 =	vmul.f32 $2.000000030e-01, v35  }
0x153: {  	vm0 =	vge.f32 v35, $0.0e+00;
	[tilespmem:v13+s26+$0x0] =	vst.idx.add.f32.msk $0xffff, v36;
	v36 =	vadd.s32 $0x5000, v6;
	v13 =	vmov v40  }
0x154: {  	v30 =	vsel vm0, v35, v30;
	v35 =	vld.idx.msk [tilespmem:v28+s4+$0x0], $0xffff;
	v28 =	vmov v33  }
0x155: {  	v33 =	vmul.f32 v10, v31;
	v30 =	vsub.f32 v30, v2;
	v31 =	vld.idx.msk [tilespmem:v21+s4+$0x0], $0xffff;
	v21 =	vmovc v26;
	v26 =	vmov v45  }
.Ltmp7:
0x156: {  	v32 =	vadd.f32 v32, v34;
	[tilespmem:v14+s26+$0x0] =	vst.idx.add.f32.msk $0xffff, v37;
	v14 =	vmovc v15;
	v15 =	vmov v19;
	v19 =	vmov v39;
	(pc) =	sbr.rel @p1 .LBB2_17-.Ltmp7, $4  }
0x157: {  	v30 =	vmul.f32 $1.442695020e+00, v30;
	[tilespmem:v41+s26+$0x0] =	vst.idx.add.f32.msk $0xffff, v33  }
0x158: {  	vm0 =	vge.f32 v32, $0.0e+00;
	v34 =	vmul.f32 $2.000000030e-01, v32;
	v33 =	vld.idx.msk [tilespmem:v36+s4+$0x0], $0xffff  }
0x159: {  	(erf) = vpow2.f32 v30;
	v30 =	vld.idx.msk [tilespmem:v16+s4+$0x0], $0xffff;
	v16 =	vmovc v17;
	v17 =	vmov v22;
	v22 =	vmov v46  }
0x15a: {  	s11 =	sadd.s32 $0x20, s11;
	v34 =	vsel vm0, v32, v34;
	v32 =	vmul.f32 v20, v35;
	[tilespmem:v11+s26+$0x0] =	vst.idx.add.f32.msk $0xffff, v42;
	v11 =	vmov v38  }
0x15b: {  	v34 =	vsub.f32 v34, v2;
	_ =	sdelay $0x1  }
0x15c: {  	v34 =	vmul.f32 $1.442695020e+00, v34;
	_ =	sdelay $0x1  }
0x15d: {  	(erf) = vpow2.f32 v34;
	_ =	sdelay $0x2  }
0x15e: {  	v47 =	vld.idx.msk [tilespmem:v7+s0+$0x0], $0xffff;
	_ =	sdelay $0x1  }
0x15f: {  	v35 =	vld.idx.msk [tilespmem:v8+s4+$0x0], $0xffff;
	_ =	sdelay $0x1  }
0x160: {  	v36 =	vpop (erf)  }
0x161: {  	v48 =	vadd.s32 $0x2800, v8;
	v34 =	vmul.f32 v36, v47  }
0x162: {  	v37 =	vpop (erf)  }
0x163: {  	v35 =	vmul.f32 v34, v35;
	v27 =	vmul.f32 v37, v27;
	_ =	sdelay $0x1  }
0x164: {  	[tilespmem:v29+s26+$0x0] =	vst.idx.add.f32.msk $0xffff, v35;
	v25 =	vmul.f32 v27, v25  }
0x165: {  	v35 =	vld.idx.msk [tilespmem:v48+s4+$0x0], $0xffff  }
0x166: {  	[tilespmem:v13+s26+$0x0] =	vst.idx.add.f32.msk $0xffff, v25  }
0x167: {  	v50 =	vadd.s32 $0x2800, v7;
	v25 =	vld.idx.msk [tilespmem:v28+s4+$0x0], $0xffff  }
0x168: {  	v51 =	vadd.s32 $0x5000, v8;
	v55 =	vmul.f32 v5, v31;
	[tilespmem:v18+s26+$0x0] =	vst.idx.add.f32.msk $0xffff, v32  }
0x169: {  	v21 =	vld.idx.msk [tilespmem:v21+s4+$0x0], $0xffff  }
0x16a: {  	[tilespmem:v14+s26+$0x0] =	vst.idx.add.f32.msk $0xffff, v55;
	v52 =	vmul.f32 v34, v35  }
0x16b: {  	v49 =	vadd.s32 $0x5000, v4;
	v14 =	vld.idx.msk [tilespmem:v16+s4+$0x0], $0xffff  }
0x16c: {  	v6 =	vadd.s32 $0x7800, v6;
	[tilespmem:v50+s26+$0x0] =	vst.idx.add.f32.msk $0xffff, v52;
	v53 =	vmul.f32 v27, v25  }
0x16d: {  	v13 =	vld.idx.msk [tilespmem:v51+s4+$0x0], $0xffff  }
0x16e: {  	v33 =	vmul.f32 v10, v33;
	[tilespmem:v23+s26+$0x0] =	vst.idx.add.f32.msk $0xffff, v53  }
0x16f: {  	v54 =	vadd.s32 $0x5000, v7;
	v18 =	vld.idx.msk [tilespmem:v26+s4+$0x0], $0xffff  }
0x170: {  	v56 =	vadd.s32 $0x7800, v8;
	[tilespmem:v49+s26+$0x0] =	vst.idx.add.f32.msk $0xffff, v33;
	v57 =	vmul.f32 v20, v21  }
0x171: {  	v6 =	vld.idx.msk [tilespmem:v6+s4+$0x0], $0xffff  }
0x172: {  	[tilespmem:v15+s26+$0x0] =	vst.idx.add.f32.msk $0xffff, v57;
	v13 =	vmul.f32 v34, v13  }
0x173: {  	v15 =	vld.idx.msk [tilespmem:v17+s4+$0x0], $0xffff  }
0x174: {  	[tilespmem:v54+s26+$0x0] =	vst.idx.add.f32.msk $0xffff, v13;
	v59 =	vmul.f32 v27, v18  }
0x175: {  	v8 =	vld.idx.msk [tilespmem:v56+s4+$0x0], $0xffff  }
0x176: {  	v58 =	vadd.s32 $0x7800, v4;
	v3 =	vmul.f32 v30, v3;
	[tilespmem:v19+s26+$0x0] =	vst.idx.add.f32.msk $0xffff, v59  }
0x177: {  	v61 =	vld.idx.msk [tilespmem:v22+s4+$0x0], $0xffff  }
0x178: {  	v60 =	vadd.s32 $0x7800, v7;
	[tilespmem:v11+s26+$0x0] =	vst.idx.add.f32.msk $0xffff, v3;
	v3 =	vmul.f32 v14, v5  }
0x179: {  	v6 =	vmul.f32 v6, v10  }
0x17a: {  	[tilespmem:v9+s26+$0x0] =	vst.idx.add.f32.msk $0xffff, v3;
	v63 =	vmul.f32 v15, v20  }
0x17b: {  	p1 =	sgt.u32 s6, $0x14D;
	[tilespmem:v58+s26+$0x0] =	vst.idx.add.f32.msk $0xffff, v6;
	v62 =	vmul.f32 v8, v34  }
0x17c: {  	s9 =	sshll.u32 @!p1 s6, $0x7;
	[tilespmem:v12+s26+$0x0] =	vst.idx.add.f32.msk $0xffff, v63;
	v3 =	vmul.f32 v61, v27  }
0x17d: {  	s9 =	sadd.s32 @!p1 $0x100, s9;
	[tilespmem:v60+s26+$0x0] =	vst.idx.add.f32.msk $0xffff, v62  }
0x17e: {  	s10 =	sadd.s32 @!p1 $0x1BA80, s8;
	s12 =	simm.s32 @!p1 $0x0;
	s11 =	sadd.s32 @!p1 s1, s9;
	[tilespmem:v24+s26+$0x0] =	vst.idx.add.f32.msk $0xffff, v3  }
0x17f: {  	[tilespmem:s10], [sflag:s7] =	stream.linear.gather @!p1 [hbm4b:s11+s12], $0x400, $0x200038;
	[tilespmem:$0x1F300] =	vst v63  }
0x180: {  	s8 =	sadd.s32 @!p1 $0x1C280, s8;
	s6 =	sadd.s32 $0x1, s6;
	s9 =	sadd.s32 @!p1 s5, s9  }
0x181: {  	[tilespmem:s8], [sflag:s7] =	stream.linear.gather @!p1 [hbm4b:s9+s12], $0x400, $0x200038;
	[tilespmem:$0x1F300] =	vst v63  }
0x182: {  	p1 =	sne.s32 s6, $0x150  }
.Ltmp8:
0x183: {  	_ = 	snop;
	(pc) =	sbr.rel @p1 .LBB2_16-.Ltmp8, $2  }
0x184: {  	_ =	sdelay $0x2  }
0x185: {  	p0 =	por !p0, !p0  }
0x186: {  	s3 =	sadd.s32 $0x1, s3  }
0x187: {  	p0 =	sne.s32 s3, s22  }
.Ltmp9:
0x188: {  	_ =	strace $0x9000004E;
	(pc) =	sbr.rel @p0 .LBB2_1-.Ltmp9, $4  }
0x189: {  	[hbm4b:s21+s4] =	stream.linear.scatter [tilespmem:s26], [sflag:$0x4], $0xA000, $0x38;
	[tilespmem:$0x1F300] =	vst v63  }
0x18a: {  	_ =	swait.ge [sflag:s24], $0xA000  }
0x18b: {  	[sflag:s24] =	ssyncset.done $0x0  }
0x18c: {  	[sflag:s24] =	ssyncadd.s32 $0xFFFF6000  }
0x18d: {  	_ =	sfence.sel $0x180000  }
0x18e: {  	[bflag:$0x0] =	sbarrier.arrive $0xFFFF  }
0x18f: {  	_ =	strace $0x9000004C  }
0x190: {  	s0 =	stileid.u32;
	[bflag:$0x2] =	sbarrier.arrive $0xFFFF  }
0x191: {  	p0 =	sne.s32 s0, $0x0;
	s0 =	rddreg [dreg:$0x3]  }
0x192: {  	s0 =	sadd.s32 @!p0 $0x100000, s0  }
0x193: {  	[sflag:s0] =	ssyncadd.tile.s32 @!p0 $0x1;
	_ =	shalt  }
.Lfunc_end2:
_tile_overlayer_lowered:
.L_overlay_start_2:
0x194: {  	(tag) =	ssettag $0x2  }
0x195: {  	s0 =	rddreg [dreg:$0x0];
	s2 =	stileid.u32  }
0x196: {  	s1 =	rddreg [dreg:$0x1];
	p0 =	sne.s32 s2, $0x0  }
0x197: {  	s3 =	rddreg [dreg:$0x2];
	[bflag:$0x3] =	sbarrier.arrive $0xFFFF;
	s2 =	simm.s32 @!p0 $0x1C04  }
0x198: {  	[timem:s3], [sflag:s2] =	dma.local @!p0 [hbm:s0], s1  }
0x199: {  	s0 =	simm.s32 @!p0 $0x4  }
0x19a: {  	_ =	swait.ge @!p0 [sflag:s0], s1  }
0x19b: {  	s1 =	ssub.s32 @!p0 $0x0, s1;
	[sflag:s0] =	ssyncset.done @!p0 $0x0  }
0x19c: {  	[sflag:s0] =	ssyncadd.s32 @!p0 s1  }
0x19d: {  	[bflag:$0x3] =	sbarrier.arrive $0xFFFF  }
0x19e: {  	_ =	shalt  }

// kernel: kernel.7.cloned.1.call-start
scs
__scs_entry_jumppad:
0x0: {  	(pc) =	sbr.rel $0x88, $3  }
0x1: {  	(tag) =	ssettag $0x0;
	lr =	simm.s32 $0x1  }
0x2: {  	[smem:$0x3F97] =	sst lr;
	_ =	strace $0xD0000000  }
0x3: {  	_ = 	snop  }
0x4: {  	_ = 	snop  }
0x5: {  	_ = 	snop  }
0x6: {  	_ = 	snop  }
0x7: {  	_ = 	snop  }
__scs_overlays_trampoline_lowered:
0x8: {  	[smem:$0x3FA6] =	sst s0  }
0x9: {  	[smem:$0x3FA7] =	sst s1  }
0xa: {  	[smem:$0x3FA8] =	sst s2  }
0xb: {  	[smem:$0x3FA9] =	sst s3  }
0xc: {  	[smem:$0x3FAA] =	sst s4  }
0xd: {  	[smem:$0x3FAB] =	sst s5  }
0xe: {  	[smem:$0x3FAC] =	sst s6  }
0xf: {  	[smem:$0x3FAD] =	sst s7  }
0x10: {  	[smem:$0x3FAE] =	sst s8  }
0x11: {  	[smem:$0x3FAF] =	sst s9;
	s0 =	simm.s32 @!p0 $0x0  }
0x12: {  	s1 =	sld [smem:$0x3F95];
	s0 =	simm.s32 @p0 $0x1  }
0x13: {  	[smem:$0x3FB0] =	sst s0;
	s0 =	simm.s32 @!p1 $0x0  }
0x14: {  	s2 =	sld [smem:$0x3F94];
	s0 =	simm.s32 @p1 $0x1  }
0x15: {  	[smem:$0x3FB1] =	sst s0;
	s0 =	simm.s32 @!p2 $0x0  }
0x16: {  	s3 =	sld [smem:$0x3FDB];
	s0 =	simm.s32 @p2 $0x1  }
0x17: {  	s4 =	simm.s32 $0x1BF5;
	[smem:$0x3FB3] =	sst s0  }
0x18: {  	s0 =	sld [smem:$0x3F96];
	_ =	swait.ge [sflag:s4], $0x0  }
0x19: {  	s7 =	sld [smem:$0x3F97]  }
0x1a: {  	s8 =	sadd.s32 $0xFFFFE003, lr  }
0x1b: {  	s9 =	sadd.s32 $0xFFFFFEF7, lr;
	s5 =	simm.s32 $0xFFFFFFFF;
	p2 =	slt.u32 s8, $0xFFFFF086  }
0x1c: {  	p1 =	slt.u32 s9, $0xF7A;
	s5 =	simm.s32 @!p2 $0x0  }
0x1d: {  	s5 =	simm.s32 @p1 $0x1;
	p0 =	seq.s32 s7, s2  }
0x1e: {  	s7 =	smul.u32 @!p0 $0xF7A, s2;
	p2 =	seq.s32 @!p0 s5, $0x0  }
0x1f: {  	s9 =	smul.u32 $0xF7A, s1;
	s8 =	simm.s32 @!p0 $0x1BF5;
	p2 =	por !p2, p0  }
0x20: {  	[sflag:s8] =	ssyncset.s32 @!p0 $0xFFFFF086;
	s6 =	sadd.s32 @!p0 s3, s7;
	s7 =	simm.s32 @!p0 $0x108  }
0x21: {  	s3 =	sadd.s32 s3, s9;
	s6 =	sadd.s32 @!p0 $0x88, s6;
	s7 =	simm.s32 @p2 $0x1082  }
0x22: {  	[simem:s7], [sflag:s8] =	dma.local @!p0 [hbm:s6], $0xF7A  }
0x23: {  	s9 =	sor.u32 $0xD0000000, s2;
	s6 =	simm.s32 $0x108;
	_ =	swait.ge @!p0 [sflag:s8], $0x0  }
0x24: {  	s3 =	sadd.s32 $0x88, s3;
	s6 =	simm.s32 @!p1 $0x1082;
	[sflag:s4] =	ssyncset.s32 $0xFFFFF086  }
0x25: {  	[simem:s6], [sflag:s4] =	dma.local [hbm:s3], $0xF7A  }
0x26: {  	[smem:$0x3F97] =	sst s1;
	(tag) =	ssettag s2;
	_ =	strace s9  }
0x27: {  	s1 =	sld [smem:$0x3FA7]  }
0x28: {  	s2 =	sld [smem:$0x3FA8]  }
0x29: {  	s4 =	sld [smem:$0x3FAA]  }
0x2a: {  	p0 =	seq.s32 s5, $0x0;
	s5 =	sld [smem:$0x3FAB]  }
0x2b: {  	s6 =	sld [smem:$0x3FAC]  }
0x2c: {  	s7 =	sld [smem:$0x3FAD]  }
0x2d: {  	s3 =	simm.s32 $0x108;
	s8 =	sld [smem:$0x3FAE]  }
0x2e: {  	s3 =	simm.s32 @!p0 $0x1082;
	s9 =	sld [smem:$0x3FAF]  }
0x2f: {  	lr =	sadd.s32 s0, s3;
	s0 =	sld [smem:$0x3FA6]  }
0x30: {  	s3 =	sld [smem:$0x3FA9]  }
0x31: {  	[smem:$0x3FB2] =	sst s10  }
0x32: {  	s10 =	sld [smem:$0x3FB0];
	_ =	sdelay $0x3  }
0x33: {  	p0 =	seq.s32 s10, $0x1;
	s10 =	sld [smem:$0x3FB2];
	_ =	sdelay $0x3  }
0x34: {  	[smem:$0x3FB2] =	sst s10  }
0x35: {  	s10 =	sld [smem:$0x3FB1];
	_ =	sdelay $0x3  }
0x36: {  	p1 =	seq.s32 s10, $0x1;
	s10 =	sld [smem:$0x3FB2];
	_ =	sdelay $0x3  }
0x37: {  	[smem:$0x3FB2] =	sst s10  }
0x38: {  	s10 =	sld [smem:$0x3FB3]  }
0x39: {  	_ = 	snop;
	(pc) =	sbr.ind lr, $3  }
0x3a: {  	_ = 	snop  }
0x3b: {  	_ = 	snop  }
0x3c: {  	p2 =	seq.s32 s10, $0x1;
	s10 =	sld [smem:$0x3FB2]  }
0x3d: {  	_ =	shalt  }
0x3e: {  	_ =	shalt  }
0x3f: {  	_ =	shalt  }
0x40: {  	_ =	shalt  }
0x41: {  	_ =	shalt  }
0x42: {  	_ =	shalt  }
0x43: {  	_ =	shalt  }
0x44: {  	_ =	shalt  }
0x45: {  	_ =	shalt  }
0x46: {  	_ =	shalt  }
0x47: {  	_ =	shalt  }
0x48: {  	_ =	shalt  }
0x49: {  	_ =	shalt  }
0x4a: {  	_ =	shalt  }
0x4b: {  	_ =	shalt  }
0x4c: {  	_ =	shalt  }
0x4d: {  	_ =	shalt  }
0x4e: {  	_ =	shalt  }
0x4f: {  	_ =	shalt  }
0x50: {  	_ =	shalt  }
0x51: {  	_ =	shalt  }
0x52: {  	_ =	shalt  }
0x53: {  	_ =	shalt  }
0x54: {  	_ =	shalt  }
0x55: {  	_ =	shalt  }
0x56: {  	_ =	shalt  }
0x57: {  	_ =	shalt  }
0x58: {  	_ =	shalt  }
0x59: {  	_ =	shalt  }
0x5a: {  	_ =	shalt  }
0x5b: {  	_ =	shalt  }
0x5c: {  	_ =	shalt  }
0x5d: {  	_ =	shalt  }
0x5e: {  	_ =	shalt  }
0x5f: {  	_ =	shalt  }
0x60: {  	_ =	shalt  }
0x61: {  	_ =	shalt  }
0x62: {  	_ =	shalt  }
0x63: {  	_ =	shalt  }
0x64: {  	_ =	shalt  }
0x65: {  	_ =	shalt  }
0x66: {  	_ =	shalt  }
0x67: {  	_ =	shalt  }
0x68: {  	_ =	shalt  }
0x69: {  	_ =	shalt  }
0x6a: {  	_ =	shalt  }
0x6b: {  	_ =	shalt  }
0x6c: {  	_ =	shalt  }
0x6d: {  	_ =	shalt  }
0x6e: {  	_ =	shalt  }
0x6f: {  	_ =	shalt  }
0x70: {  	_ =	shalt  }
0x71: {  	_ =	shalt  }
0x72: {  	_ =	shalt  }
0x73: {  	_ =	shalt  }
0x74: {  	_ =	shalt  }
0x75: {  	_ =	shalt  }
0x76: {  	_ =	shalt  }
0x77: {  	_ =	shalt  }
0x78: {  	_ =	shalt  }
0x79: {  	_ =	shalt  }
0x7a: {  	_ =	shalt  }
0x7b: {  	_ =	shalt  }
0x7c: {  	_ =	shalt  }
0x7d: {  	_ =	shalt  }
0x7e: {  	_ =	shalt  }
0x7f: {  	_ =	shalt  }
0x80: {  	_ =	shalt  }
0x81: {  	_ =	shalt  }
0x82: {  	_ =	shalt  }
0x83: {  	_ =	shalt  }
0x84: {  	_ =	shalt  }
0x85: {  	_ =	shalt  }
0x86: {  	_ =	shalt  }
0x87: {  	_ =	shalt  }
.Lfunc_end0:
.L_simem_size_0:
called_computation_lowered:
.L_overlay_start_0:
0x88: {  	s2 =	sld [smem:$0x3FD9]  }
0x89: {  	s3 =	sld [smem:$0x3FFE];
	_ =	sdelay $0x1  }
0x8a: {  	s1 =	srdreg.scid  }
0x8b: {  	s0 =	sand.u32 $0x1, s1  }
0x8c: {  	s17 =	sshll.u32 s0, $0xA;
	s2 =	sadd.s32 s3, s2  }
0x8d: {  	s2 =	sadd.s32 s2, s17  }
0x8e: {  	[smem:$0x3FBE] =	sst s2  }
0x8f: {  	_ = 	snop  }
0x90: {  	s2 =	sld [smem:$0x3FD0];
	(tm) =	ssettm $0x1  }
0x91: {  	s18 =	sld [smem:$0x3FFB];
	_ =	sdelay $0x3  }
0x92: {  	_ =	strace s18  }
0x93: {  	s3 =	sld [smem:$0x3FFC];
	_ =	sdelay $0x3  }
0x94: {  	_ =	strace s3  }
0x95: {  	s3 =	sld [smem:$0x3FFD];
	_ =	sdelay $0x3  }
0x96: {  	_ =	strace s3  }
0x97: {  	_ =	strace $0x8FFFFFFF  }
0x98: {  	s19 =	sld [smem:$0x3FDB];
	_ =	sdelay $0x1  }
0x99: {  	s4 =	simm.s32 $_scs_section_size  }
0x9a: {  	s5 =	simm.s32 $_size__tile_overlayer_lowered;
	s6 =	simm.s32 $_tile_overlayer_lowered  }
0x9b: {  	s22 =	simm.s32 $0x1BFF;
	s21 =	sshll.u32 s6, $0x1;
	s3 =	sadd.s32 s4, s19  }
0x9c: {  	s7 =	simm.s32 $0x0;
	s20 =	sshll.u32 s5, $0x1;
	s5 =	sadd.s32 s21, s3  }
0x9d: {  	[timem:s7], [sflag:s22] =	dma.local [hbm:s5], s20  }
0x9e: {  	_ =	swait.ge [sflag:s22], s20  }
0x9f: {  	s4 =	ssub.s32 $0x0, s20;
	[sflag:s22] =	ssyncset.done $0x0  }
0xa0: {  	[sflag:s22] =	ssyncadd.s32 s4;
	_ =	sdelay $0x1  }
0xa1: {  	s23 =	simm.s32 $0x1B8B  }
0xa2: {  	_ =	swait.ge [sflag:s23], $0x1  }
0xa3: {  	[sflag:s23] =	ssyncset.done $0x0  }
0xa4: {  	s25 =	simm.s32 $0x1B8E;
	s24 =	sld [smem:$0x3FFE];
	[sflag:s23] =	ssyncadd.s32 $0xFFFFFFFF  }
0xa5: {  	s26 =	simm.s32 $execute0_lowered;
	[smem:$0x3FD2] =	sst s25  }
0xa6: {  	s5 =	sshll.u32 s26, $0x1;
	_ =	strace $0x80000046;
	[dreg:$0x1] =	wrdreg $0xFFFFFFFF  }
0xa7: {  	s28 =	simm.s32 $_size_execute0_lowered;
	s3 =	sadd.s32 s3, s5;
	[dreg:$0x0] =	wrdreg $0x0  }
0xa8: {  	s5 =	sshll.u32 s28, $0x1;
	[dreg:$0x2] =	wrdreg s3  }
0xa9: {  	[dreg:$0x3] =	wrdreg s5  }
0xaa: {  	[dreg:$0x4] =	wrdreg $0xC0  }
0xab: {  	_ =	task [dreg:s7], $0x5FFFF  }
0xac: {  	[dreg:$0x1] =	wrdreg $0xFFFFFFFF  }
0xad: {  	[dreg:$0x0] =	wrdreg $0x60  }
0xae: {  	[dreg:$0x2] =	wrdreg s2  }
0xaf: {  	[dreg:$0x3] =	wrdreg s24  }
0xb0: {  	[dreg:$0x4] =	wrdreg $0x1D2800  }
0xb1: {  	[dreg:$0x5] =	wrdreg $0x9  }
0xb2: {  	_ =	task.clear_ibuf [dreg:s7], $0x6FFFF;
	_ =	strace $0x90000046  }
0xb3: {  	s29 =	simm.s32 $0x9;
	_ =	strace $0x8000004A  }
0xb4: {  	_ =	swait.ge [sflag:s29], $0x1  }
0xb5: {  	[sflag:s29] =	ssyncadd.s32 $0xFFFFFFFF  }
0xb6: {  	_ =	strace $0x9000004A  }
0xb7: {  	_ =	sfence  }
0xb8: {  	s30 =	sld [smem:$0x0];
	_ =	sdelay $0x2  }
0xb9: {  	s31 =	sshll.u32 s1, $0xD;
	s1 =	sshrl.u32 s1, $0x2  }
0xba: {  	s3 =	sand.u32 $0x4000, s31;
	s1 =	sadd.s32 s1, s30  }
0xbb: {  	s0 =	sor.u32 s3, s0;
	s1 =	sshll.u32 s1, $0x11  }
0xbc: {  	s0 =	sor.u32 s1, s0  }
0xbd: {  	s0 =	sadd.s32 $0x8F2B, s0  }
0xbe: {  	[sflag:s0] =	ssyncadd.remote.s32 $0x1  }
0xbf: {  	_ =	sfence.sel $0xFFFF  }
0xc0: {  	[dreg:$0x0] =	wrdreg $0xFFFFFFFF;
	(pc) =	sbr.abs _section_cstart, $3  }
0xc1: {  	[dreg:$0x1] =	wrdreg $0xFFFFFFFF  }
0xc2: {  	_ =	task.clear_ibuf [dreg:s7], $0x2FFFF;
	_ =	strace $0x9FFFFFFF  }
0xc3: {  	(tm) =	ssettm $0x7FFFFFFF  }
tec
execute0_lowered:
.L_overlay_start_1:
0x0: {  	(tag) =	ssettag $0x1  }
0x1: {  	s1 =	rddreg [dreg:$0x0]  }
0x2: {  	s0 =	rddreg [dreg:$0x1]  }
0x3: {  	s2 =	rddreg [dreg:$0x2]  }
0x4: {  	s4 =	srdreg.scid;
	s3 =	simm.s32 $0x0;
	s15 =	stileid.u32  }
0x5: {  	s28 =	simm.s32 $0x4;
	s29 =	simm.s32 $0x16800;
	s31 =	simm.s32 $0x1C200  }
0x6: {  	s30 =	simm.s32 $0x1CE00;
	s5 =	sand.u32 $0x1, s4;
	[smem:$0x7FF] =	sst s3  }
0x7: {  	s6 =	sshrl.u32 s15, $0x2;
	s7 =	sand.u32 $0x3, s15;
	s17 =	smul.u32 $0xA000, s15  }
0x8: {  	s22 =	sand.u32 $0xC, s15;
	s4 =	sshll.u32 s5, $0x2;
	s8 =	sshll.u32 s5, $0x6  }
0x9: {  	s9 =	sshll.u32 s6, $0x4;
	s24 =	sshll.u32 s7, $0x2;
	_ =	strace $0x80000047  }
0xa: {  	s5 =	ssub.s32 $0x2, s5;
	s12 =	smul.u32 $0x15000, s7;
	s10 =	sor.u32 s6, s4  }
0xb: {  	s23 =	sor.u32 s8, s9;
	s4 =	sadd.s32 $0x2E000, s0;
	s6 =	smul.u32 $0x28000, s6  }
0xc: {  	s11 =	sshrl.u32 s5, $0x1;
	s20 =	sshrl.u32 s17, $0x2;
	s25 =	smul.u32 $0x500, s10  }
0xd: {  	s8 =	sor.u32 s24, s23;
	s10 =	sshll.u32 s10, $0x4;
	s5 =	ssub.s32 s5, s11  }
0xe: {  	s13 =	sshrl.u32 s12, $0x3;
	s21 =	sadd.s32 s20, s2;
	s23 =	sor.u32 $0x3, s15  }
0xf: {  	s24 =	sadd.s32 $0x80, s1;
	s20 =	sadd.s32 $0x2E080, s0;
	s8 =	smul.u32 $0x500, s8  }
0x10: {  	s10 =	sadd.s32 s10, s0;
	s14 =	sadd.s32 s1, s13;
	[dreg:$0xc] =	wrdreg s21  }
0x11: {  	s16 =	sor.u32 $0x80, s13;
	s6 =	sshrl.u32 s6, $0x2;
	[dreg:$0xd] =	wrdreg s24  }
0x12: {  	s9 =	sadd.s32 s25, s0;
	s10 =	sadd.s32 $0x38800, s10;
	[dreg:$0x8] =	wrdreg s14  }
0x13: {  	s18 =	sadd.s32 s1, s16;
	s19 =	sadd.s32 s4, s16;
	[dreg:$0x6] =	wrdreg s10  }
0x14: {  	s14 =	sor.u32 $0x800, s12;
	s17 =	sadd.s32 s6, s2;
	[dreg:$0xa] =	wrdreg s18  }
0x15: {  	s6 =	smul.u32 $0xA000, s22;
	s26 =	sadd.s32 $0x2B800, s9;
	[dreg:$0xb] =	wrdreg s19  }
0x16: {  	s22 =	smax.u32 s5, $0x1;
	s9 =	sadd.s32 $0x29000, s9;
	[dreg:$0x4] =	wrdreg s26  }
0x17: {  	s5 =	simm.s32 $0x19000;
	s8 =	sadd.s32 s8, s0;
	[dreg:$0x5] =	wrdreg s9  }
0x18: {  	s11 =	sadd.s32 $0x1000, s8;
	s9 =	sadd.s32 s4, s13;
	s13 =	smul.u32 $0xA00, s7  }
0x19: {  	s7 =	smul.u32 $0xA000, s23;
	s21 =	sadd.s32 $0x38A00, s8;
	s25 =	sshrl.u32 s6, $0x2  }
0x1a: {  	s6 =	simm.s32 $0x3;
	s8 =	simm.s32 $0x0;
	[dreg:$0x7] =	wrdreg s11  }
0x1b: {  	[dreg:$0x9] =	wrdreg s9;
	s16 =	sadd.s32 $0x19000, s13;
	s18 =	sadd.s32 s13, s17  }
0x1c: {  	s2 =	sadd.s32 s13, s2;
	s26 =	sshrl.u32 s7, $0x2;
	s7 =	simm.s32 $0xA000  }
0x1d: {  	s0 =	sadd.s32 s25, s2;
	s23 =	sadd.s32 s26, s2;
	s26 =	simm.s32 $0x14000  }
0x1e: {  	v0 =	vimm.f32 $-1.000000020e+30;
	v1 =	vimm.f32 $0.0e+00;
	s2 =	simm.s32 $0x1C600;
	s24 =	sadd.s32 $0x2800, s0;
	s25 =	sadd.s32 $0x5000, s0  }
.LBB2_1:
0x1f: {  	s0 =	rddreg [dreg:$0x4]  }
0x20: {  	[tilespmem:s26], [sflag:$0x4] =	stream.linear.gather [hbm4b:s0+s3], $0x2800, $0x38;
	[tilespmem:$0x1FA80] =	vst v63  }
0x21: {  	_ =	swait.ge [sflag:s28], $0x2800  }
0x22: {  	[sflag:s28] =	ssyncset.done $0x0  }
0x23: {  	s12 =	rddreg [dreg:$0x5];
	[sflag:s28] =	ssyncadd.s32 $0xFFFFD800  }
0x24: {  	[tilespmem:s29], [sflag:$0x4] =	stream.linear.gather [hbm4b:s12+s3], $0x2800, $0x38;
	[tilespmem:$0x1FA80] =	vst v63  }
0x25: {  	_ =	swait.ge [sflag:s28], $0x2800  }
0x26: {  	[sflag:s28] =	ssyncset.done $0x0  }
0x27: {  	s9 =	simm.s32 $0x1D200;
	s15 =	rddreg [dreg:$0x6];
	[sflag:s28] =	ssyncadd.s32 $0xFFFFD800  }
0x28: {  	[tilespmem:s9], [sflag:$0x4] =	stream.linear.gather [hbm4b:s15+s3], $0x80, $0x38;
	[tilespmem:$0x1FA80] =	vst v63  }
0x29: {  	_ =	swait.ge [sflag:s28], $0x80  }
0x2a: {  	[sflag:s28] =	ssyncset.done $0x0  }
0x2b: {  	[sflag:s28] =	ssyncadd.s32 $0xFFFFFF80  }
0x2c: {  	v2 =	vld [tilespmem:$0x1D200];
	_ =	sdelay $0x1  }
0x2d: {  	[tilespmem:$0x16710] =	vst v0  }
0x2e: {  	s0 =	simm.s32 $0x0;
	s19 =	rddreg [dreg:$0x7];
	[tilespmem:$0x18F10] =	vst v0  }
0x2f: {  	[tilespmem:s3], [sflag:$0x3] =	stream.linear.gather [hbm4b:s19+s3], $0xA000, $0x38;
	[tilespmem:$0x1FA80] =	vst v63  }
.LBB2_2:
0x30: {  	p0 =	sne.s32 s0, $0x27FC0  }
.Ltmp0:
0x31: {  	_ = 	snop;
	(pc) =	sbr.rel @p0 .LBB2_2-.Ltmp0, $3  }
0x32: {  	_ =	sdelay $0x1  }
0x33: {  	s9 =	sshra.s32 s0, $0x2  }
0x34: {  	s0 =	sadd.s32 $0x40, s0;
	[tilespmem:s9+$0xA000] =	vst v1  }
0x35: {  	s9 =	simm.s32 $0x40;
	s0 =	simm.s32 $0x0  }
.LBB2_4:
0x36: {  	p0 =	sne.s32 s9, $0x9FC0;
	[tilespmem:s0+$0x19000] =	vst v1;
	s0 =	smov.u32 s9;
	s9 =	sadd.s32 $0x40, s9  }
.Ltmp1:
0x37: {  	(pc) =	sbr.rel @p0 .LBB2_4-.Ltmp1, $2  }
0x38: {  	_ =	sdelay $0x2  }
0x39: {  	s0 =	sshra.s32 s0, $0x2  }
0x3a: {  	[tilespmem:s0+$0x19000] =	vst v1  }
0x3b: {  	_ =	strace $0x80000048  }
0x3c: {  	s9 =	simm.s32 $0x0;
	s12 =	rddreg [dreg:$0x8]  }
0x3d: {  	[tilespmem:s31], [sflag:$0x1] =	stream.linear.gather [hbm4b:s12+s9], $0x400, $0x200038;
	[tilespmem:$0x1FA80] =	vst v63  }
0x3e: {  	s10 =	simm.s32 $0x1CA00;
	s15 =	rddreg [dreg:$0x9]  }
0x3f: {  	[tilespmem:s10], [sflag:$0x1] =	stream.linear.gather [hbm4b:s15+s9], $0x400, $0x200038;
	[tilespmem:$0x1FA80] =	vst v63  }
0x40: {  	s19 =	rddreg [dreg:$0xa]  }
0x41: {  	[tilespmem:s2], [sflag:$0x2] =	stream.linear.gather [hbm4b:s19+s9], $0x400, $0x200038;
	[tilespmem:$0x1FA80] =	vst v63  }
0x42: {  	p0 =	por $0x0, $0x0;
	s31 =	rddreg [dreg:$0xb]  }
0x43: {  	[tilespmem:s30], [sflag:$0x2] =	stream.linear.gather [hbm4b:s31+s9], $0x400, $0x200038;
	[tilespmem:$0x1FA80] =	vst v63  }
.LBB2_6:
0x44: {  	s11 =	sand.u32 $0x1, s9  }
0x45: {  	s10 =	sadd.s32 $0x1, s11  }
0x46: {  	_ =	swait.ge [sflag:s10], $0x400  }
0x47: {  	[sflag:s10] =	ssyncset.done $0x0  }
0x48: {  	s0 =	simm.s32 $0x1;
	[sflag:s10] =	ssyncadd.s32 $0xFFFFFC00  }
0x49: {  	s0 =	simm.s32 @!p0 $0x0;
	_ =	swait.ge [sflag:s10], $0x400  }
0x4a: {  	s0 =	sshll.u32 s0, $0xA;
	[sflag:s10] =	ssyncset.done $0x0  }
0x4b: {  	s12 =	sor.u32 $0x1C210, s0;
	[sflag:s10] =	ssyncadd.s32 $0xFFFFFC00  }
0x4c: {  	s0 =	sor.u32 $0x1CA10, s0;
	v3 =	vld [tilespmem:s12+$0x0]  }
0x4d: {  	v10 =	vld [tilespmem:s0+$0x0];
	_ =	sdelay $0x5  }
0x4e: {  	v6 =	vld [tilespmem:s12+$0xFFFFFFF0]  }
0x4f: {  	v4 =	vld.idx.msk [tilespmem:v3+s26+$0x0], $0xffff  }
0x50: {  	v7 =	vld.idx.msk [tilespmem:v10+s29+$0x0], $0xffff;
	_ =	sdelay $0x1  }
0x51: {  	s12 =	sadd.s32 $0x20, s12  }
0x52: {  	v8 =	vld [tilespmem:s12+$0x0]  }
0x53: {  	v3 =	vld [tilespmem:s0+$0xFFFFFFF0]  }
0x54: {  	v9 =	vld [tilespmem:s12+$0xFFFFFFF0];
	s0 =	sadd.s32 $0x20, s0;
	v7 =	vadd.f32 v7, v4  }
0x55: {  	v5 =	vld [tilespmem:s0+$0x0]  }
0x56: {  	v12 =	vld.idx.msk [tilespmem:v6+s26+$0x0], $0xffff;
	v11 =	vmul.f32 $2.000000030e-01, v7  }
0x57: {  	s12 =	sadd.s32 $0x20, s12;
	v4 =	vld [tilespmem:s0+$0xFFFFFFF0];
	vm0 =	vge.f32 v7, $0.0e+00  }
0x58: {  	v6 =	vsel vm0, v7, v11;
	v11 =	vld [tilespmem:s12+$0x0]  }
0x59: {  	s0 =	sadd.s32 $0x20, s0  }
0x5a: {  	v7 =	vsub.f32 v6, v2;
	v6 =	vld [tilespmem:s0+$0x0]  }
0x5b: {  	v13 =	vld.idx.msk [tilespmem:v3+s29+$0x0], $0xffff  }
0x5c: {  	v8 =	vld.idx.msk [tilespmem:v8+s26+$0x0], $0xffff;
	v14 =	vmul.f32 $1.442695020e+00, v7  }
0x5d: {  	v15 =	vld.idx.msk [tilespmem:v5+s29+$0x0], $0xffff  }
0x5e: {  	v16 =	vld.idx.msk [tilespmem:v9+s26+$0x0], $0xffff;
	(erf) = vpow2.f32 v14  }
0x5f: {  	v17 =	vld.idx.msk [tilespmem:v4+s29+$0x0], $0xffff  }
0x60: {  	v18 =	vld.idx.msk [tilespmem:v11+s26+$0x0], $0xffff;
	v11 =	vadd.f32 v13, v12  }
0x61: {  	v14 =	vld [tilespmem:s12+$0xFFFFFFF0]  }
0x62: {  	v13 =	vadd.f32 v15, v8;
	v12 =	vld.idx.msk [tilespmem:v6+s29+$0x0], $0xffff;
	v8 =	vmul.f32 $2.000000030e-01, v11  }
0x63: {  	vm12 =	vge.f32 v11, $0.0e+00  }
0x64: {  	v11 =	vsel vm12, v11, v8  }
0x65: {  	v19 =	vmul.f32 $2.000000030e-01, v13;
	v20 =	vsub.f32 v11, v2  }
0x66: {  	s19 =	sadd.s32 $0x20, s12;
	v7 =	vld [tilespmem:s0+$0xFFFFFFF0];
	s12 =	sadd.s32 $0x20, s0;
	v16 =	vadd.f32 v17, v16;
	vm13 =	vge.f32 v13, $0.0e+00  }
0x67: {  	v9 =	vld [tilespmem:s12+$0x0];
	v11 =	vsel vm13, v13, v19;
	v17 =	vpop (erf);
	v18 =	vadd.f32 v12, v18;
	v12 =	vmul.f32 $1.442695020e+00, v20  }
0x68: {  	v13 =	vmul.f32 $2.000000030e-01, v16;
	[tilespmem:v10+s5+$0x0] =	vst.idx.add.f32.msk $0xffff, v17;
	v17 =	vsub.f32 v11, v2  }
0x69: {  	v15 =	vld [tilespmem:s19+$0x0];
	vm14 =	vge.f32 v16, $0.0e+00;
	(erf) = vpow2.f32 v12  }
0x6a: {  	v10 =	vld.idx.msk [tilespmem:v14+s26+$0x0], $0xffff;
	v14 =	vsel vm14, v16, v13;
	v16 =	vmul.f32 $1.442695020e+00, v17;
	_ =	sdelay $0x1  }
0x6b: {  	(erf) = vpow2.f32 v16  }
0x6c: {  	v8 =	vld [tilespmem:s12+$0xFFFFFFF0]  }
0x6d: {  	v11 =	vld [tilespmem:s19+$0xFFFFFFF0]  }
0x6e: {  	v13 =	vld.idx.msk [tilespmem:v7+s29+$0x0], $0xffff;
	v19 =	vsub.f32 v14, v2;
	v17 =	vmul.f32 $2.000000030e-01, v18  }
0x6f: {  	vm15 =	vge.f32 v18, $0.0e+00;
	v14 =	vld.idx.msk [tilespmem:v9+s29+$0x0], $0xffff  }
0x70: {  	s15 =	simm.s32 $0x6;
	s11 =	sshll.u32 s11, $0xA;
	s19 =	sadd.s32 $0x20, s19;
	v12 =	vld.idx.msk [tilespmem:v15+s26+$0x0], $0xffff;
	v15 =	vmul.f32 $1.442695020e+00, v19;
	v16 =	vsel vm15, v18, v17  }
.LBB2_7:
0x71: {  	v17 =	vld [tilespmem:s19+$0x0];
	s12 =	sadd.s32 $0x20, s12;
	v16 =	vsub.f32 v16, v2;
	v18 =	vpop (erf)  }
0x72: {  	s15 =	sadd.s32 $0x2, s15;
	v19 =	vld [tilespmem:s12+$0x0];
	(erf) = vpow2.f32 v15  }
0x73: {  	p1 =	slt.u32 s15, $0x3E;
	v20 =	vadd.f32 v13, v10;
	v15 =	vld [tilespmem:s12+$0xFFFFFFF0];
	v10 =	vmul.f32 $1.442695020e+00, v16  }
0x74: {  	v16 =	vld [tilespmem:s19+$0xFFFFFFF0];
	v13 =	vpop (erf)  }
0x75: {  	vm0 =	vge.f32 v20, $0.0e+00;
	v21 =	vmul.f32 $2.000000030e-01, v20;
	(erf) = vpow2.f32 v10;
	[tilespmem:v5+s5+$0x0] =	vst.idx.add.f32.msk $0xffff, v13;
	v5 =	vmovc v6;
	v6 =	vmovc v9  }
.Ltmp2:
0x76: {  	v22 =	vadd.f32 v14, v12;
	v10 =	vld.idx.msk [tilespmem:v11+s26+$0x0], $0xffff;
	(pc) =	sbr.rel @p1 .LBB2_7-.Ltmp2, $4  }
0x77: {  	v14 =	vsel vm0, v20, v21;
	v13 =	vld.idx.msk [tilespmem:v8+s29+$0x0], $0xffff;
	v9 =	vmov v19  }
0x78: {  	v20 =	vmul.f32 $2.000000030e-01, v22;
	v21 =	vsub.f32 v14, v2;
	[tilespmem:v3+s5+$0x0] =	vst.idx.add.f32.msk $0xffff, v18;
	v3 =	vmovc v4;
	v4 =	vmov v7  }
0x79: {  	vm0 =	vge.f32 v22, $0.0e+00;
	v7 =	vmovc v8;
	v8 =	vmov v15;
	v12 =	vld.idx.msk [tilespmem:v17+s26+$0x0], $0xffff;
	v11 =	vmov v16  }
0x7a: {  	s19 =	sadd.s32 $0x20, s19;
	v16 =	vsel vm0, v22, v20;
	v15 =	vmul.f32 $1.442695020e+00, v21;
	v14 =	vld.idx.msk [tilespmem:v19+s29+$0x0], $0xffff  }
0x7b: {  	_ =	sdelay $0x3  }
0x7c: {  	v11 =	vld.idx.msk [tilespmem:v11+s26+$0x0], $0xffff  }
0x7d: {  	v17 =	vld.idx.msk [tilespmem:v8+s29+$0x0], $0xffff;
	_ =	sdelay $0x2  }
0x7e: {  	v10 =	vadd.f32 v13, v10  }
0x7f: {  	v12 =	vadd.f32 v14, v12  }
0x80: {  	v13 =	vmul.f32 $2.000000030e-01, v10;
	v11 =	vadd.f32 v17, v11  }
0x81: {  	v16 =	vsub.f32 v16, v2;
	vm0 =	vge.f32 v10, $0.0e+00;
	v14 =	vmul.f32 $2.000000030e-01, v12  }
0x82: {  	v10 =	vsel vm0, v10, v13;
	vm14 =	vge.f32 v12, $0.0e+00;
	v56 =	vmul.f32 $2.000000030e-01, v11  }
0x83: {  	v10 =	vsub.f32 v10, v2;
	vm15 =	vge.f32 v11, $0.0e+00;
	v12 =	vsel vm14, v12, v14  }
0x84: {  	v57 =	vmul.f32 $1.442695020e+00, v16;
	v12 =	vsub.f32 v12, v2;
	v11 =	vsel vm15, v11, v56  }
0x85: {  	(erf) = vpow2.f32 v15;
	v10 =	vmul.f32 $1.442695020e+00, v10;
	v11 =	vsub.f32 v11, v2  }
0x86: {  	(erf) = vpow2.f32 v57;
	v12 =	vmul.f32 $1.442695020e+00, v12  }
0x87: {  	(erf) = vpow2.f32 v10;
	v58 =	vmul.f32 $1.442695020e+00, v11  }
0x88: {  	(erf) = vpow2.f32 v12  }
0x89: {  	(erf) = vpow2.f32 v58;
	_ =	sdelay $0x2  }
0x8a: {  	v59 =	vpop (erf)  }
0x8b: {  	[tilespmem:v3+s5+$0x0] =	vst.idx.add.f32.msk $0xffff, v59;
	v60 =	vpop (erf)  }
0x8c: {  	[tilespmem:v5+s5+$0x0] =	vst.idx.add.f32.msk $0xffff, v60;
	v61 =	vpop (erf)  }
0x8d: {  	p1 =	sgt.u32 s9, $0x51;
	[tilespmem:v4+s5+$0x0] =	vst.idx.add.f32.msk $0xffff, v61;
	v62 =	vpop (erf)  }
0x8e: {  	s0 =	sshll.u32 @!p1 s9, $0xA;
	[tilespmem:v6+s5+$0x0] =	vst.idx.add.f32.msk $0xffff, v62;
	v3 =	vpop (erf)  }
0x8f: {  	s0 =	sadd.s32 @!p1 s0, s14;
	[tilespmem:v7+s5+$0x0] =	vst.idx.add.f32.msk $0xffff, v3;
	v63 =	vpop (erf)  }
0x90: {  	s0 =	sshrl.u32 @!p1 s0, $0x3;
	[tilespmem:v9+s5+$0x0] =	vst.idx.add.f32.msk $0xffff, v63;
	v3 =	vpop (erf)  }
0x91: {  	s12 =	sadd.s32 @!p1 $0x1C200, s11;
	s19 =	simm.s32 @!p1 $0x0;
	s15 =	sadd.s32 @!p1 s1, s0;
	[tilespmem:v8+s5+$0x0] =	vst.idx.add.f32.msk $0xffff, v3  }
0x92: {  	[tilespmem:s12], [sflag:s10] =	stream.linear.gather @!p1 [hbm4b:s15+s19], $0x400, $0x200038;
	[tilespmem:$0x1FA80] =	vst v63  }
0x93: {  	s11 =	sadd.s32 @!p1 $0x1CA00, s11;
	s9 =	sadd.s32 $0x1, s9;
	s0 =	sadd.s32 @!p1 s4, s0  }
0x94: {  	[tilespmem:s11], [sflag:s10] =	stream.linear.gather @!p1 [hbm4b:s0+s19], $0x400, $0x200038;
	[tilespmem:$0x1FA80] =	vst v63  }
0x95: {  	p1 =	sne.s32 s9, $0x54  }
.Ltmp3:
0x96: {  	_ = 	snop;
	(pc) =	sbr.rel @p1 .LBB2_6-.Ltmp3, $2  }
0x97: {  	_ =	sdelay $0x2  }
0x98: {  	p0 =	por !p0, !p0  }
0x99: {  	_ =	strace $0x90000048  }
0x9a: {  	s0 =	rddreg [dreg:$0xc]  }
0x9b: {  	[spmem:s0] =	stream.linear.scatter [tilespmem:s5], [sflag:$0x4], $0x2800, $0x38;
	[tilespmem:$0x1FA80] =	vst v63  }
0x9c: {  	_ =	swait.ge [sflag:s28], $0x2800  }
0x9d: {  	[sflag:s28] =	ssyncset.done $0x0  }
0x9e: {  	[sflag:s28] =	ssyncadd.s32 $0xFFFFD800  }
0x9f: {  	[bflag:$0x0] =	sbarrier.arrive $0xFFFF  }
0xa0: {  	[tilespmem:s16], [sflag:$0x4] =	stream.linear.gather [spmem:s18], $0xA00, $0x38;
	[tilespmem:$0x1FA80] =	vst v63  }
0xa1: {  	_ =	swait.ge [sflag:s28], $0xA00  }
0xa2: {  	[sflag:s28] =	ssyncset.done $0x0  }
0xa3: {  	s31 =	simm.s32 $0x1B800;
	[sflag:s28] =	ssyncadd.s32 $0xFFFFF600  }
0xa4: {  	[tilespmem:s31], [sflag:$0x4] =	stream.linear.gather [spmem:s24], $0xA00, $0x38;
	[tilespmem:$0x1FA80] =	vst v63  }
0xa5: {  	_ =	swait.ge [sflag:s28], $0xA00  }
0xa6: {  	s9 =	simm.s32 $0x0;
	s10 =	sadd.s32 $0x0, s13;
	[sflag:s28] =	ssyncset.done $0x0  }
0xa7: {  	s10 =	sand.u32 $0x3F80, s10;
	s9 =	sand.u32 $0x70, s9;
	[sflag:s28] =	ssyncadd.s32 $0xFFFFF600  }
0xa8: {  	s9 =	sor.u32 s9, s10;
	v3 =	vld [tilespmem:s31+$0x0]  }
0xa9: {  	v4 =	vld [tilespmem:s9+$0x19000];
	_ =	sdelay $0x4  }
0xaa: {  	s11 =	simm.s32 $0x10;
	v3 =	vadd.f32 v3, v4  }
0xab: {  	s12 =	simm.s32 $0x20;
	s0 =	sadd.s32 $0x10, s13;
	s10 =	simm.s32 $0x1B810  }
.LBB2_10:
0xac: {  	p0 =	sne.s32 s12, $0x9F0;
	s0 =	sand.u32 $0x3F80, s0;
	s11 =	sand.u32 $0x70, s11;
	[tilespmem:s9+$0x19000] =	vst v3  }
0xad: {  	s9 =	sor.u32 s11, s0;
	v3 =	vld [tilespmem:s10+$0x0];
	s11 =	smov.u32 s12  }
0xae: {  	v4 =	vld [tilespmem:s9+$0x19000];
	_ =	sdelay $0x1  }
.Ltmp4:
0xaf: {  	(pc) =	sbr.rel @p0 .LBB2_10-.Ltmp4, $3  }
0xb0: {  	_ =	sdelay $0x1  }
0xb1: {  	v3 =	vadd.f32 v3, v4  }
0xb2: {  	s12 =	sadd.s32 $0x10, s12;
	s10 =	sadd.s32 $0x10, s10;
	s0 =	sadd.s32 s11, s13  }
0xb3: {  	s0 =	sand.u32 $0x3F80, s0;
	s11 =	sand.u32 $0x70, s11;
	[tilespmem:s9+$0x19000] =	vst v3  }
0xb4: {  	s0 =	sor.u32 s11, s0;
	v3 =	vld [tilespmem:s10+$0x0]  }
0xb5: {  	v4 =	vld [tilespmem:s0+$0x19000];
	_ =	sdelay $0x4  }
0xb6: {  	v3 =	vadd.f32 v3, v4;
	_ =	sdelay $0x1  }
0xb7: {  	s15 =	simm.s32 $0x1B800;
	[tilespmem:s0+$0x19000] =	vst v3  }
0xb8: {  	[tilespmem:s15], [sflag:$0x4] =	stream.linear.gather [spmem:s25], $0xA00, $0x38;
	[tilespmem:$0x1FA80] =	vst v63  }
0xb9: {  	_ =	swait.ge [sflag:s28], $0xA00  }
0xba: {  	s19 =	simm.s32 $0x0;
	s31 =	sadd.s32 $0x0, s13;
	[sflag:s28] =	ssyncset.done $0x0  }
0xbb: {  	s10 =	sand.u32 $0x3F80, s31;
	s9 =	sand.u32 $0x70, s19;
	[sflag:s28] =	ssyncadd.s32 $0xFFFFF600  }
0xbc: {  	s9 =	sor.u32 s9, s10;
	v3 =	vld [tilespmem:s15+$0x0]  }
0xbd: {  	v4 =	vld [tilespmem:s9+$0x19000];
	_ =	sdelay $0x4  }
0xbe: {  	s12 =	simm.s32 $0x20;
	v3 =	vadd.f32 v3, v4  }
0xbf: {  	s11 =	simm.s32 $0x10;
	s10 =	simm.s32 $0x1B810;
	s0 =	sadd.s32 $0x10, s13  }
.LBB2_12:
0xc0: {  	p0 =	sne.s32 s12, $0x9F0;
	s0 =	sand.u32 $0x3F80, s0;
	s11 =	sand.u32 $0x70, s11;
	[tilespmem:s9+$0x19000] =	vst v3  }
0xc1: {  	s9 =	sor.u32 s11, s0;
	v3 =	vld [tilespmem:s10+$0x0];
	s11 =	smov.u32 s12  }
0xc2: {  	v4 =	vld [tilespmem:s9+$0x19000];
	_ =	sdelay $0x1  }
.Ltmp5:
0xc3: {  	(pc) =	sbr.rel @p0 .LBB2_12-.Ltmp5, $3  }
0xc4: {  	_ =	sdelay $0x1  }
0xc5: {  	v3 =	vadd.f32 v3, v4  }
0xc6: {  	s12 =	sadd.s32 $0x10, s12;
	s10 =	sadd.s32 $0x10, s10;
	s0 =	sadd.s32 s11, s13  }
0xc7: {  	s0 =	sand.u32 $0x3F80, s0;
	s11 =	sand.u32 $0x70, s11;
	[tilespmem:s9+$0x19000] =	vst v3  }
0xc8: {  	s0 =	sor.u32 s11, s0;
	v3 =	vld [tilespmem:s10+$0x0]  }
0xc9: {  	v4 =	vld [tilespmem:s0+$0x19000];
	_ =	sdelay $0x4  }
0xca: {  	v3 =	vadd.f32 v3, v4;
	_ =	sdelay $0x1  }
0xcb: {  	[tilespmem:s0+$0x19000] =	vst v3;
	s0 =	simm.s32 $0x1B800  }
0xcc: {  	[tilespmem:s0], [sflag:$0x4] =	stream.linear.gather [spmem:s23], $0xA00, $0x38;
	[tilespmem:$0x1FA80] =	vst v63  }
0xcd: {  	_ =	swait.ge [sflag:s28], $0xA00  }
0xce: {  	s15 =	simm.s32 $0x0;
	s19 =	sadd.s32 $0x0, s13;
	[sflag:s28] =	ssyncset.done $0x0  }
0xcf: {  	s10 =	sand.u32 $0x3F80, s19;
	s11 =	sand.u32 $0x70, s15;
	[sflag:s28] =	ssyncadd.s32 $0xFFFFF600  }
0xd0: {  	s12 =	sor.u32 s11, s10;
	v3 =	vld [tilespmem:s0+$0x0]  }
0xd1: {  	v4 =	vld [tilespmem:s12+$0x19000];
	_ =	sdelay $0x4  }
0xd2: {  	s9 =	simm.s32 $0x10;
	s31 =	simm.s32 $0x10;
	v3 =	vadd.f32 v3, v4  }
0xd3: {  	s19 =	simm.s32 $0x20;
	s15 =	simm.s32 $0x1B810;
	s0 =	sadd.s32 $0x10, s13  }
.LBB2_14:
0xd4: {  	p0 =	sne.s32 s19, $0x9F0;
	s0 =	sand.u32 $0x3F80, s0;
	s31 =	sand.u32 $0x70, s31;
	[tilespmem:s12+$0x19000] =	vst v3  }
0xd5: {  	s12 =	sor.u32 s31, s0;
	v3 =	vld [tilespmem:s15+$0x0];
	s31 =	smov.u32 s19  }
0xd6: {  	v4 =	vld [tilespmem:s12+$0x19000];
	_ =	sdelay $0x1  }
.Ltmp6:
0xd7: {  	(pc) =	sbr.rel @p0 .LBB2_14-.Ltmp6, $3  }
0xd8: {  	_ =	sdelay $0x1  }
0xd9: {  	v3 =	vadd.f32 v3, v4  }
0xda: {  	s19 =	sadd.s32 $0x10, s19;
	s15 =	sadd.s32 $0x10, s15;
	s0 =	sadd.s32 s31, s13  }
0xdb: {  	s0 =	sand.u32 $0x3F80, s0;
	s19 =	sand.u32 $0x70, s31;
	[tilespmem:s12+$0x19000] =	vst v3  }
0xdc: {  	s0 =	sor.u32 s19, s0;
	v3 =	vld [tilespmem:s15+$0x0]  }
0xdd: {  	v4 =	vld [tilespmem:s0+$0x19000];
	_ =	sdelay $0x4  }
0xde: {  	v3 =	vadd.f32 v3, v4;
	_ =	sdelay $0x1  }
0xdf: {  	s10 =	sor.u32 s11, s10;
	[tilespmem:s0+$0x19000] =	vst v3  }
0xe0: {  	v3 =	vld [tilespmem:s10+$0x19000];
	_ =	sdelay $0x4  }
0xe1: {  	v3 =	vadd.f32 $1.000000020e-16, v3;
	_ =	sdelay $0x1  }
0xe2: {  	(erf) = vrcp.f32 v3;
	_ =	sdelay $0x7  }
0xe3: {  	s11 =	simm.s32 $0x20;
	s0 =	sadd.s32 $0x10, s13  }
.LBB2_16:
0xe4: {  	p0 =	sne.s32 s11, $0x9F0;
	s0 =	sand.u32 $0x3F80, s0;
	s9 =	sand.u32 $0x70, s9;
	v3 =	vpop (erf)  }
0xe5: {  	[tilespmem:s10+$0x19000] =	vst v3;
	s10 =	sor.u32 s9, s0;
	s9 =	smov.u32 s11  }
0xe6: {  	v3 =	vld [tilespmem:s10+$0x19000];
	_ =	sdelay $0x4  }
0xe7: {  	v3 =	vadd.f32 $1.000000020e-16, v3;
	_ =	sdelay $0x1  }
0xe8: {  	(erf) = vrcp.f32 v3;
	_ =	sdelay $0x3  }
.Ltmp7:
0xe9: {  	(pc) =	sbr.rel @p0 .LBB2_16-.Ltmp7, $2  }
0xea: {  	_ =	sdelay $0x2  }
0xeb: {  	s11 =	sadd.s32 $0x10, s11;
	s0 =	sadd.s32 s9, s13  }
0xec: {  	s0 =	sand.u32 $0x3F80, s0;
	s9 =	sand.u32 $0x70, s9;
	v3 =	vpop (erf)  }
0xed: {  	s0 =	sor.u32 s9, s0;
	[tilespmem:s10+$0x19000] =	vst v3  }
0xee: {  	v3 =	vld [tilespmem:s0+$0x19000];
	_ =	sdelay $0x4  }
0xef: {  	v3 =	vadd.f32 $1.000000020e-16, v3;
	_ =	sdelay $0x1  }
0xf0: {  	(erf) = vrcp.f32 v3;
	_ =	sdelay $0x8  }
0xf1: {  	v3 =	vpop (erf)  }
0xf2: {  	[tilespmem:s0+$0x19000] =	vst v3  }
0xf3: {  	[bflag:$0x0] =	sbarrier.arrive $0xFFFF  }
0xf4: {  	[spmem:s18] =	stream.linear.scatter [tilespmem:s16], [sflag:$0x4], $0xA00, $0x38;
	[tilespmem:$0x1FA80] =	vst v63  }
0xf5: {  	_ =	swait.ge [sflag:s28], $0xA00  }
0xf6: {  	[sflag:s28] =	ssyncset.done $0x0  }
0xf7: {  	[sflag:s28] =	ssyncadd.s32 $0xFFFFF600  }
0xf8: {  	[bflag:$0x0] =	sbarrier.arrive $0xFFFF  }
0xf9: {  	[tilespmem:s5], [sflag:$0x4] =	stream.linear.gather [spmem:s17], $0x2800, $0x38;
	[tilespmem:$0x1FA80] =	vst v63  }
0xfa: {  	_ =	swait.ge [sflag:s28], $0x2800  }
0xfb: {  	[sflag:s28] =	ssyncset.done $0x0  }
0xfc: {  	[sflag:s28] =	ssyncadd.s32 $0xFFFFD800  }
0xfd: {  	_ =	swait.ge [sflag:s6], $0xA000  }
0xfe: {  	[sflag:s6] =	ssyncset.done $0x0  }
0xff: {  	[sflag:s6] =	ssyncadd.s32 $0xFFFF6000  }
0x100: {  	s31 =	simm.s32 $0x1C200;
	s9 =	simm.s32 $0x0;
	_ =	strace $0x80000049  }
0x101: {  	[tilespmem:s31], [sflag:$0x1] =	stream.linear.gather [hbm4b:s1+s9], $0x400, $0x200038;
	[tilespmem:$0x1FA80] =	vst v63  }
0x102: {  	s15 =	simm.s32 $0x1CA00  }
0x103: {  	[tilespmem:s15], [sflag:$0x1] =	stream.linear.gather [hbm4b:s4+s9], $0x400, $0x200038;
	[tilespmem:$0x1FA80] =	vst v63  }
0x104: {  	s19 =	rddreg [dreg:$0xd]  }
0x105: {  	[tilespmem:s2], [sflag:$0x2] =	stream.linear.gather [hbm4b:s19+s9], $0x400, $0x200038;
	[tilespmem:$0x1FA80] =	vst v63  }
0x106: {  	p0 =	por $0x0, $0x0  }
0x107: {  	[tilespmem:s30], [sflag:$0x2] =	stream.linear.gather [hbm4b:s20+s9], $0x400, $0x200038;
	[tilespmem:$0x1FA80] =	vst v63  }
.LBB2_18:
0x108: {  	s11 =	sand.u32 $0x1, s9  }
0x109: {  	s10 =	sadd.s32 $0x1, s11  }
0x10a: {  	_ =	swait.ge [sflag:s10], $0x400  }
0x10b: {  	[sflag:s10] =	ssyncset.done $0x0  }
0x10c: {  	s0 =	simm.s32 $0x1;
	[sflag:s10] =	ssyncadd.s32 $0xFFFFFC00  }
0x10d: {  	s0 =	simm.s32 @!p0 $0x0;
	_ =	swait.ge [sflag:s10], $0x400  }
0x10e: {  	s0 =	sshll.u32 s0, $0xA;
	[sflag:s10] =	ssyncset.done $0x0  }
0x10f: {  	s12 =	sor.u32 $0x1C210, s0;
	[sflag:s10] =	ssyncadd.s32 $0xFFFFFC00  }
0x110: {  	s0 =	sor.u32 $0x1CA10, s0;
	v5 =	vld [tilespmem:s12+$0x0]  }
0x111: {  	v7 =	vld [tilespmem:s0+$0x0];
	_ =	sdelay $0x4  }
0x112: {  	v9 =	vld [tilespmem:s0+$0xFFFFFFF0]  }
0x113: {  	v12 =	vld [tilespmem:s12+$0xFFFFFFF0]  }
0x114: {  	v3 =	vld.idx.msk [tilespmem:v5+s26+$0x0], $0xffff  }
0x115: {  	v4 =	vld.idx.msk [tilespmem:v7+s29+$0x0], $0xffff;
	_ =	sdelay $0x4  }
0x116: {  	v3 =	vadd.f32 v4, v3  }
0x117: {  	v6 =	vld.idx.msk [tilespmem:v12+s26+$0x0], $0xffff  }
0x118: {  	v4 =	vld.idx.msk [tilespmem:v9+s29+$0x0], $0xffff;
	v8 =	vmul.f32 $2.000000030e-01, v3  }
0x119: {  	vm0 =	vge.f32 v3, $0.0e+00  }
0x11a: {  	v3 =	vsel vm0, v3, v8  }
0x11b: {  	v3 =	vsub.f32 v3, v2;
	_ =	sdelay $0x1  }
0x11c: {  	v4 =	vadd.f32 v4, v6;
	v3 =	vmul.f32 $1.442695020e+00, v3  }
0x11d: {  	s0 =	sadd.s32 $0x20, s0  }
0x11e: {  	s12 =	sadd.s32 $0x20, s12;
	v11 =	vld [tilespmem:s0+$0x0];
	v6 =	vmul.f32 $2.000000030e-01, v4;
	(erf) = vpow2.f32 v3  }
0x11f: {  	v10 =	vld [tilespmem:s12+$0x0];
	vm9 =	vge.f32 v4, $0.0e+00  }
0x120: {  	v3 =	vsel vm9, v4, v6  }
0x121: {  	v3 =	vsub.f32 v3, v2  }
0x122: {  	v16 =	vld [tilespmem:s0+$0xFFFFFFF0]  }
0x123: {  	v4 =	vld.idx.msk [tilespmem:v7+s5+$0x0], $0xffff;
	v3 =	vmul.f32 $1.442695020e+00, v3  }
0x124: {  	v15 =	vld [tilespmem:s12+$0xFFFFFFF0]  }
0x125: {  	v6 =	vld.idx.msk [tilespmem:v5+s3+$0x0], $0xffff;
	(erf) = vpow2.f32 v3  }
0x126: {  	v13 =	vld.idx.msk [tilespmem:v11+s29+$0x0], $0xffff  }
0x127: {  	v3 =	vld.idx.msk [tilespmem:v10+s26+$0x0], $0xffff;
	v8 =	vpop (erf)  }
0x128: {  	v8 =	vmul.f32 v8, v4;
	v4 =	vadd.s32 $0x2800, v5  }
0x129: {  	v14 =	vld.idx.msk [tilespmem:v9+s5+$0x0], $0xffff  }
0x12a: {  	v17 =	vld.idx.msk [tilespmem:v12+s3+$0x0], $0xffff;
	v6 =	vmul.f32 v8, v6  }
0x12b: {  	v18 =	vld.idx.msk [tilespmem:v16+s29+$0x0], $0xffff  }
0x12c: {  	[tilespmem:v7+s7+$0x0] =	vst.idx.add.f32.msk $0xffff, v6;
	v6 =	vadd.f32 v13, v3  }
0x12d: {  	v4 =	vld.idx.msk [tilespmem:v4+s3+$0x0], $0xffff  }
0x12e: {  	v3 =	vpop (erf);
	v13 =	vld.idx.msk [tilespmem:v15+s26+$0x0], $0xffff;
	v19 =	vmul.f32 $2.000000030e-01, v6  }
0x12f: {  	v3 =	vmul.f32 v3, v14;
	v14 =	vadd.s32 $0x2800, v7;
	vm10 =	vge.f32 v6, $0.0e+00  }
0x130: {  	v20 =	vadd.s32 $0x5000, v5;
	v6 =	vsel vm10, v6, v19  }
0x131: {  	s0 =	sadd.s32 $0x20, s0;
	v17 =	vmul.f32 v3, v17;
	v6 =	vsub.f32 v6, v2  }
0x132: {  	v22 =	vld [tilespmem:s0+$0xFFFFFFF0];
	v4 =	vmul.f32 v8, v4  }
0x133: {  	[tilespmem:v9+s7+$0x0] =	vst.idx.add.f32.msk $0xffff, v17;
	v13 =	vadd.f32 v18, v13;
	v6 =	vmul.f32 $1.442695020e+00, v6  }
0x134: {  	v21 =	vadd.s32 $0x2800, v12;
	[tilespmem:v14+s7+$0x0] =	vst.idx.add.f32.msk $0xffff, v4  }
0x135: {  	s12 =	sadd.s32 $0x20, s12;
	v4 =	vmul.f32 $2.000000030e-01, v13;
	v14 =	vld.idx.msk [tilespmem:v20+s3+$0x0], $0xffff;
	(erf) = vpow2.f32 v6  }
0x136: {  	vm11 =	vge.f32 v13, $0.0e+00;
	v6 =	vld [tilespmem:s12+$0x0]  }
0x137: {  	v17 =	vadd.s32 $0x5000, v7;
	v13 =	vsel vm11, v13, v4;
	v4 =	vld [tilespmem:s0+$0x0]  }
0x138: {  	v25 =	vld.idx.msk [tilespmem:v15+s3+$0x0], $0xffff;
	v13 =	vsub.f32 v13, v2  }
0x139: {  	v18 =	vld.idx.msk [tilespmem:v21+s3+$0x0], $0xffff  }
0x13a: {  	v20 =	vld.idx.msk [tilespmem:v11+s5+$0x0], $0xffff;
	v13 =	vmul.f32 $1.442695020e+00, v13;
	v14 =	vmul.f32 v8, v14  }
0x13b: {  	v5 =	vadd.s32 $0x7800, v5;
	v21 =	vld.idx.msk [tilespmem:v10+s3+$0x0], $0xffff  }
0x13c: {  	(erf) = vpow2.f32 v13;
	[tilespmem:v17+s7+$0x0] =	vst.idx.add.f32.msk $0xffff, v14  }
0x13d: {  	v17 =	vld [tilespmem:s12+$0xFFFFFFF0]  }
0x13e: {  	v14 =	vld.idx.msk [tilespmem:v6+s26+$0x0], $0xffff;
	v13 =	vpop (erf)  }
0x13f: {  	v23 =	vld.idx.msk [tilespmem:v4+s29+$0x0], $0xffff;
	v20 =	vmul.f32 v13, v20;
	v13 =	vadd.s32 $0x2800, v10  }
0x140: {  	v5 =	vld.idx.msk [tilespmem:v5+s3+$0x0], $0xffff  }
0x141: {  	v24 =	vadd.s32 $0x2800, v9;
	v19 =	vld.idx.msk [tilespmem:v16+s5+$0x0], $0xffff;
	v21 =	vmul.f32 v20, v21  }
0x142: {  	v26 =	vld.idx.msk [tilespmem:v22+s29+$0x0], $0xffff;
	v7 =	vadd.s32 $0x7800, v7  }
0x143: {  	[tilespmem:v11+s7+$0x0] =	vst.idx.add.f32.msk $0xffff, v21  }
0x144: {  	v18 =	vmul.f32 v3, v18;
	v14 =	vadd.f32 v23, v14;
	v13 =	vld.idx.msk [tilespmem:v13+s3+$0x0], $0xffff  }
0x145: {  	v8 =	vmul.f32 v5, v8;
	v5 =	vpop (erf);
	v21 =	vld.idx.msk [tilespmem:v17+s26+$0x0], $0xffff  }
0x146: {  	[tilespmem:v24+s7+$0x0] =	vst.idx.add.f32.msk $0xffff, v18;
	v5 =	vmul.f32 v5, v19;
	v18 =	vmul.f32 $2.000000030e-01, v14  }
0x147: {  	s19 =	sadd.s32 $0x20, s12;
	[tilespmem:v7+s7+$0x0] =	vst.idx.add.f32.msk $0xffff, v8;
	v7 =	vadd.s32 $0x2800, v11;
	vm12 =	vge.f32 v14, $0.0e+00  }
0x148: {  	v29 =	vld [tilespmem:s19+$0xFFFFFFF0];
	v23 =	vadd.s32 $0x2800, v15;
	v8 =	vmul.f32 v5, v25;
	v14 =	vsel vm12, v14, v18  }
0x149: {  	v24 =	vadd.s32 $0x5000, v10;
	v27 =	vld.idx.msk [tilespmem:v6+s3+$0x0], $0xffff;
	v14 =	vsub.f32 v14, v2  }
0x14a: {  	[tilespmem:v16+s7+$0x0] =	vst.idx.add.f32.msk $0xffff, v8;
	v8 =	vmul.f32 v20, v13;
	v13 =	vadd.f32 v26, v21  }
0x14b: {  	v26 =	vld.idx.msk [tilespmem:v4+s5+$0x0], $0xffff;
	v14 =	vmul.f32 $1.442695020e+00, v14  }
0x14c: {  	v18 =	vadd.s32 $0x5000, v12;
	[tilespmem:v7+s7+$0x0] =	vst.idx.add.f32.msk $0xffff, v8;
	v7 =	vmul.f32 $2.000000030e-01, v13  }
0x14d: {  	v21 =	vld.idx.msk [tilespmem:v23+s3+$0x0], $0xffff;
	vm13 =	vge.f32 v13, $0.0e+00;
	(erf) = vpow2.f32 v14  }
0x14e: {  	v23 =	vld.idx.msk [tilespmem:v24+s3+$0x0], $0xffff;
	v7 =	vsel vm13, v13, v7  }
0x14f: {  	s12 =	sadd.s32 $0x20, s0;
	v8 =	vld [tilespmem:s19+$0x0];
	v13 =	vsub.f32 v7, v2  }
0x150: {  	v14 =	vadd.s32 $0x5000, v11;
	v7 =	vld [tilespmem:s12+$0x0]  }
0x151: {  	v10 =	vadd.s32 $0x7800, v10;
	v24 =	vld.idx.msk [tilespmem:v18+s3+$0x0], $0xffff;
	v18 =	vmul.f32 $1.442695020e+00, v13  }
0x152: {  	v13 =	vld [tilespmem:s12+$0xFFFFFFF0]  }
0x153: {  	v19 =	vld.idx.msk [tilespmem:v22+s5+$0x0], $0xffff;
	v23 =	vmul.f32 v20, v23;
	(erf) = vpow2.f32 v18  }
0x154: {  	v25 =	vld.idx.msk [tilespmem:v17+s3+$0x0], $0xffff;
	v18 =	vadd.s32 $0x2800, v16  }
0x155: {  	[tilespmem:v14+s7+$0x0] =	vst.idx.add.f32.msk $0xffff, v23  }
0x156: {  	v14 =	vld.idx.msk [tilespmem:v10+s3+$0x0], $0xffff;
	v10 =	vpop (erf)  }
0x157: {  	v21 =	vmul.f32 v5, v21;
	v23 =	vld.idx.msk [tilespmem:v8+s26+$0x0], $0xffff;
	v10 =	vmul.f32 v10, v26;
	v26 =	vadd.s32 $0x2800, v6  }
0x158: {  	v30 =	vadd.s32 $0x7800, v11;
	v28 =	vld.idx.msk [tilespmem:v7+s29+$0x0], $0xffff  }
0x159: {  	[tilespmem:v18+s7+$0x0] =	vst.idx.add.f32.msk $0xffff, v21;
	v11 =	vmul.f32 v10, v27  }
0x15a: {  	v32 =	vld.idx.msk [tilespmem:v13+s29+$0x0], $0xffff  }
0x15b: {  	v33 =	vadd.s32 $0x5000, v9;
	v18 =	vmul.f32 v14, v20;
	[tilespmem:v4+s7+$0x0] =	vst.idx.add.f32.msk $0xffff, v11  }
0x15c: {  	v34 =	vadd.s32 $0x7800, v12;
	v37 =	vadd.s32 $0x5000, v6;
	v36 =	vadd.s32 $0x2800, v4;
	v26 =	vld.idx.msk [tilespmem:v26+s3+$0x0], $0xffff;
	v12 =	vpop (erf)  }
0x15d: {  	v31 =	vadd.s32 $0x2800, v17;
	[tilespmem:v30+s7+$0x0] =	vst.idx.add.f32.msk $0xffff, v18;
	v23 =	vadd.f32 v28, v23;
	v20 =	vmul.f32 v12, v19  }
0x15e: {  	v21 =	vadd.s32 $0x5000, v17;
	v14 =	vadd.s32 $0x5000, v16;
	v30 =	vld.idx.msk [tilespmem:v29+s26+$0x0], $0xffff;
	v19 =	vadd.s32 $0x5000, v15  }
0x15f: {  	v27 =	vld.idx.msk [tilespmem:v13+s5+$0x0], $0xffff;
	v11 =	vadd.s32 $0x7800, v9;
	v35 =	vmul.f32 $2.000000030e-01, v23;
	v28 =	vmul.f32 v20, v25  }
0x160: {  	v9 =	vadd.s32 $0x7800, v16;
	v16 =	vadd.s32 $0x7800, v15;
	vm14 =	vge.f32 v23, $0.0e+00;
	v25 =	vld.idx.msk [tilespmem:v29+s3+$0x0], $0xffff  }
0x161: {  	v18 =	vadd.s32 $0x2800, v22;
	v15 =	vadd.s32 $0x5000, v22;
	v23 =	vsel vm14, v23, v35;
	[tilespmem:v22+s7+$0x0] =	vst.idx.add.f32.msk $0xffff, v28  }
0x162: {  	v12 =	vadd.s32 $0x7800, v22;
	v22 =	vmul.f32 v3, v24;
	v38 =	vsub.f32 v23, v2;
	v62 =	vld.idx.msk [tilespmem:v31+s3+$0x0], $0xffff  }
0x163: {  	v17 =	vadd.s32 $0x7800, v17;
	v26 =	vmul.f32 v10, v26;
	v32 =	vadd.f32 v32, v30;
	v31 =	vld.idx.msk [tilespmem:v19+s3+$0x0], $0xffff  }
0x164: {  	v23 =	vadd.s32 $0x2800, v13;
	v24 =	vadd.s32 $0x7800, v13;
	[tilespmem:v33+s7+$0x0] =	vst.idx.add.f32.msk $0xffff, v22;
	v30 =	vmul.f32 $1.442695020e+00, v38  }
0x165: {  	v28 =	vadd.s32 $0x2800, v29;
	v19 =	vadd.s32 $0x5000, v13;
	[tilespmem:v36+s7+$0x0] =	vst.idx.add.f32.msk $0xffff, v26;
	v63 =	vmul.f32 $2.000000030e-01, v32  }
0x166: {  	v26 =	vadd.s32 $0x5000, v29;
	vm15 =	vge.f32 v32, $0.0e+00;
	v33 =	vld.idx.msk [tilespmem:v37+s3+$0x0], $0xffff;
	(erf) = vpow2.f32 v30  }
0x167: {  	s15 =	simm.s32 $0x6;
	s11 =	sshll.u32 s11, $0xA;
	s19 =	sadd.s32 $0x20, s19;
	v22 =	vadd.s32 $0x7800, v29;
	v29 =	vmovc v7;
	v30 =	vld.idx.msk [tilespmem:v34+s3+$0x0], $0xffff;
	v34 =	vsel vm15, v32, v63;
	v32 =	vmul.f32 v20, v62  }
.LBB2_19:
0x168: {  	v35 =	vld [tilespmem:s19+$0x0];
	v34 =	vsub.f32 v34, v2;
	s12 =	sadd.s32 $0x20, s12;
	v36 =	vadd.s32 $0x5000, v4;
	v37 =	vmul.f32 v5, v31;
	v38 =	vmovc v9;
	v9 =	vmovc v12  }
0x169: {  	v39 =	vadd.s32 $0x7800, v6;
	v6 =	vmov v8;
	v12 =	vmov v24;
	v31 =	vld [tilespmem:s12+$0x0]  }
0x16a: {  	s15 =	sadd.s32 $0x2, s15;
	v24 =	vmul.f32 $1.442695020e+00, v34;
	v34 =	vld.idx.msk [tilespmem:v7+s5+$0x0], $0xffff  }
0x16b: {  	p1 =	slt.u32 s15, $0x3E;
	v33 =	vmul.f32 v10, v33;
	v40 =	vld [tilespmem:s12+$0xFFFFFFF0]  }
0x16c: {  	v42 =	vmul.f32 v30, v3;
	v3 =	vmovc v5;
	v5 =	vmov v20;
	v41 =	vld.idx.msk [tilespmem:v8+s3+$0x0], $0xffff;
	(erf) = vpow2.f32 v24  }
0x16d: {  	[tilespmem:v36+s7+$0x0] =	vst.idx.add.f32.msk $0xffff, v33;
	v8 =	vmov v35  }
0x16e: {  	v20 =	vld.idx.msk [tilespmem:v39+s3+$0x0], $0xffff  }
0x16f: {  	v30 =	vld [tilespmem:s19+$0xFFFFFFF0];
	v24 =	vpop (erf)  }
0x170: {  	v36 =	vadd.s32 $0x2800, v6;
	v33 =	vadd.s32 $0x2800, v40;
	v35 =	vld.idx.msk [tilespmem:v35+s26+$0x0], $0xffff;
	v34 =	vmul.f32 v24, v34  }
0x171: {  	v44 =	vadd.s32 $0x7800, v4;
	v4 =	vmovc v7;
	v7 =	vmovc v31;
	v39 =	vadd.s32 $0x5000, v40;
	v24 =	vadd.s32 $0x7800, v40;
	v43 =	vld.idx.msk [tilespmem:v31+s29+$0x0], $0xffff  }
0x172: {  	v41 =	vmul.f32 v34, v41;
	[tilespmem:v18+s7+$0x0] =	vst.idx.add.f32.msk $0xffff, v32;
	v18 =	vmov v23;
	v23 =	vmov v33  }
0x173: {  	v32 =	vld.idx.msk [tilespmem:v40+s29+$0x0], $0xffff  }
0x174: {  	v33 =	vadd.s32 $0x2800, v30;
	v45 =	vadd.s32 $0x5000, v30;
	[tilespmem:v29+s7+$0x0] =	vst.idx.add.f32.msk $0xffff, v41;
	v41 =	vmul.f32 v20, v10;
	v29 =	vmovc v31  }
0x175: {  	v46 =	vadd.s32 $0x7800, v30;
	v10 =	vmov v34;
	v31 =	vld.idx.msk [tilespmem:v36+s3+$0x0], $0xffff;
	v20 =	vpop (erf)  }
0x176: {  	v20 =	vmul.f32 v20, v27;
	[tilespmem:v44+s7+$0x0] =	vst.idx.add.f32.msk $0xffff, v41  }
0x177: {  	v35 =	vadd.f32 v43, v35;
	v34 =	vld.idx.msk [tilespmem:v30+s26+$0x0], $0xffff  }
0x178: {  	v27 =	vld.idx.msk [tilespmem:v40+s5+$0x0], $0xffff;
	v36 =	vmul.f32 v20, v25  }
0x179: {  	v41 =	vadd.s32 $0x2800, v4;
	v25 =	vld.idx.msk [tilespmem:v30+s3+$0x0], $0xffff;
	v30 =	vmul.f32 $2.000000030e-01, v35  }
0x17a: {  	vm0 =	vge.f32 v35, $0.0e+00;
	[tilespmem:v13+s7+$0x0] =	vst.idx.add.f32.msk $0xffff, v36;
	v36 =	vadd.s32 $0x5000, v6;
	v13 =	vmov v40  }
0x17b: {  	v30 =	vsel vm0, v35, v30;
	v35 =	vld.idx.msk [tilespmem:v28+s3+$0x0], $0xffff;
	v28 =	vmov v33  }
0x17c: {  	v33 =	vmul.f32 v10, v31;
	v30 =	vsub.f32 v30, v2;
	v31 =	vld.idx.msk [tilespmem:v21+s3+$0x0], $0xffff;
	v21 =	vmovc v26;
	v26 =	vmov v45  }
.Ltmp8:
0x17d: {  	v32 =	vadd.f32 v32, v34;
	[tilespmem:v14+s7+$0x0] =	vst.idx.add.f32.msk $0xffff, v37;
	v14 =	vmovc v15;
	v15 =	vmov v19;
	v19 =	vmov v39;
	(pc) =	sbr.rel @p1 .LBB2_19-.Ltmp8, $4  }
0x17e: {  	v30 =	vmul.f32 $1.442695020e+00, v30;
	[tilespmem:v41+s7+$0x0] =	vst.idx.add.f32.msk $0xffff, v33  }
0x17f: {  	vm0 =	vge.f32 v32, $0.0e+00;
	v34 =	vmul.f32 $2.000000030e-01, v32;
	v33 =	vld.idx.msk [tilespmem:v36+s3+$0x0], $0xffff  }
0x180: {  	(erf) = vpow2.f32 v30;
	v30 =	vld.idx.msk [tilespmem:v16+s3+$0x0], $0xffff;
	v16 =	vmovc v17;
	v17 =	vmov v22;
	v22 =	vmov v46  }
0x181: {  	s19 =	sadd.s32 $0x20, s19;
	v34 =	vsel vm0, v32, v34;
	v32 =	vmul.f32 v20, v35;
	[tilespmem:v11+s7+$0x0] =	vst.idx.add.f32.msk $0xffff, v42;
	v11 =	vmov v38  }
0x182: {  	v34 =	vsub.f32 v34, v2;
	_ =	sdelay $0x1  }
0x183: {  	v34 =	vmul.f32 $1.442695020e+00, v34;
	_ =	sdelay $0x1  }
0x184: {  	(erf) = vpow2.f32 v34;
	_ =	sdelay $0x2  }
0x185: {  	v47 =	vld.idx.msk [tilespmem:v7+s5+$0x0], $0xffff;
	_ =	sdelay $0x1  }
0x186: {  	v35 =	vld.idx.msk [tilespmem:v8+s3+$0x0], $0xffff;
	_ =	sdelay $0x1  }
0x187: {  	v36 =	vpop (erf)  }
0x188: {  	v48 =	vadd.s32 $0x2800, v8;
	v34 =	vmul.f32 v36, v47  }
0x189: {  	v37 =	vpop (erf)  }
0x18a: {  	v35 =	vmul.f32 v34, v35;
	v27 =	vmul.f32 v37, v27;
	_ =	sdelay $0x1  }
0x18b: {  	[tilespmem:v29+s7+$0x0] =	vst.idx.add.f32.msk $0xffff, v35;
	v25 =	vmul.f32 v27, v25  }
0x18c: {  	v35 =	vld.idx.msk [tilespmem:v48+s3+$0x0], $0xffff  }
0x18d: {  	[tilespmem:v13+s7+$0x0] =	vst.idx.add.f32.msk $0xffff, v25  }
0x18e: {  	v50 =	vadd.s32 $0x2800, v7;
	v25 =	vld.idx.msk [tilespmem:v28+s3+$0x0], $0xffff  }
0x18f: {  	v51 =	vadd.s32 $0x5000, v8;
	v55 =	vmul.f32 v5, v31;
	[tilespmem:v18+s7+$0x0] =	vst.idx.add.f32.msk $0xffff, v32  }
0x190: {  	v21 =	vld.idx.msk [tilespmem:v21+s3+$0x0], $0xffff  }
0x191: {  	[tilespmem:v14+s7+$0x0] =	vst.idx.add.f32.msk $0xffff, v55;
	v52 =	vmul.f32 v34, v35  }
0x192: {  	v49 =	vadd.s32 $0x5000, v4;
	v14 =	vld.idx.msk [tilespmem:v16+s3+$0x0], $0xffff  }
0x193: {  	v6 =	vadd.s32 $0x7800, v6;
	[tilespmem:v50+s7+$0x0] =	vst.idx.add.f32.msk $0xffff, v52;
	v53 =	vmul.f32 v27, v25  }
0x194: {  	v13 =	vld.idx.msk [tilespmem:v51+s3+$0x0], $0xffff  }
0x195: {  	v33 =	vmul.f32 v10, v33;
	[tilespmem:v23+s7+$0x0] =	vst.idx.add.f32.msk $0xffff, v53  }
0x196: {  	v54 =	vadd.s32 $0x5000, v7;
	v18 =	vld.idx.msk [tilespmem:v26+s3+$0x0], $0xffff  }
0x197: {  	v56 =	vadd.s32 $0x7800, v8;
	[tilespmem:v49+s7+$0x0] =	vst.idx.add.f32.msk $0xffff, v33;
	v57 =	vmul.f32 v20, v21  }
0x198: {  	v6 =	vld.idx.msk [tilespmem:v6+s3+$0x0], $0xffff  }
0x199: {  	[tilespmem:v15+s7+$0x0] =	vst.idx.add.f32.msk $0xffff, v57;
	v13 =	vmul.f32 v34, v13  }
0x19a: {  	v15 =	vld.idx.msk [tilespmem:v17+s3+$0x0], $0xffff  }
0x19b: {  	[tilespmem:v54+s7+$0x0] =	vst.idx.add.f32.msk $0xffff, v13;
	v59 =	vmul.f32 v27, v18  }
0x19c: {  	v8 =	vld.idx.msk [tilespmem:v56+s3+$0x0], $0xffff  }
0x19d: {  	v58 =	vadd.s32 $0x7800, v4;
	v3 =	vmul.f32 v30, v3;
	[tilespmem:v19+s7+$0x0] =	vst.idx.add.f32.msk $0xffff, v59  }
0x19e: {  	v61 =	vld.idx.msk [tilespmem:v22+s3+$0x0], $0xffff  }
0x19f: {  	v60 =	vadd.s32 $0x7800, v7;
	[tilespmem:v11+s7+$0x0] =	vst.idx.add.f32.msk $0xffff, v3;
	v3 =	vmul.f32 v14, v5  }
0x1a0: {  	v6 =	vmul.f32 v6, v10  }
0x1a1: {  	[tilespmem:v9+s7+$0x0] =	vst.idx.add.f32.msk $0xffff, v3;
	v63 =	vmul.f32 v15, v20  }
0x1a2: {  	p1 =	sgt.u32 s9, $0x14D;
	[tilespmem:v58+s7+$0x0] =	vst.idx.add.f32.msk $0xffff, v6;
	v62 =	vmul.f32 v8, v34  }
0x1a3: {  	s0 =	sshll.u32 @!p1 s9, $0x7;
	[tilespmem:v12+s7+$0x0] =	vst.idx.add.f32.msk $0xffff, v63;
	v3 =	vmul.f32 v61, v27  }
0x1a4: {  	s0 =	sadd.s32 @!p1 $0x100, s0;
	[tilespmem:v60+s7+$0x0] =	vst.idx.add.f32.msk $0xffff, v62  }
0x1a5: {  	s12 =	sadd.s32 @!p1 $0x1C200, s11;
	s19 =	simm.s32 @!p1 $0x0;
	s15 =	sadd.s32 @!p1 s1, s0;
	[tilespmem:v24+s7+$0x0] =	vst.idx.add.f32.msk $0xffff, v3  }
0x1a6: {  	[tilespmem:s12], [sflag:s10] =	stream.linear.gather @!p1 [hbm4b:s15+s19], $0x400, $0x200038;
	[tilespmem:$0x1FA80] =	vst v63  }
0x1a7: {  	s11 =	sadd.s32 @!p1 $0x1CA00, s11;
	s9 =	sadd.s32 $0x1, s9;
	s0 =	sadd.s32 @!p1 s4, s0  }
0x1a8: {  	[tilespmem:s11], [sflag:s10] =	stream.linear.gather @!p1 [hbm4b:s0+s19], $0x400, $0x200038;
	[tilespmem:$0x1FA80] =	vst v63  }
0x1a9: {  	p1 =	sne.s32 s9, $0x150  }
.Ltmp9:
0x1aa: {  	_ = 	snop;
	(pc) =	sbr.rel @p1 .LBB2_18-.Ltmp9, $2  }
0x1ab: {  	_ =	sdelay $0x2  }
0x1ac: {  	p0 =	por !p0, !p0  }
0x1ad: {  	s8 =	sadd.s32 $0x1, s8  }
0x1ae: {  	p0 =	sne.s32 s8, s22  }
.Ltmp10:
0x1af: {  	_ =	strace $0x90000049;
	(pc) =	sbr.rel @p0 .LBB2_1-.Ltmp10, $4  }
0x1b0: {  	[hbm4b:s21+s3] =	stream.linear.scatter [tilespmem:s7], [sflag:$0x4], $0xA000, $0x38;
	[tilespmem:$0x1FA80] =	vst v63  }
0x1b1: {  	_ =	swait.ge [sflag:s28], $0xA000  }
0x1b2: {  	[sflag:s28] =	ssyncset.done $0x0  }
0x1b3: {  	[sflag:s28] =	ssyncadd.s32 $0xFFFF6000  }
0x1b4: {  	_ =	sfence.sel $0x180000  }
0x1b5: {  	[bflag:$0x0] =	sbarrier.arrive $0xFFFF  }
0x1b6: {  	_ =	strace $0x90000047  }
0x1b7: {  	s0 =	stileid.u32;
	[bflag:$0x2] =	sbarrier.arrive $0xFFFF  }
0x1b8: {  	p0 =	sne.s32 s0, $0x0;
	s0 =	rddreg [dreg:$0x3]  }
0x1b9: {  	s0 =	sadd.s32 @!p0 $0x100000, s0  }
0x1ba: {  	[sflag:s0] =	ssyncadd.tile.s32 @!p0 $0x1;
	_ =	shalt  }
.Lfunc_end2:
_tile_overlayer_lowered:
.L_overlay_start_2:
0x1bb: {  	(tag) =	ssettag $0x2  }
0x1bc: {  	s0 =	rddreg [dreg:$0x0];
	s2 =	stileid.u32  }
0x1bd: {  	s1 =	rddreg [dreg:$0x1];
	p0 =	sne.s32 s2, $0x0  }
0x1be: {  	s3 =	rddreg [dreg:$0x2];
	[bflag:$0x3] =	sbarrier.arrive $0xFFFF;
	s2 =	simm.s32 @!p0 $0x1C04  }
0x1bf: {  	[timem:s3], [sflag:s2] =	dma.local @!p0 [hbm:s0], s1  }
0x1c0: {  	s0 =	simm.s32 @!p0 $0x4  }
0x1c1: {  	_ =	swait.ge @!p0 [sflag:s0], s1  }
0x1c2: {  	s1 =	ssub.s32 @!p0 $0x0, s1;
	[sflag:s0] =	ssyncset.done @!p0 $0x0  }
0x1c3: {  	[sflag:s0] =	ssyncadd.s32 @!p0 s1  }
0x1c4: {  	[bflag:$0x3] =	sbarrier.arrive $0xFFFF  }
0x1c5: {  	_ =	shalt  }

</sc_bundles>
